<compile_context>
chip_gen: v7x
topology: tpu7x:2x2x1
jax: 0.10.2.dev20260603
libtpu: 0.0.44.dev20260713+nightly
codegen_flags: <defaults>
</compile_context>

<pallas_src>
import functools

import jax
import jax.numpy as jnp
from jax import lax
from jax.experimental import pallas as pl
from jax.experimental.pallas import tpu as pltpu
from jax.experimental.pallas import tpu_sc as plsc

N = 10000
E = 320000
D = 128
DE = 16
HID = 128

NC = 2
NS = 16
NW = NC * NS
C = 128
CPW = 79
EPW = CPW * C
E_PAD = NW * EPW
LAST_REAL = (E - (NW - 1) * EPW) // C
NP = 10240

f32 = jnp.float32


@functools.lru_cache(maxsize=None)
def _mesh():
    return plsc.VectorSubcoreMesh(core_axis_name="c", subcore_axis_name="s",
                                  num_cores=NC, num_subcores=NS)


def _wid_base():
    c = lax.axis_index("c")
    s = lax.axis_index("s")
    wid = s * NC + c
    return c, s, wid, wid * EPW


def _nchunks(wid):
    return jnp.where(wid == NW - 1, LAST_REAL, CPW)


def _gather_body(h_hbm, srcp_hbm, hsrc_hbm, idx_v, buf0, buf1, buf2, buf3,
                 sem0, sem1, sem2, sem3):
    _, _, wid, base = _wid_base()
    pltpu.sync_copy(srcp_hbm.at[pl.ds(wid * EPW, EPW)], idx_v)
    n = _nchunks(wid)
    sems = (sem0, sem1, sem2, sem3)
    bufs = (buf0, buf1, buf2, buf3)

    def start(j, slot):
        pltpu.async_copy(h_hbm.at[idx_v.at[pl.ds(j * C, C)]],
                         bufs[slot], sems[slot])

    def finish(j, slot):
        pltpu.make_async_copy(h_hbm.at[pl.ds(0, C)], bufs[slot],
                              sems[slot]).wait()
        pltpu.sync_copy(bufs[slot], hsrc_hbm.at[pl.ds(base + j * C, C)])

    start(0, 0)
    start(1, 1)
    start(2, 2)

    def body(i, carry):
        j = 4 * i
        start(j + 3, 3)
        finish(j, 0)

        @pl.when(j + 4 < n)
        def _():
            start(j + 4, 0)

        finish(j + 1, 1)

        @pl.when(j + 5 < n)
        def _():
            start(j + 5, 1)

        finish(j + 2, 2)

        @pl.when(j + 6 < n)
        def _():
            start(j + 6, 2)

        finish(j + 3, 3)
        return carry

    lax.fori_loop(0, (n - 3) // 4, body, 0)
    finish(n - 3, 0)
    finish(n - 2, 1)
    finish(n - 1, 2)


@functools.lru_cache(maxsize=None)
def _gather():
    return pl.kernel(
        _gather_body,
        out_type=jax.ShapeDtypeStruct((E, D), f32),
        mesh=_mesh(),
        scratch_types=[
            pltpu.VMEM((EPW,), jnp.int32),
            pltpu.VMEM((C, D), f32),
            pltpu.VMEM((C, D), f32),
            pltpu.VMEM((C, D), f32),
            pltpu.VMEM((C, D), f32),
            pltpu.SemaphoreType.DMA,
            pltpu.SemaphoreType.DMA,
            pltpu.SemaphoreType.DMA,
            pltpu.SemaphoreType.DMA,
        ],
    )


_AS = 632
_DS = NP // NS


def _scatter_body(wmsg_hbm, p_hbm, dstp_hbm, zeros_hbm, zf_hbm,
                  aggpart_hbm, denpart_hbm,
                  agg_sh, den_sh, idx_v, buf0, buf1, pbuf0, pbuf1,
                  semw0, semw1, semp0, semp1):
    c, s, wid, base = _wid_base()
    semw = (semw0, semw1)
    semp = (semp0, semp1)
    bufs = (buf0, buf1)
    pbufs = (pbuf0, pbuf1)

    def zagg(sz):
        pltpu.sync_copy(zeros_hbm.at[pl.ds(s * _AS, sz)],
                        agg_sh.at[pl.ds(s * _AS, sz)])

    @pl.when(s < NS - 1)
    def _():
        zagg(_AS)

    @pl.when(s == NS - 1)
    def _():
        zagg(N - (NS - 1) * _AS)

    pltpu.sync_copy(zf_hbm.at[pl.ds(s * _DS, _DS)],
                    den_sh.at[pl.ds(s * _DS, _DS)])
    plsc.subcore_barrier()

    pltpu.sync_copy(dstp_hbm.at[pl.ds(wid * EPW, EPW)], idx_v)
    n = _nchunks(wid)

    def start(j, slot):
        pltpu.async_copy(wmsg_hbm.at[pl.ds(base + j * C, C)],
                         bufs[slot], semw[slot])
        pltpu.async_copy(p_hbm.at[pl.ds(base + j * C, C)],
                         pbufs[slot], semp[slot])

    def finish(j, slot):
        pltpu.make_async_copy(wmsg_hbm.at[pl.ds(0, C)], bufs[slot],
                              semw[slot]).wait()
        pltpu.make_async_copy(p_hbm.at[pl.ds(0, C)], pbufs[slot],
                              semp[slot]).wait()
        pltpu.sync_copy(bufs[slot],
                        agg_sh.at[idx_v.at[pl.ds(j * C, C)]], add=True)
        pltpu.sync_copy(pbufs[slot],
                        den_sh.at[idx_v.at[pl.ds(j * C, C)]], add=True)

    start(0, 0)

    def body(i, carry):
        j0 = 2 * i
        j1 = j0 + 1
        start(j1, 1)
        finish(j0, 0)

        @pl.when(j1 + 1 < n)
        def _():
            start(j1 + 1, 0)

        finish(j1, 1)
        return carry

    lax.fori_loop(0, (n - 1) // 2, body, 0)
    finish(n - 1, 0)
    plsc.subcore_barrier()

    def wagg(sz):
        pltpu.sync_copy(agg_sh.at[pl.ds(s * _AS, sz)],
                        aggpart_hbm.at[c, pl.ds(s * _AS, sz)])

    @pl.when(s < NS - 1)
    def _():
        wagg(_AS)

    @pl.when(s == NS - 1)
    def _():
        wagg(N - (NS - 1) * _AS)

    pltpu.sync_copy(den_sh.at[pl.ds(s * _DS, _DS)],
                    denpart_hbm.at[pl.ds(c * NP + s * _DS, _DS)])


@functools.lru_cache(maxsize=None)
def _scatter():
    return pl.kernel(
        _scatter_body,
        out_type=(jax.ShapeDtypeStruct((NC, N, D), f32),
                  jax.ShapeDtypeStruct((NC * NP,), f32)),
        mesh=_mesh(),
        scratch_types=[
            pltpu.VMEM_SHARED((N, D), f32),
            pltpu.VMEM_SHARED((NP,), f32),
            pltpu.VMEM((EPW,), jnp.int32),
            pltpu.VMEM((C, D), f32),
            pltpu.VMEM((C, D), f32),
            pltpu.VMEM((C,), f32),
            pltpu.VMEM((C,), f32),
            pltpu.SemaphoreType.DMA,
            pltpu.SemaphoreType.DMA,
            pltpu.SemaphoreType.DMA,
            pltpu.SemaphoreType.DMA,
        ],
    )


def _attn_body(p_hbm, dstp_hbm, den0_hbm, den1_hbm, attn_hbm,
               den_v, dbb, idx_v, pbuf, abuf):
    _, _, wid, base = _wid_base()
    pltpu.sync_copy(den0_hbm, den_v)
    pltpu.sync_copy(den1_hbm, dbb)

    def addden(i, carry):
        sl = pl.ds(i * 16, 16)
        den_v[sl] = den_v[sl] + dbb[sl] + 1e-16
        return carry

    lax.fori_loop(0, NP // 16, addden, 0)
    pltpu.sync_copy(dstp_hbm.at[pl.ds(wid * EPW, EPW)], idx_v)

    def body(j, carry):
        pltpu.sync_copy(p_hbm.at[pl.ds(base + j * C, C)], pbuf)
        for k in range(C // 16):
            idxk = idx_v[pl.ds(j * C + k * 16, 16)]
            d = plsc.load_gather(den_v, [idxk])
            abuf[pl.ds(k * 16, 16)] = pbuf[pl.ds(k * 16, 16)] / d
        pltpu.sync_copy(abuf, attn_hbm.at[pl.ds(base + j * C, C)])
        return carry

    lax.fori_loop(0, _nchunks(wid), body, 0)


@functools.lru_cache(maxsize=None)
def _attn():
    return pl.kernel(
        _attn_body,
        out_type=jax.ShapeDtypeStruct((E,), f32),
        mesh=_mesh(),
        scratch_types=[
            pltpu.VMEM((NP,), f32),
            pltpu.VMEM((NP,), f32),
            pltpu.VMEM((EPW,), jnp.int32),
            pltpu.VMEM((C,), f32),
            pltpu.VMEM((C,), f32),
        ],
        compiler_params=pltpu.CompilerParams(needs_layout_passes=False),
    )


def _k1_body(x_ref, w_ref, h_ref):
    h_ref[...] = jnp.dot(x_ref[...], w_ref[...], preferred_element_type=f32)


def _k1(x, w_t):
    nb = 1000
    return pl.pallas_call(
        _k1_body,
        grid=(N // nb,),
        in_specs=[pl.BlockSpec((nb, D), lambda i: (i, 0)),
                  pl.BlockSpec((D, D), lambda i: (0, 0))],
        out_specs=pl.BlockSpec((nb, D), lambda i: (i, 0)),
        out_shape=jax.ShapeDtypeStruct((N, D), f32),
    )(x, w_t)


_EB = 3200


def _k3_body(hsrc_ref, eat_ref, we_ref, be_ref, av_ref, wmsg_ref, p_ref):
    eat = eat_ref[...]
    nrm = jnp.sqrt(jnp.sum(eat * eat, axis=0, keepdims=True)) + 1e-8
    ean_t = eat / nrm
    ep = lax.dot_general(ean_t, we_ref[...], (((0,), (1,)), ((), ())),
                         preferred_element_type=f32) + be_ref[...]
    msgs = jnp.tanh(hsrc_ref[...] + ep)
    att = jnp.dot(msgs, av_ref[...], preferred_element_type=f32)
    p = jnp.exp(att)
    wmsg_ref[...] = msgs * p
    att_row = lax.dot_general(av_ref[...], msgs, (((0,), (1,)), ((), ())),
                              preferred_element_type=f32)
    p_ref[...] = jnp.exp(att_row).reshape(1, 1, _EB)


def _k3(hsrc, eat, we, be, av):
    nblk = E // _EB
    return pl.pallas_call(
        _k3_body,
        grid=(nblk,),
        in_specs=[pl.BlockSpec((_EB, D), lambda i: (i, 0)),
                  pl.BlockSpec((DE, _EB), lambda i: (0, i)),
                  pl.BlockSpec((D, DE), lambda i: (0, 0)),
                  pl.BlockSpec((1, D), lambda i: (0, 0)),
                  pl.BlockSpec((D, 1), lambda i: (0, 0))],
        out_specs=[pl.BlockSpec((_EB, D), lambda i: (i, 0)),
                   pl.BlockSpec((1, 1, _EB), lambda i: (i, 0, 0))],
        out_shape=(jax.ShapeDtypeStruct((E, D), f32),
                   jax.ShapeDtypeStruct((nblk, 1, _EB), f32)),
    )(hsrc, eat, we, be, av)


_NB = 1000


def _k5a_body(h_ref, agg_ref, den0_ref, den1_ref, eps_ref, wu1_ref, bu1_ref,
              wu2_ref, bu2_ref, wo1_ref, bo1_ref,
              o1_ref, csum_ref, csq_ref):
    i = pl.program_id(0)
    den = (den0_ref[...].reshape(_NB, 1) + den1_ref[...].reshape(_NB, 1)
           + 1e-16)
    agg = (agg_ref[0] + agg_ref[1]) / den
    pre = (1.0 + eps_ref[0, 0]) * h_ref[...] + agg
    t = jnp.tanh(jnp.dot(pre, wu1_ref[...], preferred_element_type=f32)
                 + bu1_ref[...])
    u = jnp.dot(t, wu2_ref[...], preferred_element_type=f32) + bu2_ref[...]
    o1 = jnp.dot(u, wo1_ref[...], preferred_element_type=f32) + bo1_ref[...]
    o1_ref[...] = o1
    s = jnp.sum(o1, axis=0, keepdims=True)
    s2 = jnp.sum(o1 * o1, axis=0, keepdims=True)

    @pl.when(i == 0)
    def _():
        csum_ref[...] = s
        csq_ref[...] = s2

    @pl.when(i > 0)
    def _():
        csum_ref[...] = csum_ref[...] + s
        csq_ref[...] = csq_ref[...] + s2


def _k5a(h, aggpart, den0, den1, eps2, wu1t, bu1, wu2t, bu2, wo1t, bo1):
    nblk = N // _NB
    return pl.pallas_call(
        _k5a_body,
        grid=(nblk,),
        in_specs=[pl.BlockSpec((_NB, D), lambda i: (i, 0)),
                  pl.BlockSpec((NC, _NB, D), lambda i: (0, i, 0)),
                  pl.BlockSpec((1, _NB, 1), lambda i: (i, 0, 0)),
                  pl.BlockSpec((1, _NB, 1), lambda i: (i, 0, 0)),
                  pl.BlockSpec((1, 1), lambda i: (0, 0)),
                  pl.BlockSpec((D, HID), lambda i: (0, 0)),
                  pl.BlockSpec((1, HID), lambda i: (0, 0)),
                  pl.BlockSpec((HID, D), lambda i: (0, 0)),
                  pl.BlockSpec((1, D), lambda i: (0, 0)),
                  pl.BlockSpec((D, HID), lambda i: (0, 0)),
                  pl.BlockSpec((1, HID), lambda i: (0, 0))],
        out_specs=[pl.BlockSpec((_NB, HID), lambda i: (i, 0)),
                   pl.BlockSpec((1, HID), lambda i: (0, 0)),
                   pl.BlockSpec((1, HID), lambda i: (0, 0))],
        out_shape=(jax.ShapeDtypeStruct((N, HID), f32),
                   jax.ShapeDtypeStruct((1, HID), f32),
                   jax.ShapeDtypeStruct((1, HID), f32)),
    )(h, aggpart, den0, den1, eps2, wu1t, bu1, wu2t, bu2, wo1t, bo1)


def _k5b_body(o1_ref, csum_ref, csq_ref, g_ref, b_ref, wo2_ref, bo2_ref,
              out_ref):
    mean = csum_ref[...] * (1.0 / N)
    var = csq_ref[...] * (1.0 / N) - mean * mean
    rstd = 1.0 / jnp.sqrt(var + 1e-5)
    o1n = (o1_ref[...] - mean) * rstd * g_ref[...] + b_ref[...]
    out_ref[...] = (jnp.dot(jnp.tanh(o1n), wo2_ref[...],
                            preferred_element_type=f32) + bo2_ref[...])


def _k5b(o1, csum, csq, g, b, wo2t, bo2):
    nblk = N // _NB
    return pl.pallas_call(
        _k5b_body,
        grid=(nblk,),
        in_specs=[pl.BlockSpec((_NB, HID), lambda i: (i, 0)),
                  pl.BlockSpec((1, HID), lambda i: (0, 0)),
                  pl.BlockSpec((1, HID), lambda i: (0, 0)),
                  pl.BlockSpec((1, HID), lambda i: (0, 0)),
                  pl.BlockSpec((1, HID), lambda i: (0, 0)),
                  pl.BlockSpec((HID, D), lambda i: (0, 0)),
                  pl.BlockSpec((1, D), lambda i: (0, 0))],
        out_specs=pl.BlockSpec((_NB, D), lambda i: (i, 0)),
        out_shape=jax.ShapeDtypeStruct((N, D), f32),
    )(o1, csum, csq, g, b, wo2t, bo2)


def kernel(x, edge_index, edge_attr, W_init, W_edge, b_edge, eps, att_vec,
           W_u1, b_u1, W_u2, b_u2, W_o1, b_o1, bn_gamma, bn_beta, W_o2, b_o2):
    src = edge_index[0]
    dst = edge_index[1]
    srcp = jnp.pad(src, (0, E_PAD - E))
    dstf = jnp.pad(dst, (0, E_PAD - E))
    zeros = jnp.zeros((N, D), f32)

    h = _k1(x, W_init.T)
    hsrc = _gather()(h, srcp)
    wmsg, p3 = _k3(hsrc, edge_attr.T, W_edge, b_edge.reshape(1, D), att_vec)
    p = p3.reshape(E)
    aggpart, denpart = _scatter()(wmsg, p, dstf, zeros, jnp.zeros((NP,), f32))
    dp = denpart.reshape(NC, NP)
    den0 = dp[0, :N].reshape(N // _NB, _NB, 1)
    den1 = dp[1, :N].reshape(N // _NB, _NB, 1)
    o1, csum, csq = _k5a(h, aggpart, den0, den1, eps.reshape(1, 1),
                         W_u1.T, b_u1.reshape(1, HID),
                         W_u2.T, b_u2.reshape(1, D),
                         W_o1.T, b_o1.reshape(1, HID))
    out = _k5b(o1, csum, csq, bn_gamma.reshape(1, HID),
               bn_beta.reshape(1, HID), W_o2.T, b_o2.reshape(1, D))
    attn = _attn()(p, dstf, dp[0], dp[1])
    return out, attn

# --- scband reference (transcript-rebuilt; emitter-appended) ---
"""Pipeline reference for scband-gininteraction-66597762892471 (READ-ONLY COPY).

The authoritative reference and input builder live on the scoring server;
editing this copy changes nothing except your own understanding.
"""

import jax, jax.numpy as jnp
import numpy as np

N_NODES = 10000
N_EDGES = 320000
D = 128
D_EDGE = 16
HID = 128


def setup_inputs(seed: int = 0) -> dict:
    key = jax.random.key(seed)
    ks = jax.random.split(key, 12)
    s = 0.05
    inp = {}
    inp["x"] = jax.random.normal(ks[0], (N_NODES, D), dtype=jnp.float32)
    inp["edge_index"] = jax.random.randint(ks[1], (2, N_EDGES), 0, N_NODES, dtype=jnp.int32)
    inp["edge_attr"] = jax.random.uniform(ks[2], (N_EDGES, D_EDGE), dtype=jnp.float32)
    inp["W_init"] = jax.random.normal(ks[3], (D, D), dtype=jnp.float32) * s
    inp["W_edge"] = jax.random.normal(ks[4], (D, D_EDGE), dtype=jnp.float32) * s
    inp["b_edge"] = jnp.zeros((D,), dtype=jnp.float32)
    inp["eps"] = jnp.zeros((1,), dtype=jnp.float32)
    inp["att_vec"] = jax.random.normal(ks[5], (D, 1), dtype=jnp.float32) * 0.1
    inp["W_u1"] = jax.random.normal(ks[6], (HID, D), dtype=jnp.float32) * s
    inp["b_u1"] = jnp.zeros((HID,), dtype=jnp.float32)
    inp["W_u2"] = jax.random.normal(ks[7], (D, HID), dtype=jnp.float32) * s
    inp["b_u2"] = jnp.zeros((D,), dtype=jnp.float32)
    inp["W_o1"] = jax.random.normal(ks[8], (HID, D), dtype=jnp.float32) * s
    inp["b_o1"] = jnp.zeros((HID,), dtype=jnp.float32)
    inp["bn_gamma"] = jnp.ones((HID,), dtype=jnp.float32)
    inp["bn_beta"] = jnp.zeros((HID,), dtype=jnp.float32)
    inp["W_o2"] = jax.random.normal(ks[9], (D, HID), dtype=jnp.float32) * s
    inp["b_o2"] = jnp.zeros((D,), dtype=jnp.float32)
    return inp


def _forward(x, edge_attr, W_init, W_edge, b_edge, eps, att_vec, W_u1, b_u1, W_u2, b_u2, W_o1, b_o1, bn_gamma, bn_beta, W_o2, b_o2, edge_index):
    src = edge_index[0]
    dst = edge_index[1]
    # initial_dense (no bias)
    h = x @ W_init.T
    # edge_attr normalization
    ea = edge_attr / (jnp.linalg.norm(edge_attr, axis=-1, keepdims=True) + 1e-08)
    # message: tanh(x_j + edge_projection(edge_attr))
    edge_proj = ea @ W_edge.T + b_edge
    msgs = jnp.tanh(h[src] + edge_proj)
    # attention over incoming edges of each dst node (PyG softmax)
    att = jnp.squeeze(msgs @ att_vec, -1)
    amax = jax.ops.segment_max(att, dst, num_segments=N_NODES)
    amax = jnp.where(jnp.isfinite(amax), amax, 0.0)
    att_exp = jnp.exp(att - amax[dst])
    denom = jax.ops.segment_sum(att_exp, dst, num_segments=N_NODES)
    attn = att_exp / (denom[dst] + 1e-16)
    # aggregate (scatter-add)
    agg = jax.ops.segment_sum(msgs * attn[:, None], dst, num_segments=N_NODES)
    # GIN update: update_mlp((1+eps)*x + agg); update_mlp = lin -> tanh -> lin (norm=None, plain_last)
    pre = (1.0 + eps) * h + agg
    u = jnp.tanh(pre @ W_u1.T + b_u1) @ W_u2.T + b_u2
    # output_layer MLP: lin -> batchnorm(train) -> tanh -> lin (PyG MLP default norm)
    o1 = u @ W_o1.T + b_o1
    mean = jnp.mean(o1, axis=0)
    var = jnp.var(o1, axis=0)
    o1n = (o1 - mean) / jnp.sqrt(var + 1e-05) * bn_gamma + bn_beta
    out = jnp.tanh(o1n) @ W_o2.T + b_o2
    return (out, attn)


def reference(x, edge_index, edge_attr, W_init, W_edge, b_edge, eps, att_vec, W_u1, b_u1, W_u2, b_u2, W_o1, b_o1, bn_gamma, bn_beta, W_o2, b_o2):
    return _forward(x, edge_attr, W_init, W_edge, b_edge, eps, att_vec, W_u1, b_u1, W_u2, b_u2, W_o1, b_o1, bn_gamma, bn_beta, W_o2, b_o2, edge_index)

if __name__ == "__main__":
    import jax
    _d = setup_inputs()
    print(jax.jit(kernel)(*tuple(_d.values())))

</pallas_src>

<mosaic_0001>
#map = affine_map<(d0, d1) -> (0, 0)>
#map1 = affine_map<(d0, d1) -> (0)>
#map2 = affine_map<(d0, d1) -> (0, 0, 0)>
module attributes {stable_mosaic.version = 14 : i64} {
  func.func @_scatter_body(%arg0: i32, %arg1: i32, %arg2: memref<320000x128xf32, #tpu.memory_space<hbm>>, %arg3: memref<320000xf32, #tpu.memory_space<hbm>>, %arg4: memref<323584xi32, #tpu.memory_space<hbm>>, %arg5: memref<10000x128xf32, #tpu.memory_space<hbm>>, %arg6: memref<10240xf32, #tpu.memory_space<hbm>>, %arg7: memref<2x10000x128xf32, #tpu.memory_space<hbm>>, %arg8: memref<20480xf32, #tpu.memory_space<hbm>>, %arg9: memref<10000x128xf32, #tpu.memory_space<vmem_shared>>, %arg10: memref<10240xf32, #tpu.memory_space<vmem_shared>>, %arg11: memref<10112xi32, #tpu.memory_space<vmem>>, %arg12: memref<128x128xf32, #tpu.memory_space<vmem>>, %arg13: memref<128x128xf32, #tpu.memory_space<vmem>>, %arg14: memref<128xf32, #tpu.memory_space<vmem>>, %arg15: memref<128xf32, #tpu.memory_space<vmem>>, %arg16: memref<!tpu.dma_semaphore, #tpu.memory_space<semaphore_mem>>, %arg17: memref<!tpu.dma_semaphore, #tpu.memory_space<semaphore_mem>>, %arg18: memref<!tpu.dma_semaphore, #tpu.memory_space<semaphore_mem>>, %arg19: memref<!tpu.dma_semaphore, #tpu.memory_space<semaphore_mem>>) attributes {dimension_semantics = [#tpu.dimension_semantics<core_parallel>, #tpu.dimension_semantics<subcore_parallel>], iteration_bounds = array<i64: 2, 16>, scalar_prefetch = 0 : i64, scratch_operands = 11 : i64, tpu.core_type = #tpu.core_type<sc_vector_subcore>, window_params = [{transform_indices = #map}, {transform_indices = #map1}, {transform_indices = #map1}, {transform_indices = #map}, {transform_indices = #map1}, {transform_indices = #map2}, {transform_indices = #map1}]} {
    %mul3A = arith.constant 2 : i32
    %mul3A_0 = arith.muli %arg1, %mul3A : i32
    %add3A = arith.addi %mul3A_0, %arg0 : i32
    %mul3A_1 = arith.constant 10112 : i32
    %mul3A_2 = arith.muli %add3A, %mul3A_1 : i32
    %lt3A = arith.constant 15 : i32
    %lt3A_3 = arith.cmpi slt, %arg1, %lt3A : i32
    %convert_element_type3A = arith.extui %lt3A_3 : i1 to i32
    %cond3A = arith.constant 0 : i32
    %cond3A_4 = arith.cmpi ne, %convert_element_type3A, %cond3A : i32
    scf.if %cond3A_4 {
      %mul3A_89 = arith.constant 632 : i32
      %mul3A_90 = arith.muli %arg1, %mul3A_89 : i32
      %mul3A_91 = arith.constant 632 : i32
      %mul3A_92 = arith.muli %arg1, %mul3A_91 : i32
      "tpu.region"() ({
        %run_scoped3A = tpu.sem_alloc : memref<!tpu.dma_semaphore, #tpu.memory_space<semaphore_mem>>
        %dma_start3A_93 = arith.constant 0 : i32
        %dma_start3A_94 = tpu.memref_slice %arg9[%mul3A_92, %dma_start3A_93] : memref<10000x128xf32, #tpu.memory_space<vmem_shared>> -> memref<632x128xf32, #tpu.memory_space<vmem_shared>>
        %dma_start3A_95 = arith.constant 0 : i32
        %dma_start3A_96 = tpu.memref_slice %arg5[%mul3A_90, %dma_start3A_95] : memref<10000x128xf32, #tpu.memory_space<hbm>> -> memref<632x128xf32, #tpu.memory_space<hbm>>
        tpu.enqueue_dma source(%dma_start3A_96 : memref<632x128xf32, #tpu.memory_space<hbm>>) target(%dma_start3A_94 : memref<632x128xf32, #tpu.memory_space<vmem_shared>>) target_semaphore(%run_scoped3A : memref<!tpu.dma_semaphore, #tpu.memory_space<semaphore_mem>>)
        %dma_wait3A_97 = arith.constant 0 : i32
        %dma_wait3A_98 = tpu.memref_slice %arg9[%mul3A_92, %dma_wait3A_97] : memref<10000x128xf32, #tpu.memory_space<vmem_shared>> -> memref<632x128xf32, #tpu.memory_space<vmem_shared>>
        %dma_wait3A_99 = arith.constant 0 : i32
        %dma_wait3A_100 = tpu.memref_slice %arg5[%mul3A_90, %dma_wait3A_99] : memref<10000x128xf32, #tpu.memory_space<hbm>> -> memref<632x128xf32, #tpu.memory_space<hbm>>
        tpu.wait_dma2 semaphore(%run_scoped3A : memref<!tpu.dma_semaphore, #tpu.memory_space<semaphore_mem>>) src(%dma_wait3A_100 : memref<632x128xf32, #tpu.memory_space<hbm>>) dst(%dma_wait3A_98 : memref<632x128xf32, #tpu.memory_space<vmem_shared>>)
        tpu.yield
      }) : () -> ()
    } else {
    }
    %eq3A = arith.constant 15 : i32
    %eq3A_5 = arith.cmpi eq, %arg1, %eq3A : i32
    %convert_element_type3A_6 = arith.extui %eq3A_5 : i1 to i32
    %cond3A_7 = arith.constant 0 : i32
    %cond3A_8 = arith.cmpi ne, %convert_element_type3A_6, %cond3A_7 : i32
    scf.if %cond3A_8 {
      %mul3A_89 = arith.constant 632 : i32
      %mul3A_90 = arith.muli %arg1, %mul3A_89 : i32
      %mul3A_91 = arith.constant 632 : i32
      %mul3A_92 = arith.muli %arg1, %mul3A_91 : i32
      "tpu.region"() ({
        %run_scoped3A = tpu.sem_alloc : memref<!tpu.dma_semaphore, #tpu.memory_space<semaphore_mem>>
        %dma_start3A_93 = arith.constant 0 : i32
        %dma_start3A_94 = tpu.memref_slice %arg9[%mul3A_92, %dma_start3A_93] : memref<10000x128xf32, #tpu.memory_space<vmem_shared>> -> memref<520x128xf32, #tpu.memory_space<vmem_shared>>
        %dma_start3A_95 = arith.constant 0 : i32
        %dma_start3A_96 = tpu.memref_slice %arg5[%mul3A_90, %dma_start3A_95] : memref<10000x128xf32, #tpu.memory_space<hbm>> -> memref<520x128xf32, #tpu.memory_space<hbm>>
        tpu.enqueue_dma source(%dma_start3A_96 : memref<520x128xf32, #tpu.memory_space<hbm>>) target(%dma_start3A_94 : memref<520x128xf32, #tpu.memory_space<vmem_shared>>) target_semaphore(%run_scoped3A : memref<!tpu.dma_semaphore, #tpu.memory_space<semaphore_mem>>)
        %dma_wait3A_97 = arith.constant 0 : i32
        %dma_wait3A_98 = tpu.memref_slice %arg9[%mul3A_92, %dma_wait3A_97] : memref<10000x128xf32, #tpu.memory_space<vmem_shared>> -> memref<520x128xf32, #tpu.memory_space<vmem_shared>>
        %dma_wait3A_99 = arith.constant 0 : i32
        %dma_wait3A_100 = tpu.memref_slice %arg5[%mul3A_90, %dma_wait3A_99] : memref<10000x128xf32, #tpu.memory_space<hbm>> -> memref<520x128xf32, #tpu.memory_space<hbm>>
        tpu.wait_dma2 semaphore(%run_scoped3A : memref<!tpu.dma_semaphore, #tpu.memory_space<semaphore_mem>>) src(%dma_wait3A_100 : memref<520x128xf32, #tpu.memory_space<hbm>>) dst(%dma_wait3A_98 : memref<520x128xf32, #tpu.memory_space<vmem_shared>>)
        tpu.yield
      }) : () -> ()
    } else {
    }
    %mul3A_9 = arith.constant 640 : i32
    %mul3A_10 = arith.muli %arg1, %mul3A_9 : i32
    %mul3A_11 = arith.constant 640 : i32
    %mul3A_12 = arith.muli %arg1, %mul3A_11 : i32
    "tpu.region"() ({
      %run_scoped3A = tpu.sem_alloc : memref<!tpu.dma_semaphore, #tpu.memory_space<semaphore_mem>>
      %dma_start3A_89 = tpu.memref_slice %arg10[%mul3A_12] : memref<10240xf32, #tpu.memory_space<vmem_shared>> -> memref<640xf32, #tpu.memory_space<vmem_shared>>
      %dma_start3A_90 = tpu.memref_slice %arg6[%mul3A_10] : memref<10240xf32, #tpu.memory_space<hbm>> -> memref<640xf32, #tpu.memory_space<hbm>>
      tpu.enqueue_dma source(%dma_start3A_90 : memref<640xf32, #tpu.memory_space<hbm>>) target(%dma_start3A_89 : memref<640xf32, #tpu.memory_space<vmem_shared>>) target_semaphore(%run_scoped3A : memref<!tpu.dma_semaphore, #tpu.memory_space<semaphore_mem>>)
      %dma_wait3A_91 = tpu.memref_slice %arg10[%mul3A_12] : memref<10240xf32, #tpu.memory_space<vmem_shared>> -> memref<640xf32, #tpu.memory_space<vmem_shared>>
      %dma_wait3A_92 = tpu.memref_slice %arg6[%mul3A_10] : memref<10240xf32, #tpu.memory_space<hbm>> -> memref<640xf32, #tpu.memory_space<hbm>>
      tpu.wait_dma2 semaphore(%run_scoped3A : memref<!tpu.dma_semaphore, #tpu.memory_space<semaphore_mem>>) src(%dma_wait3A_92 : memref<640xf32, #tpu.memory_space<hbm>>) dst(%dma_wait3A_91 : memref<640xf32, #tpu.memory_space<vmem_shared>>)
      tpu.yield
    }) : () -> ()
    %barrier3A = arith.constant 0 : index
    tpu.barrier barrier_id(%barrier3A)
    %mul3A_13 = arith.constant 10112 : i32
    %mul3A_14 = arith.muli %add3A, %mul3A_13 : i32
    "tpu.region"() ({
      %run_scoped3A = tpu.sem_alloc : memref<!tpu.dma_semaphore, #tpu.memory_space<semaphore_mem>>
      %dma_start3A_89 = tpu.memref_slice %arg4[%mul3A_14] : memref<323584xi32, #tpu.memory_space<hbm>> -> memref<10112xi32, #tpu.memory_space<hbm>>
      %dma_start3A_90 = tpu.memref_slice %arg4[%mul3A_14] : memref<323584xi32, #tpu.memory_space<hbm>> -> memref<10112xi32, #tpu.memory_space<hbm>>
      tpu.enqueue_dma source(%dma_start3A_90 : memref<10112xi32, #tpu.memory_space<hbm>>) target(%arg11 : memref<10112xi32, #tpu.memory_space<vmem>>) target_semaphore(%run_scoped3A : memref<!tpu.dma_semaphore, #tpu.memory_space<semaphore_mem>>)
      %dma_wait3A_91 = tpu.memref_slice %arg4[%mul3A_14] : memref<323584xi32, #tpu.memory_space<hbm>> -> memref<10112xi32, #tpu.memory_space<hbm>>
      %dma_wait3A_92 = tpu.memref_slice %arg4[%mul3A_14] : memref<323584xi32, #tpu.memory_space<hbm>> -> memref<10112xi32, #tpu.memory_space<hbm>>
      tpu.wait_dma2 semaphore(%run_scoped3A : memref<!tpu.dma_semaphore, #tpu.memory_space<semaphore_mem>>) src(%dma_wait3A_92 : memref<10112xi32, #tpu.memory_space<hbm>>) dst(%arg11 : memref<10112xi32, #tpu.memory_space<vmem>>)
      tpu.yield
    }) : () -> ()
    %eq3A_15 = arith.constant 31 : i32
    %eq3A_16 = arith.cmpi eq, %add3A, %eq3A_15 : i32
    %jit3A = arith.constant 51 : i32
    %jit3A_17 = arith.constant 79 : i32
    %select_n3A = arith.select %eq3A_16, %jit3A, %jit3A_17 : i32
    %add3A_18 = arith.constant 0 : i32
    %add3A_19 = arith.addi %mul3A_2, %add3A_18 : i32
    %dma_start3A = arith.constant 0 : i32
    %dma_start3A_20 = tpu.memref_slice %arg2[%add3A_19, %dma_start3A] : memref<320000x128xf32, #tpu.memory_space<hbm>> -> memref<128x128xf32, #tpu.memory_space<hbm>>
    %dma_start3A_21 = arith.constant 0 : i32
    %dma_start3A_22 = tpu.memref_slice %arg2[%add3A_19, %dma_start3A_21] : memref<320000x128xf32, #tpu.memory_space<hbm>> -> memref<128x128xf32, #tpu.memory_space<hbm>>
    tpu.enqueue_dma source(%dma_start3A_22 : memref<128x128xf32, #tpu.memory_space<hbm>>) target(%arg12 : memref<128x128xf32, #tpu.memory_space<vmem>>) target_semaphore(%arg16 : memref<!tpu.dma_semaphore, #tpu.memory_space<semaphore_mem>>)
    %add3A_23 = arith.constant 0 : i32
    %add3A_24 = arith.addi %mul3A_2, %add3A_23 : i32
    %dma_start3A_25 = tpu.memref_slice %arg3[%add3A_24] : memref<320000xf32, #tpu.memory_space<hbm>> -> memref<128xf32, #tpu.memory_space<hbm>>
    %dma_start3A_26 = tpu.memref_slice %arg3[%add3A_24] : memref<320000xf32, #tpu.memory_space<hbm>> -> memref<128xf32, #tpu.memory_space<hbm>>
    tpu.enqueue_dma source(%dma_start3A_26 : memref<128xf32, #tpu.memory_space<hbm>>) target(%arg14 : memref<128xf32, #tpu.memory_space<vmem>>) target_semaphore(%arg18 : memref<!tpu.dma_semaphore, #tpu.memory_space<semaphore_mem>>)
    %sub3A = arith.constant 1 : i32
    %sub3A_27 = arith.subi %select_n3A, %sub3A : i32
    %jit3A_28 = arith.constant 2 : i32
    %div3A = arith.divsi %sub3A_27, %jit3A_28 : i32
    %sign3A = arith.constant 0 : i32
    %sign3A_29 = arith.cmpi sgt, %sub3A_27, %sign3A : i32
    %sign3A_30 = arith.extui %sign3A_29 : i1 to i32
    %sign3A_31 = arith.constant 0 : i32
    %sign3A_32 = arith.cmpi slt, %sub3A_27, %sign3A_31 : i32
    %sign3A_33 = arith.extui %sign3A_32 : i1 to i32
    %sign3A_34 = arith.subi %sign3A_30, %sign3A_33 : i32
    %sign3A_35 = arith.constant 0 : i32
    %sign3A_36 = arith.cmpi sgt, %jit3A_28, %sign3A_35 : i32
    %sign3A_37 = arith.extui %sign3A_36 : i1 to i32
    %sign3A_38 = arith.constant 0 : i32
    %sign3A_39 = arith.cmpi slt, %jit3A_28, %sign3A_38 : i32
    %sign3A_40 = arith.extui %sign3A_39 : i1 to i32
    %sign3A_41 = arith.subi %sign3A_37, %sign3A_40 : i32
    %ne3A = arith.cmpi ne, %sign3A_34, %sign3A_41 : i32
    %rem3A = arith.remsi %sub3A_27, %jit3A_28 : i32
    %ne3A_42 = arith.constant 0 : i32
    %ne3A_43 = arith.cmpi ne, %rem3A, %ne3A_42 : i32
    %and3A = arith.andi %ne3A, %ne3A_43 : i1
    %sub3A_44 = arith.constant 1 : i32
    %sub3A_45 = arith.subi %div3A, %sub3A_44 : i32
    %select_n3A_46 = arith.select %and3A, %sub3A_45, %div3A : i32
    %while3A = arith.constant 0 : i32
    %while3A_47 = arith.constant 0 : i32
    %while3A_48 = arith.subi %select_n3A_46, %while3A_47 : i32
    %while3A_49 = arith.addi %while3A_47, %while3A_48 : i32
    %while3A_50 = arith.constant 1 : i32
    %while3A_51 = arith.divsi %while3A_48, %while3A_50 : i32
    %while3A_52 = arith.muli %while3A_51, %while3A_50 : i32
    %while3A_53 = arith.addi %while3A_47, %while3A_52 : i32
    %while3A_54 = arith.constant 1 : i32
    scf.for %while3A_89 = %while3A_47 to %while3A_53 step %while3A_54  : i32 {
      %mul3A_90 = arith.constant 2 : i32
      %mul3A_91 = arith.muli %mul3A_90, %while3A_89 : i32
      %add3A_92 = arith.constant 1 : i32
      %add3A_93 = arith.addi %mul3A_91, %add3A_92 : i32
      %mul3A_94 = arith.constant 128 : i32
      %mul3A_95 = arith.muli %add3A_93, %mul3A_94 : i32
      %add3A_96 = arith.addi %mul3A_2, %mul3A_95 : i32
      %dma_start3A_97 = arith.constant 0 : i32
      %dma_start3A_98 = tpu.memref_slice %arg2[%add3A_96, %dma_start3A_97] : memref<320000x128xf32, #tpu.memory_space<hbm>> -> memref<128x128xf32, #tpu.memory_space<hbm>>
      %dma_start3A_99 = arith.constant 0 : i32
      %dma_start3A_100 = tpu.memref_slice %arg2[%add3A_96, %dma_start3A_99] : memref<320000x128xf32, #tpu.memory_space<hbm>> -> memref<128x128xf32, #tpu.memory_space<hbm>>
      tpu.enqueue_dma source(%dma_start3A_100 : memref<128x128xf32, #tpu.memory_space<hbm>>) target(%arg13 : memref<128x128xf32, #tpu.memory_space<vmem>>) target_semaphore(%arg17 : memref<!tpu.dma_semaphore, #tpu.memory_space<semaphore_mem>>)
      %mul3A_101 = arith.constant 128 : i32
      %mul3A_102 = arith.muli %add3A_93, %mul3A_101 : i32
      %add3A_103 = arith.addi %mul3A_2, %mul3A_102 : i32
      %dma_start3A_104 = tpu.memref_slice %arg3[%add3A_103] : memref<320000xf32, #tpu.memory_space<hbm>> -> memref<128xf32, #tpu.memory_space<hbm>>
      %dma_start3A_105 = tpu.memref_slice %arg3[%add3A_103] : memref<320000xf32, #tpu.memory_space<hbm>> -> memref<128xf32, #tpu.memory_space<hbm>>
      tpu.enqueue_dma source(%dma_start3A_105 : memref<128xf32, #tpu.memory_space<hbm>>) target(%arg15 : memref<128xf32, #tpu.memory_space<vmem>>) target_semaphore(%arg19 : memref<!tpu.dma_semaphore, #tpu.memory_space<semaphore_mem>>)
      %dma_wait3A_106 = arith.constant 0 : i32
      %dma_wait3A_107 = arith.constant 0 : i32
      %dma_wait3A_108 = tpu.memref_slice %arg2[%dma_wait3A_106, %dma_wait3A_107] : memref<320000x128xf32, #tpu.memory_space<hbm>> -> memref<128x128xf32, #tpu.memory_space<hbm>>
      %dma_wait3A_109 = arith.constant 0 : i32
      %dma_wait3A_110 = arith.constant 0 : i32
      %dma_wait3A_111 = tpu.memref_slice %arg2[%dma_wait3A_109, %dma_wait3A_110] : memref<320000x128xf32, #tpu.memory_space<hbm>> -> memref<128x128xf32, #tpu.memory_space<hbm>>
      tpu.wait_dma2 semaphore(%arg16 : memref<!tpu.dma_semaphore, #tpu.memory_space<semaphore_mem>>) src(%dma_wait3A_111 : memref<128x128xf32, #tpu.memory_space<hbm>>) dst(%arg12 : memref<128x128xf32, #tpu.memory_space<vmem>>)
      %dma_wait3A_112 = arith.constant 0 : i32
      %dma_wait3A_113 = tpu.memref_slice %arg3[%dma_wait3A_112] : memref<320000xf32, #tpu.memory_space<hbm>> -> memref<128xf32, #tpu.memory_space<hbm>>
      %dma_wait3A_114 = arith.constant 0 : i32
      %dma_wait3A_115 = tpu.memref_slice %arg3[%dma_wait3A_114] : memref<320000xf32, #tpu.memory_space<hbm>> -> memref<128xf32, #tpu.memory_space<hbm>>
      tpu.wait_dma2 semaphore(%arg18 : memref<!tpu.dma_semaphore, #tpu.memory_space<semaphore_mem>>) src(%dma_wait3A_115 : memref<128xf32, #tpu.memory_space<hbm>>) dst(%arg14 : memref<128xf32, #tpu.memory_space<vmem>>)
      %mul3A_116 = arith.constant 128 : i32
      %mul3A_117 = arith.muli %mul3A_91, %mul3A_116 : i32
      "tpu.region"() ({
        %run_scoped3A = tpu.sem_alloc : memref<!tpu.dma_semaphore, #tpu.memory_space<semaphore_mem>>
        %dma_start3A_140 = tpu.memref_slice %arg11[%mul3A_117] : memref<10112xi32, #tpu.memory_space<vmem>> -> memref<128xi32, #tpu.memory_space<vmem>>
        %dma_start3A_141 = arith.constant 0 : i32
        %dma_start3A_142 = arith.constant 0 : i32
        %dma_start3A_143 = tpu.memref_slice %arg9[%dma_start3A_141, %dma_start3A_142] : memref<10000x128xf32, #tpu.memory_space<vmem_shared>> -> memref<10000x128xf32, #tpu.memory_space<vmem_shared>>
        tpu.enqueue_indirect_dma source(%arg12 : memref<128x128xf32, #tpu.memory_space<vmem>>) target(%dma_start3A_143 : memref<10000x128xf32, #tpu.memory_space<vmem_shared>>) offsets(%dma_start3A_140 : memref<128xi32, #tpu.memory_space<vmem>>) semaphore(%run_scoped3A : memref<!tpu.dma_semaphore, #tpu.memory_space<semaphore_mem>>) {add = true}
        %dma_wait3A_144 = tpu.memref_slice %arg11[%mul3A_117] : memref<10112xi32, #tpu.memory_space<vmem>> -> memref<128xi32, #tpu.memory_space<vmem>>
        %dma_wait3A_145 = arith.constant 0 : i32
        %dma_wait3A_146 = arith.constant 0 : i32
        %dma_wait3A_147 = tpu.memref_slice %arg9[%dma_wait3A_145, %dma_wait3A_146] : memref<10000x128xf32, #tpu.memory_space<vmem_shared>> -> memref<10000x128xf32, #tpu.memory_space<vmem_shared>>
        tpu.wait_indirect_dma semaphore(%run_scoped3A : memref<!tpu.dma_semaphore, #tpu.memory_space<semaphore_mem>>) src(%arg12 : memref<128x128xf32, #tpu.memory_space<vmem>>) dst(%dma_wait3A_147 : memref<10000x128xf32, #tpu.memory_space<vmem_shared>>)
        tpu.yield
      }) : () -> ()
      %mul3A_118 = arith.constant 128 : i32
      %mul3A_119 = arith.muli %mul3A_91, %mul3A_118 : i32
      "tpu.region"() ({
        %run_scoped3A = tpu.sem_alloc : memref<!tpu.dma_semaphore, #tpu.memory_space<semaphore_mem>>
        %dma_start3A_140 = tpu.memref_slice %arg11[%mul3A_119] : memref<10112xi32, #tpu.memory_space<vmem>> -> memref<128xi32, #tpu.memory_space<vmem>>
        %dma_start3A_141 = arith.constant 0 : i32
        %dma_start3A_142 = tpu.memref_slice %arg10[%dma_start3A_141] : memref<10240xf32, #tpu.memory_space<vmem_shared>> -> memref<10240xf32, #tpu.memory_space<vmem_shared>>
        tpu.enqueue_indirect_dma source(%arg14 : memref<128xf32, #tpu.memory_space<vmem>>) target(%dma_start3A_142 : memref<10240xf32, #tpu.memory_space<vmem_shared>>) offsets(%dma_start3A_140 : memref<128xi32, #tpu.memory_space<vmem>>) semaphore(%run_scoped3A : memref<!tpu.dma_semaphore, #tpu.memory_space<semaphore_mem>>) {add = true}
        %dma_wait3A_143 = tpu.memref_slice %arg11[%mul3A_119] : memref<10112xi32, #tpu.memory_space<vmem>> -> memref<128xi32, #tpu.memory_space<vmem>>
        %dma_wait3A_144 = arith.constant 0 : i32
        %dma_wait3A_145 = tpu.memref_slice %arg10[%dma_wait3A_144] : memref<10240xf32, #tpu.memory_space<vmem_shared>> -> memref<10240xf32, #tpu.memory_space<vmem_shared>>
        tpu.wait_indirect_dma semaphore(%run_scoped3A : memref<!tpu.dma_semaphore, #tpu.memory_space<semaphore_mem>>) src(%arg14 : memref<128xf32, #tpu.memory_space<vmem>>) dst(%dma_wait3A_145 : memref<10240xf32, #tpu.memory_space<vmem_shared>>)
        tpu.yield
      }) : () -> ()
      %add3A_120 = arith.constant 1 : i32
      %add3A_121 = arith.addi %add3A_93, %add3A_120 : i32
      %lt3A_122 = arith.cmpi slt, %add3A_121, %select_n3A : i32
      %convert_element_type3A_123 = arith.extui %lt3A_122 : i1 to i32
      %cond3A_124 = arith.constant 0 : i32
      %cond3A_125 = arith.cmpi ne, %convert_element_type3A_123, %cond3A_124 : i32
      scf.if %cond3A_125 {
        %add3A_140 = arith.constant 1 : i32
        %add3A_141 = arith.addi %add3A_93, %add3A_140 : i32
        %mul3A_142 = arith.constant 128 : i32
        %mul3A_143 = arith.muli %add3A_141, %mul3A_142 : i32
        %add3A_144 = arith.addi %mul3A_2, %mul3A_143 : i32
        %dma_start3A_145 = arith.constant 0 : i32
        %dma_start3A_146 = tpu.memref_slice %arg2[%add3A_144, %dma_start3A_145] : memref<320000x128xf32, #tpu.memory_space<hbm>> -> memref<128x128xf32, #tpu.memory_space<hbm>>
        %dma_start3A_147 = arith.constant 0 : i32
        %dma_start3A_148 = tpu.memref_slice %arg2[%add3A_144, %dma_start3A_147] : memref<320000x128xf32, #tpu.memory_space<hbm>> -> memref<128x128xf32, #tpu.memory_space<hbm>>
        tpu.enqueue_dma source(%dma_start3A_148 : memref<128x128xf32, #tpu.memory_space<hbm>>) target(%arg12 : memref<128x128xf32, #tpu.memory_space<vmem>>) target_semaphore(%arg16 : memref<!tpu.dma_semaphore, #tpu.memory_space<semaphore_mem>>)
        %mul3A_149 = arith.constant 128 : i32
        %mul3A_150 = arith.muli %add3A_141, %mul3A_149 : i32
        %add3A_151 = arith.addi %mul3A_2, %mul3A_150 : i32
        %dma_start3A_152 = tpu.memref_slice %arg3[%add3A_151] : memref<320000xf32, #tpu.memory_space<hbm>> -> memref<128xf32, #tpu.memory_space<hbm>>
        %dma_start3A_153 = tpu.memref_slice %arg3[%add3A_151] : memref<320000xf32, #tpu.memory_space<hbm>> -> memref<128xf32, #tpu.memory_space<hbm>>
        tpu.enqueue_dma source(%dma_start3A_153 : memref<128xf32, #tpu.memory_space<hbm>>) target(%arg14 : memref<128xf32, #tpu.memory_space<vmem>>) target_semaphore(%arg18 : memref<!tpu.dma_semaphore, #tpu.memory_space<semaphore_mem>>)
      } else {
      }
      %dma_wait3A_126 = arith.constant 0 : i32
      %dma_wait3A_127 = arith.constant 0 : i32
      %dma_wait3A_128 = tpu.memref_slice %arg2[%dma_wait3A_126, %dma_wait3A_127] : memref<320000x128xf32, #tpu.memory_space<hbm>> -> memref<128x128xf32, #tpu.memory_space<hbm>>
      %dma_wait3A_129 = arith.constant 0 : i32
      %dma_wait3A_130 = arith.constant 0 : i32
      %dma_wait3A_131 = tpu.memref_slice %arg2[%dma_wait3A_129, %dma_wait3A_130] : memref<320000x128xf32, #tpu.memory_space<hbm>> -> memref<128x128xf32, #tpu.memory_space<hbm>>
      tpu.wait_dma2 semaphore(%arg17 : memref<!tpu.dma_semaphore, #tpu.memory_space<semaphore_mem>>) src(%dma_wait3A_131 : memref<128x128xf32, #tpu.memory_space<hbm>>) dst(%arg13 : memref<128x128xf32, #tpu.memory_space<vmem>>)
      %dma_wait3A_132 = arith.constant 0 : i32
      %dma_wait3A_133 = tpu.memref_slice %arg3[%dma_wait3A_132] : memref<320000xf32, #tpu.memory_space<hbm>> -> memref<128xf32, #tpu.memory_space<hbm>>
      %dma_wait3A_134 = arith.constant 0 : i32
      %dma_wait3A_135 = tpu.memref_slice %arg3[%dma_wait3A_134] : memref<320000xf32, #tpu.memory_space<hbm>> -> memref<128xf32, #tpu.memory_space<hbm>>
      tpu.wait_dma2 semaphore(%arg19 : memref<!tpu.dma_semaphore, #tpu.memory_space<semaphore_mem>>) src(%dma_wait3A_135 : memref<128xf32, #tpu.memory_space<hbm>>) dst(%arg15 : memref<128xf32, #tpu.memory_space<vmem>>)
      %mul3A_136 = arith.constant 128 : i32
      %mul3A_137 = arith.muli %add3A_93, %mul3A_136 : i32
      "tpu.region"() ({
        %run_scoped3A = tpu.sem_alloc : memref<!tpu.dma_semaphore, #tpu.memory_space<semaphore_mem>>
        %dma_start3A_140 = tpu.memref_slice %arg11[%mul3A_137] : memref<10112xi32, #tpu.memory_space<vmem>> -> memref<128xi32, #tpu.memory_space<vmem>>
        %dma_start3A_141 = arith.constant 0 : i32
        %dma_start3A_142 = arith.constant 0 : i32
        %dma_start3A_143 = tpu.memref_slice %arg9[%dma_start3A_141, %dma_start3A_142] : memref<10000x128xf32, #tpu.memory_space<vmem_shared>> -> memref<10000x128xf32, #tpu.memory_space<vmem_shared>>
        tpu.enqueue_indirect_dma source(%arg13 : memref<128x128xf32, #tpu.memory_space<vmem>>) target(%dma_start3A_143 : memref<10000x128xf32, #tpu.memory_space<vmem_shared>>) offsets(%dma_start3A_140 : memref<128xi32, #tpu.memory_space<vmem>>) semaphore(%run_scoped3A : memref<!tpu.dma_semaphore, #tpu.memory_space<semaphore_mem>>) {add = true}
        %dma_wait3A_144 = tpu.memref_slice %arg11[%mul3A_137] : memref<10112xi32, #tpu.memory_space<vmem>> -> memref<128xi32, #tpu.memory_space<vmem>>
        %dma_wait3A_145 = arith.constant 0 : i32
        %dma_wait3A_146 = arith.constant 0 : i32
        %dma_wait3A_147 = tpu.memref_slice %arg9[%dma_wait3A_145, %dma_wait3A_146] : memref<10000x128xf32, #tpu.memory_space<vmem_shared>> -> memref<10000x128xf32, #tpu.memory_space<vmem_shared>>
        tpu.wait_indirect_dma semaphore(%run_scoped3A : memref<!tpu.dma_semaphore, #tpu.memory_space<semaphore_mem>>) src(%arg13 : memref<128x128xf32, #tpu.memory_space<vmem>>) dst(%dma_wait3A_147 : memref<10000x128xf32, #tpu.memory_space<vmem_shared>>)
        tpu.yield
      }) : () -> ()
      %mul3A_138 = arith.constant 128 : i32
      %mul3A_139 = arith.muli %add3A_93, %mul3A_138 : i32
      "tpu.region"() ({
        %run_scoped3A = tpu.sem_alloc : memref<!tpu.dma_semaphore, #tpu.memory_space<semaphore_mem>>
        %dma_start3A_140 = tpu.memref_slice %arg11[%mul3A_139] : memref<10112xi32, #tpu.memory_space<vmem>> -> memref<128xi32, #tpu.memory_space<vmem>>
        %dma_start3A_141 = arith.constant 0 : i32
        %dma_start3A_142 = tpu.memref_slice %arg10[%dma_start3A_141] : memref<10240xf32, #tpu.memory_space<vmem_shared>> -> memref<10240xf32, #tpu.memory_space<vmem_shared>>
        tpu.enqueue_indirect_dma source(%arg15 : memref<128xf32, #tpu.memory_space<vmem>>) target(%dma_start3A_142 : memref<10240xf32, #tpu.memory_space<vmem_shared>>) offsets(%dma_start3A_140 : memref<128xi32, #tpu.memory_space<vmem>>) semaphore(%run_scoped3A : memref<!tpu.dma_semaphore, #tpu.memory_space<semaphore_mem>>) {add = true}
        %dma_wait3A_143 = tpu.memref_slice %arg11[%mul3A_139] : memref<10112xi32, #tpu.memory_space<vmem>> -> memref<128xi32, #tpu.memory_space<vmem>>
        %dma_wait3A_144 = arith.constant 0 : i32
        %dma_wait3A_145 = tpu.memref_slice %arg10[%dma_wait3A_144] : memref<10240xf32, #tpu.memory_space<vmem_shared>> -> memref<10240xf32, #tpu.memory_space<vmem_shared>>
        tpu.wait_indirect_dma semaphore(%run_scoped3A : memref<!tpu.dma_semaphore, #tpu.memory_space<semaphore_mem>>) src(%arg15 : memref<128xf32, #tpu.memory_space<vmem>>) dst(%dma_wait3A_145 : memref<10240xf32, #tpu.memory_space<vmem_shared>>)
        tpu.yield
      }) : () -> ()
    }
    %while3A_55 = arith.constant 1 : i32
    scf.for %while3A_89 = %while3A_53 to %while3A_49 step %while3A_55  : i32 {
      %mul3A_90 = arith.constant 2 : i32
      %mul3A_91 = arith.muli %mul3A_90, %while3A_89 : i32
      %add3A_92 = arith.constant 1 : i32
      %add3A_93 = arith.addi %mul3A_91, %add3A_92 : i32
      %mul3A_94 = arith.constant 128 : i32
      %mul3A_95 = arith.muli %add3A_93, %mul3A_94 : i32
      %add3A_96 = arith.addi %mul3A_2, %mul3A_95 : i32
      %dma_start3A_97 = arith.constant 0 : i32
      %dma_start3A_98 = tpu.memref_slice %arg2[%add3A_96, %dma_start3A_97] : memref<320000x128xf32, #tpu.memory_space<hbm>> -> memref<128x128xf32, #tpu.memory_space<hbm>>
      %dma_start3A_99 = arith.constant 0 : i32
      %dma_start3A_100 = tpu.memref_slice %arg2[%add3A_96, %dma_start3A_99] : memref<320000x128xf32, #tpu.memory_space<hbm>> -> memref<128x128xf32, #tpu.memory_space<hbm>>
      tpu.enqueue_dma source(%dma_start3A_100 : memref<128x128xf32, #tpu.memory_space<hbm>>) target(%arg13 : memref<128x128xf32, #tpu.memory_space<vmem>>) target_semaphore(%arg17 : memref<!tpu.dma_semaphore, #tpu.memory_space<semaphore_mem>>)
      %mul3A_101 = arith.constant 128 : i32
      %mul3A_102 = arith.muli %add3A_93, %mul3A_101 : i32
      %add3A_103 = arith.addi %mul3A_2, %mul3A_102 : i32
      %dma_start3A_104 = tpu.memref_slice %arg3[%add3A_103] : memref<320000xf32, #tpu.memory_space<hbm>> -> memref<128xf32, #tpu.memory_space<hbm>>
      %dma_start3A_105 = tpu.memref_slice %arg3[%add3A_103] : memref<320000xf32, #tpu.memory_space<hbm>> -> memref<128xf32, #tpu.memory_space<hbm>>
      tpu.enqueue_dma source(%dma_start3A_105 : memref<128xf32, #tpu.memory_space<hbm>>) target(%arg15 : memref<128xf32, #tpu.memory_space<vmem>>) target_semaphore(%arg19 : memref<!tpu.dma_semaphore, #tpu.memory_space<semaphore_mem>>)
      %dma_wait3A_106 = arith.constant 0 : i32
      %dma_wait3A_107 = arith.constant 0 : i32
      %dma_wait3A_108 = tpu.memref_slice %arg2[%dma_wait3A_106, %dma_wait3A_107] : memref<320000x128xf32, #tpu.memory_space<hbm>> -> memref<128x128xf32, #tpu.memory_space<hbm>>
      %dma_wait3A_109 = arith.constant 0 : i32
      %dma_wait3A_110 = arith.constant 0 : i32
      %dma_wait3A_111 = tpu.memref_slice %arg2[%dma_wait3A_109, %dma_wait3A_110] : memref<320000x128xf32, #tpu.memory_space<hbm>> -> memref<128x128xf32, #tpu.memory_space<hbm>>
      tpu.wait_dma2 semaphore(%arg16 : memref<!tpu.dma_semaphore, #tpu.memory_space<semaphore_mem>>) src(%dma_wait3A_111 : memref<128x128xf32, #tpu.memory_space<hbm>>) dst(%arg12 : memref<128x128xf32, #tpu.memory_space<vmem>>)
      %dma_wait3A_112 = arith.constant 0 : i32
      %dma_wait3A_113 = tpu.memref_slice %arg3[%dma_wait3A_112] : memref<320000xf32, #tpu.memory_space<hbm>> -> memref<128xf32, #tpu.memory_space<hbm>>
      %dma_wait3A_114 = arith.constant 0 : i32
      %dma_wait3A_115 = tpu.memref_slice %arg3[%dma_wait3A_114] : memref<320000xf32, #tpu.memory_space<hbm>> -> memref<128xf32, #tpu.memory_space<hbm>>
      tpu.wait_dma2 semaphore(%arg18 : memref<!tpu.dma_semaphore, #tpu.memory_space<semaphore_mem>>) src(%dma_wait3A_115 : memref<128xf32, #tpu.memory_space<hbm>>) dst(%arg14 : memref<128xf32, #tpu.memory_space<vmem>>)
      %mul3A_116 = arith.constant 128 : i32
      %mul3A_117 = arith.muli %mul3A_91, %mul3A_116 : i32
      "tpu.region"() ({
        %run_scoped3A = tpu.sem_alloc : memref<!tpu.dma_semaphore, #tpu.memory_space<semaphore_mem>>
        %dma_start3A_140 = tpu.memref_slice %arg11[%mul3A_117] : memref<10112xi32, #tpu.memory_space<vmem>> -> memref<128xi32, #tpu.memory_space<vmem>>
        %dma_start3A_141 = arith.constant 0 : i32
        %dma_start3A_142 = arith.constant 0 : i32
        %dma_start3A_143 = tpu.memref_slice %arg9[%dma_start3A_141, %dma_start3A_142] : memref<10000x128xf32, #tpu.memory_space<vmem_shared>> -> memref<10000x128xf32, #tpu.memory_space<vmem_shared>>
        tpu.enqueue_indirect_dma source(%arg12 : memref<128x128xf32, #tpu.memory_space<vmem>>) target(%dma_start3A_143 : memref<10000x128xf32, #tpu.memory_space<vmem_shared>>) offsets(%dma_start3A_140 : memref<128xi32, #tpu.memory_space<vmem>>) semaphore(%run_scoped3A : memref<!tpu.dma_semaphore, #tpu.memory_space<semaphore_mem>>) {add = true}
        %dma_wait3A_144 = tpu.memref_slice %arg11[%mul3A_117] : memref<10112xi32, #tpu.memory_space<vmem>> -> memref<128xi32, #tpu.memory_space<vmem>>
        %dma_wait3A_145 = arith.constant 0 : i32
        %dma_wait3A_146 = arith.constant 0 : i32
        %dma_wait3A_147 = tpu.memref_slice %arg9[%dma_wait3A_145, %dma_wait3A_146] : memref<10000x128xf32, #tpu.memory_space<vmem_shared>> -> memref<10000x128xf32, #tpu.memory_space<vmem_shared>>
        tpu.wait_indirect_dma semaphore(%run_scoped3A : memref<!tpu.dma_semaphore, #tpu.memory_space<semaphore_mem>>) src(%arg12 : memref<128x128xf32, #tpu.memory_space<vmem>>) dst(%dma_wait3A_147 : memref<10000x128xf32, #tpu.memory_space<vmem_shared>>)
        tpu.yield
      }) : () -> ()
      %mul3A_118 = arith.constant 128 : i32
      %mul3A_119 = arith.muli %mul3A_91, %mul3A_118 : i32
      "tpu.region"() ({
        %run_scoped3A = tpu.sem_alloc : memref<!tpu.dma_semaphore, #tpu.memory_space<semaphore_mem>>
        %dma_start3A_140 = tpu.memref_slice %arg11[%mul3A_119] : memref<10112xi32, #tpu.memory_space<vmem>> -> memref<128xi32, #tpu.memory_space<vmem>>
        %dma_start3A_141 = arith.constant 0 : i32
        %dma_start3A_142 = tpu.memref_slice %arg10[%dma_start3A_141] : memref<10240xf32, #tpu.memory_space<vmem_shared>> -> memref<10240xf32, #tpu.memory_space<vmem_shared>>
        tpu.enqueue_indirect_dma source(%arg14 : memref<128xf32, #tpu.memory_space<vmem>>) target(%dma_start3A_142 : memref<10240xf32, #tpu.memory_space<vmem_shared>>) offsets(%dma_start3A_140 : memref<128xi32, #tpu.memory_space<vmem>>) semaphore(%run_scoped3A : memref<!tpu.dma_semaphore, #tpu.memory_space<semaphore_mem>>) {add = true}
        %dma_wait3A_143 = tpu.memref_slice %arg11[%mul3A_119] : memref<10112xi32, #tpu.memory_space<vmem>> -> memref<128xi32, #tpu.memory_space<vmem>>
        %dma_wait3A_144 = arith.constant 0 : i32
        %dma_wait3A_145 = tpu.memref_slice %arg10[%dma_wait3A_144] : memref<10240xf32, #tpu.memory_space<vmem_shared>> -> memref<10240xf32, #tpu.memory_space<vmem_shared>>
        tpu.wait_indirect_dma semaphore(%run_scoped3A : memref<!tpu.dma_semaphore, #tpu.memory_space<semaphore_mem>>) src(%arg14 : memref<128xf32, #tpu.memory_space<vmem>>) dst(%dma_wait3A_145 : memref<10240xf32, #tpu.memory_space<vmem_shared>>)
        tpu.yield
      }) : () -> ()
      %add3A_120 = arith.constant 1 : i32
      %add3A_121 = arith.addi %add3A_93, %add3A_120 : i32
      %lt3A_122 = arith.cmpi slt, %add3A_121, %select_n3A : i32
      %convert_element_type3A_123 = arith.extui %lt3A_122 : i1 to i32
      %cond3A_124 = arith.constant 0 : i32
      %cond3A_125 = arith.cmpi ne, %convert_element_type3A_123, %cond3A_124 : i32
      scf.if %cond3A_125 {
        %add3A_140 = arith.constant 1 : i32
        %add3A_141 = arith.addi %add3A_93, %add3A_140 : i32
        %mul3A_142 = arith.constant 128 : i32
        %mul3A_143 = arith.muli %add3A_141, %mul3A_142 : i32
        %add3A_144 = arith.addi %mul3A_2, %mul3A_143 : i32
        %dma_start3A_145 = arith.constant 0 : i32
        %dma_start3A_146 = tpu.memref_slice %arg2[%add3A_144, %dma_start3A_145] : memref<320000x128xf32, #tpu.memory_space<hbm>> -> memref<128x128xf32, #tpu.memory_space<hbm>>
        %dma_start3A_147 = arith.constant 0 : i32
        %dma_start3A_148 = tpu.memref_slice %arg2[%add3A_144, %dma_start3A_147] : memref<320000x128xf32, #tpu.memory_space<hbm>> -> memref<128x128xf32, #tpu.memory_space<hbm>>
        tpu.enqueue_dma source(%dma_start3A_148 : memref<128x128xf32, #tpu.memory_space<hbm>>) target(%arg12 : memref<128x128xf32, #tpu.memory_space<vmem>>) target_semaphore(%arg16 : memref<!tpu.dma_semaphore, #tpu.memory_space<semaphore_mem>>)
        %mul3A_149 = arith.constant 128 : i32
        %mul3A_150 = arith.muli %add3A_141, %mul3A_149 : i32
        %add3A_151 = arith.addi %mul3A_2, %mul3A_150 : i32
        %dma_start3A_152 = tpu.memref_slice %arg3[%add3A_151] : memref<320000xf32, #tpu.memory_space<hbm>> -> memref<128xf32, #tpu.memory_space<hbm>>
        %dma_start3A_153 = tpu.memref_slice %arg3[%add3A_151] : memref<320000xf32, #tpu.memory_space<hbm>> -> memref<128xf32, #tpu.memory_space<hbm>>
        tpu.enqueue_dma source(%dma_start3A_153 : memref<128xf32, #tpu.memory_space<hbm>>) target(%arg14 : memref<128xf32, #tpu.memory_space<vmem>>) target_semaphore(%arg18 : memref<!tpu.dma_semaphore, #tpu.memory_space<semaphore_mem>>)
      } else {
      }
      %dma_wait3A_126 = arith.constant 0 : i32
      %dma_wait3A_127 = arith.constant 0 : i32
      %dma_wait3A_128 = tpu.memref_slice %arg2[%dma_wait3A_126, %dma_wait3A_127] : memref<320000x128xf32, #tpu.memory_space<hbm>> -> memref<128x128xf32, #tpu.memory_space<hbm>>
      %dma_wait3A_129 = arith.constant 0 : i32
      %dma_wait3A_130 = arith.constant 0 : i32
      %dma_wait3A_131 = tpu.memref_slice %arg2[%dma_wait3A_129, %dma_wait3A_130] : memref<320000x128xf32, #tpu.memory_space<hbm>> -> memref<128x128xf32, #tpu.memory_space<hbm>>
      tpu.wait_dma2 semaphore(%arg17 : memref<!tpu.dma_semaphore, #tpu.memory_space<semaphore_mem>>) src(%dma_wait3A_131 : memref<128x128xf32, #tpu.memory_space<hbm>>) dst(%arg13 : memref<128x128xf32, #tpu.memory_space<vmem>>)
      %dma_wait3A_132 = arith.constant 0 : i32
      %dma_wait3A_133 = tpu.memref_slice %arg3[%dma_wait3A_132] : memref<320000xf32, #tpu.memory_space<hbm>> -> memref<128xf32, #tpu.memory_space<hbm>>
      %dma_wait3A_134 = arith.constant 0 : i32
      %dma_wait3A_135 = tpu.memref_slice %arg3[%dma_wait3A_134] : memref<320000xf32, #tpu.memory_space<hbm>> -> memref<128xf32, #tpu.memory_space<hbm>>
      tpu.wait_dma2 semaphore(%arg19 : memref<!tpu.dma_semaphore, #tpu.memory_space<semaphore_mem>>) src(%dma_wait3A_135 : memref<128xf32, #tpu.memory_space<hbm>>) dst(%arg15 : memref<128xf32, #tpu.memory_space<vmem>>)
      %mul3A_136 = arith.constant 128 : i32
      %mul3A_137 = arith.muli %add3A_93, %mul3A_136 : i32
      "tpu.region"() ({
        %run_scoped3A = tpu.sem_alloc : memref<!tpu.dma_semaphore, #tpu.memory_space<semaphore_mem>>
        %dma_start3A_140 = tpu.memref_slice %arg11[%mul3A_137] : memref<10112xi32, #tpu.memory_space<vmem>> -> memref<128xi32, #tpu.memory_space<vmem>>
        %dma_start3A_141 = arith.constant 0 : i32
        %dma_start3A_142 = arith.constant 0 : i32
        %dma_start3A_143 = tpu.memref_slice %arg9[%dma_start3A_141, %dma_start3A_142] : memref<10000x128xf32, #tpu.memory_space<vmem_shared>> -> memref<10000x128xf32, #tpu.memory_space<vmem_shared>>
        tpu.enqueue_indirect_dma source(%arg13 : memref<128x128xf32, #tpu.memory_space<vmem>>) target(%dma_start3A_143 : memref<10000x128xf32, #tpu.memory_space<vmem_shared>>) offsets(%dma_start3A_140 : memref<128xi32, #tpu.memory_space<vmem>>) semaphore(%run_scoped3A : memref<!tpu.dma_semaphore, #tpu.memory_space<semaphore_mem>>) {add = true}
        %dma_wait3A_144 = tpu.memref_slice %arg11[%mul3A_137] : memref<10112xi32, #tpu.memory_space<vmem>> -> memref<128xi32, #tpu.memory_space<vmem>>
        %dma_wait3A_145 = arith.constant 0 : i32
        %dma_wait3A_146 = arith.constant 0 : i32
        %dma_wait3A_147 = tpu.memref_slice %arg9[%dma_wait3A_145, %dma_wait3A_146] : memref<10000x128xf32, #tpu.memory_space<vmem_shared>> -> memref<10000x128xf32, #tpu.memory_space<vmem_shared>>
        tpu.wait_indirect_dma semaphore(%run_scoped3A : memref<!tpu.dma_semaphore, #tpu.memory_space<semaphore_mem>>) src(%arg13 : memref<128x128xf32, #tpu.memory_space<vmem>>) dst(%dma_wait3A_147 : memref<10000x128xf32, #tpu.memory_space<vmem_shared>>)
        tpu.yield
      }) : () -> ()
      %mul3A_138 = arith.constant 128 : i32
      %mul3A_139 = arith.muli %add3A_93, %mul3A_138 : i32
      "tpu.region"() ({
        %run_scoped3A = tpu.sem_alloc : memref<!tpu.dma_semaphore, #tpu.memory_space<semaphore_mem>>
        %dma_start3A_140 = tpu.memref_slice %arg11[%mul3A_139] : memref<10112xi32, #tpu.memory_space<vmem>> -> memref<128xi32, #tpu.memory_space<vmem>>
        %dma_start3A_141 = arith.constant 0 : i32
        %dma_start3A_142 = tpu.memref_slice %arg10[%dma_start3A_141] : memref<10240xf32, #tpu.memory_space<vmem_shared>> -> memref<10240xf32, #tpu.memory_space<vmem_shared>>
        tpu.enqueue_indirect_dma source(%arg15 : memref<128xf32, #tpu.memory_space<vmem>>) target(%dma_start3A_142 : memref<10240xf32, #tpu.memory_space<vmem_shared>>) offsets(%dma_start3A_140 : memref<128xi32, #tpu.memory_space<vmem>>) semaphore(%run_scoped3A : memref<!tpu.dma_semaphore, #tpu.memory_space<semaphore_mem>>) {add = true}
        %dma_wait3A_143 = tpu.memref_slice %arg11[%mul3A_139] : memref<10112xi32, #tpu.memory_space<vmem>> -> memref<128xi32, #tpu.memory_space<vmem>>
        %dma_wait3A_144 = arith.constant 0 : i32
        %dma_wait3A_145 = tpu.memref_slice %arg10[%dma_wait3A_144] : memref<10240xf32, #tpu.memory_space<vmem_shared>> -> memref<10240xf32, #tpu.memory_space<vmem_shared>>
        tpu.wait_indirect_dma semaphore(%run_scoped3A : memref<!tpu.dma_semaphore, #tpu.memory_space<semaphore_mem>>) src(%arg15 : memref<128xf32, #tpu.memory_space<vmem>>) dst(%dma_wait3A_145 : memref<10240xf32, #tpu.memory_space<vmem_shared>>)
        tpu.yield
      }) : () -> ()
    }
    %sub3A_56 = arith.constant 1 : i32
    %sub3A_57 = arith.subi %select_n3A, %sub3A_56 : i32
    %dma_wait3A = arith.constant 0 : i32
    %dma_wait3A_58 = arith.constant 0 : i32
    %dma_wait3A_59 = tpu.memref_slice %arg2[%dma_wait3A, %dma_wait3A_58] : memref<320000x128xf32, #tpu.memory_space<hbm>> -> memref<128x128xf32, #tpu.memory_space<hbm>>
    %dma_wait3A_60 = arith.constant 0 : i32
    %dma_wait3A_61 = arith.constant 0 : i32
    %dma_wait3A_62 = tpu.memref_slice %arg2[%dma_wait3A_60, %dma_wait3A_61] : memref<320000x128xf32, #tpu.memory_space<hbm>> -> memref<128x128xf32, #tpu.memory_space<hbm>>
    tpu.wait_dma2 semaphore(%arg16 : memref<!tpu.dma_semaphore, #tpu.memory_space<semaphore_mem>>) src(%dma_wait3A_62 : memref<128x128xf32, #tpu.memory_space<hbm>>) dst(%arg12 : memref<128x128xf32, #tpu.memory_space<vmem>>)
    %dma_wait3A_63 = arith.constant 0 : i32
    %dma_wait3A_64 = tpu.memref_slice %arg3[%dma_wait3A_63] : memref<320000xf32, #tpu.memory_space<hbm>> -> memref<128xf32, #tpu.memory_space<hbm>>
    %dma_wait3A_65 = arith.constant 0 : i32
    %dma_wait3A_66 = tpu.memref_slice %arg3[%dma_wait3A_65] : memref<320000xf32, #tpu.memory_space<hbm>> -> memref<128xf32, #tpu.memory_space<hbm>>
    tpu.wait_dma2 semaphore(%arg18 : memref<!tpu.dma_semaphore, #tpu.memory_space<semaphore_mem>>) src(%dma_wait3A_66 : memref<128xf32, #tpu.memory_space<hbm>>) dst(%arg14 : memref<128xf32, #tpu.memory_space<vmem>>)
    %mul3A_67 = arith.constant 128 : i32
    %mul3A_68 = arith.muli %sub3A_57, %mul3A_67 : i32
    "tpu.region"() ({
      %run_scoped3A = tpu.sem_alloc : memref<!tpu.dma_semaphore, #tpu.memory_space<semaphore_mem>>
      %dma_start3A_89 = tpu.memref_slice %arg11[%mul3A_68] : memref<10112xi32, #tpu.memory_space<vmem>> -> memref<128xi32, #tpu.memory_space<vmem>>
      %dma_start3A_90 = arith.constant 0 : i32
      %dma_start3A_91 = arith.constant 0 : i32
      %dma_start3A_92 = tpu.memref_slice %arg9[%dma_start3A_90, %dma_start3A_91] : memref<10000x128xf32, #tpu.memory_space<vmem_shared>> -> memref<10000x128xf32, #tpu.memory_space<vmem_shared>>
      tpu.enqueue_indirect_dma source(%arg12 : memref<128x128xf32, #tpu.memory_space<vmem>>) target(%dma_start3A_92 : memref<10000x128xf32, #tpu.memory_space<vmem_shared>>) offsets(%dma_start3A_89 : memref<128xi32, #tpu.memory_space<vmem>>) semaphore(%run_scoped3A : memref<!tpu.dma_semaphore, #tpu.memory_space<semaphore_mem>>) {add = true}
      %dma_wait3A_93 = tpu.memref_slice %arg11[%mul3A_68] : memref<10112xi32, #tpu.memory_space<vmem>> -> memref<128xi32, #tpu.memory_space<vmem>>
      %dma_wait3A_94 = arith.constant 0 : i32
      %dma_wait3A_95 = arith.constant 0 : i32
      %dma_wait3A_96 = tpu.memref_slice %arg9[%dma_wait3A_94, %dma_wait3A_95] : memref<10000x128xf32, #tpu.memory_space<vmem_shared>> -> memref<10000x128xf32, #tpu.memory_space<vmem_shared>>
      tpu.wait_indirect_dma semaphore(%run_scoped3A : memref<!tpu.dma_semaphore, #tpu.memory_space<semaphore_mem>>) src(%arg12 : memref<128x128xf32, #tpu.memory_space<vmem>>) dst(%dma_wait3A_96 : memref<10000x128xf32, #tpu.memory_space<vmem_shared>>)
      tpu.yield
    }) : () -> ()
    %mul3A_69 = arith.constant 128 : i32
    %mul3A_70 = arith.muli %sub3A_57, %mul3A_69 : i32
    "tpu.region"() ({
      %run_scoped3A = tpu.sem_alloc : memref<!tpu.dma_semaphore, #tpu.memory_space<semaphore_mem>>
      %dma_start3A_89 = tpu.memref_slice %arg11[%mul3A_70] : memref<10112xi32, #tpu.memory_space<vmem>> -> memref<128xi32, #tpu.memory_space<vmem>>
      %dma_start3A_90 = arith.constant 0 : i32
      %dma_start3A_91 = tpu.memref_slice %arg10[%dma_start3A_90] : memref<10240xf32, #tpu.memory_space<vmem_shared>> -> memref<10240xf32, #tpu.memory_space<vmem_shared>>
      tpu.enqueue_indirect_dma source(%arg14 : memref<128xf32, #tpu.memory_space<vmem>>) target(%dma_start3A_91 : memref<10240xf32, #tpu.memory_space<vmem_shared>>) offsets(%dma_start3A_89 : memref<128xi32, #tpu.memory_space<vmem>>) semaphore(%run_scoped3A : memref<!tpu.dma_semaphore, #tpu.memory_space<semaphore_mem>>) {add = true}
      %dma_wait3A_92 = tpu.memref_slice %arg11[%mul3A_70] : memref<10112xi32, #tpu.memory_space<vmem>> -> memref<128xi32, #tpu.memory_space<vmem>>
      %dma_wait3A_93 = arith.constant 0 : i32
      %dma_wait3A_94 = tpu.memref_slice %arg10[%dma_wait3A_93] : memref<10240xf32, #tpu.memory_space<vmem_shared>> -> memref<10240xf32, #tpu.memory_space<vmem_shared>>
      tpu.wait_indirect_dma semaphore(%run_scoped3A : memref<!tpu.dma_semaphore, #tpu.memory_space<semaphore_mem>>) src(%arg14 : memref<128xf32, #tpu.memory_space<vmem>>) dst(%dma_wait3A_94 : memref<10240xf32, #tpu.memory_space<vmem_shared>>)
      tpu.yield
    }) : () -> ()
    %barrier3A_71 = arith.constant 0 : index
    tpu.barrier barrier_id(%barrier3A_71)
    %lt3A_72 = arith.constant 15 : i32
    %lt3A_73 = arith.cmpi slt, %arg1, %lt3A_72 : i32
    %convert_element_type3A_74 = arith.extui %lt3A_73 : i1 to i32
    %cond3A_75 = arith.constant 0 : i32
    %cond3A_76 = arith.cmpi ne, %convert_element_type3A_74, %cond3A_75 : i32
    scf.if %cond3A_76 {
      %mul3A_89 = arith.constant 632 : i32
      %mul3A_90 = arith.muli %arg1, %mul3A_89 : i32
      %mul3A_91 = arith.constant 632 : i32
      %mul3A_92 = arith.muli %arg1, %mul3A_91 : i32
      "tpu.region"() ({
        %run_scoped3A = tpu.sem_alloc : memref<!tpu.dma_semaphore, #tpu.memory_space<semaphore_mem>>
        %dma_start3A_93 = arith.constant 0 : i32
        %dma_start3A_94 = tpu.memref_slice %arg7[%arg0, %mul3A_92, %dma_start3A_93] : memref<2x10000x128xf32, #tpu.memory_space<hbm>> -> memref<1x632x128xf32, #tpu.memory_space<hbm>>
        %dma_start3A_95 = tpu.memref_squeeze %dma_start3A_94 : memref<1x632x128xf32, #tpu.memory_space<hbm>> -> memref<632x128xf32, #tpu.memory_space<hbm>>
        %dma_start3A_96 = arith.constant 0 : i32
        %dma_start3A_97 = tpu.memref_slice %arg9[%mul3A_90, %dma_start3A_96] : memref<10000x128xf32, #tpu.memory_space<vmem_shared>> -> memref<632x128xf32, #tpu.memory_space<vmem_shared>>
        tpu.enqueue_dma source(%dma_start3A_97 : memref<632x128xf32, #tpu.memory_space<vmem_shared>>) target(%dma_start3A_95 : memref<632x128xf32, #tpu.memory_space<hbm>>) target_semaphore(%run_scoped3A : memref<!tpu.dma_semaphore, #tpu.memory_space<semaphore_mem>>)
        %dma_wait3A_98 = arith.constant 0 : i32
        %dma_wait3A_99 = tpu.memref_slice %arg7[%arg0, %mul3A_92, %dma_wait3A_98] : memref<2x10000x128xf32, #tpu.memory_space<hbm>> -> memref<1x632x128xf32, #tpu.memory_space<hbm>>
        %dma_wait3A_100 = tpu.memref_squeeze %dma_wait3A_99 : memref<1x632x128xf32, #tpu.memory_space<hbm>> -> memref<632x128xf32, #tpu.memory_space<hbm>>
        %dma_wait3A_101 = arith.constant 0 : i32
        %dma_wait3A_102 = tpu.memref_slice %arg9[%mul3A_90, %dma_wait3A_101] : memref<10000x128xf32, #tpu.memory_space<vmem_shared>> -> memref<632x128xf32, #tpu.memory_space<vmem_shared>>
        tpu.wait_dma2 semaphore(%run_scoped3A : memref<!tpu.dma_semaphore, #tpu.memory_space<semaphore_mem>>) src(%dma_wait3A_102 : memref<632x128xf32, #tpu.memory_space<vmem_shared>>) dst(%dma_wait3A_100 : memref<632x128xf32, #tpu.memory_space<hbm>>)
        tpu.yield
      }) : () -> ()
    } else {
    }
    %eq3A_77 = arith.constant 15 : i32
    %eq3A_78 = arith.cmpi eq, %arg1, %eq3A_77 : i32
    %convert_element_type3A_79 = arith.extui %eq3A_78 : i1 to i32
    %cond3A_80 = arith.constant 0 : i32
    %cond3A_81 = arith.cmpi ne, %convert_element_type3A_79, %cond3A_80 : i32
    scf.if %cond3A_81 {
      %mul3A_89 = arith.constant 632 : i32
      %mul3A_90 = arith.muli %arg1, %mul3A_89 : i32
      %mul3A_91 = arith.constant 632 : i32
      %mul3A_92 = arith.muli %arg1, %mul3A_91 : i32
      "tpu.region"() ({
        %run_scoped3A = tpu.sem_alloc : memref<!tpu.dma_semaphore, #tpu.memory_space<semaphore_mem>>
        %dma_start3A_93 = arith.constant 0 : i32
        %dma_start3A_94 = tpu.memref_slice %arg7[%arg0, %mul3A_92, %dma_start3A_93] : memref<2x10000x128xf32, #tpu.memory_space<hbm>> -> memref<1x520x128xf32, #tpu.memory_space<hbm>>
        %dma_start3A_95 = tpu.memref_squeeze %dma_start3A_94 : memref<1x520x128xf32, #tpu.memory_space<hbm>> -> memref<520x128xf32, #tpu.memory_space<hbm>>
        %dma_start3A_96 = arith.constant 0 : i32
        %dma_start3A_97 = tpu.memref_slice %arg9[%mul3A_90, %dma_start3A_96] : memref<10000x128xf32, #tpu.memory_space<vmem_shared>> -> memref<520x128xf32, #tpu.memory_space<vmem_shared>>
        tpu.enqueue_dma source(%dma_start3A_97 : memref<520x128xf32, #tpu.memory_space<vmem_shared>>) target(%dma_start3A_95 : memref<520x128xf32, #tpu.memory_space<hbm>>) target_semaphore(%run_scoped3A : memref<!tpu.dma_semaphore, #tpu.memory_space<semaphore_mem>>)
        %dma_wait3A_98 = arith.constant 0 : i32
        %dma_wait3A_99 = tpu.memref_slice %arg7[%arg0, %mul3A_92, %dma_wait3A_98] : memref<2x10000x128xf32, #tpu.memory_space<hbm>> -> memref<1x520x128xf32, #tpu.memory_space<hbm>>
        %dma_wait3A_100 = tpu.memref_squeeze %dma_wait3A_99 : memref<1x520x128xf32, #tpu.memory_space<hbm>> -> memref<520x128xf32, #tpu.memory_space<hbm>>
        %dma_wait3A_101 = arith.constant 0 : i32
        %dma_wait3A_102 = tpu.memref_slice %arg9[%mul3A_90, %dma_wait3A_101] : memref<10000x128xf32, #tpu.memory_space<vmem_shared>> -> memref<520x128xf32, #tpu.memory_space<vmem_shared>>
        tpu.wait_dma2 semaphore(%run_scoped3A : memref<!tpu.dma_semaphore, #tpu.memory_space<semaphore_mem>>) src(%dma_wait3A_102 : memref<520x128xf32, #tpu.memory_space<vmem_shared>>) dst(%dma_wait3A_100 : memref<520x128xf32, #tpu.memory_space<hbm>>)
        tpu.yield
      }) : () -> ()
    } else {
    }
    %mul3A_82 = arith.constant 640 : i32
    %mul3A_83 = arith.muli %arg1, %mul3A_82 : i32
    %mul3A_84 = arith.constant 10240 : i32
    %mul3A_85 = arith.muli %arg0, %mul3A_84 : i32
    %mul3A_86 = arith.constant 640 : i32
    %mul3A_87 = arith.muli %arg1, %mul3A_86 : i32
    %add3A_88 = arith.addi %mul3A_85, %mul3A_87 : i32
    "tpu.region"() ({
      %run_scoped3A = tpu.sem_alloc : memref<!tpu.dma_semaphore, #tpu.memory_space<semaphore_mem>>
      %dma_start3A_89 = tpu.memref_slice %arg8[%add3A_88] : memref<20480xf32, #tpu.memory_space<hbm>> -> memref<640xf32, #tpu.memory_space<hbm>>
      %dma_start3A_90 = tpu.memref_slice %arg10[%mul3A_83] : memref<10240xf32, #tpu.memory_space<vmem_shared>> -> memref<640xf32, #tpu.memory_space<vmem_shared>>
      tpu.enqueue_dma source(%dma_start3A_90 : memref<640xf32, #tpu.memory_space<vmem_shared>>) target(%dma_start3A_89 : memref<640xf32, #tpu.memory_space<hbm>>) target_semaphore(%run_scoped3A : memref<!tpu.dma_semaphore, #tpu.memory_space<semaphore_mem>>)
      %dma_wait3A_91 = tpu.memref_slice %arg8[%add3A_88] : memref<20480xf32, #tpu.memory_space<hbm>> -> memref<640xf32, #tpu.memory_space<hbm>>
      %dma_wait3A_92 = tpu.memref_slice %arg10[%mul3A_83] : memref<10240xf32, #tpu.memory_space<vmem_shared>> -> memref<640xf32, #tpu.memory_space<vmem_shared>>
      tpu.wait_dma2 semaphore(%run_scoped3A : memref<!tpu.dma_semaphore, #tpu.memory_space<semaphore_mem>>) src(%dma_wait3A_92 : memref<640xf32, #tpu.memory_space<vmem_shared>>) dst(%dma_wait3A_91 : memref<640xf32, #tpu.memory_space<hbm>>)
      tpu.yield
    }) : () -> ()
    return
  }
}

#map = affine_map<(d0, d1) -> (0)>
module attributes {stable_mosaic.version = 14 : i64} {
  func.func @_attn_body(%arg0: i32, %arg1: i32, %arg2: memref<320000xf32, #tpu.memory_space<hbm>>, %arg3: memref<323584xi32, #tpu.memory_space<hbm>>, %arg4: memref<10240xf32, #tpu.memory_space<hbm>>, %arg5: memref<10240xf32, #tpu.memory_space<hbm>>, %arg6: memref<320000xf32, #tpu.memory_space<hbm>>, %arg7: memref<10240xf32, #tpu.memory_space<vmem>>, %arg8: memref<10240xf32, #tpu.memory_space<vmem>>, %arg9: memref<10112xi32, #tpu.memory_space<vmem>>, %arg10: memref<128xf32, #tpu.memory_space<vmem>>, %arg11: memref<128xf32, #tpu.memory_space<vmem>>) attributes {dimension_semantics = [#tpu.dimension_semantics<core_parallel>, #tpu.dimension_semantics<subcore_parallel>], iteration_bounds = array<i64: 2, 16>, scalar_prefetch = 0 : i64, scratch_operands = 5 : i64, tpu.core_type = #tpu.core_type<sc_vector_subcore>, window_params = [{transform_indices = #map}, {transform_indices = #map}, {transform_indices = #map}, {transform_indices = #map}, {transform_indices = #map}]} {
    %mul3A = arith.constant 2 : i32
    %mul3A_0 = arith.muli %arg1, %mul3A : i32
    %add3A = arith.addi %mul3A_0, %arg0 : i32
    %mul3A_1 = arith.constant 10112 : i32
    %mul3A_2 = arith.muli %add3A, %mul3A_1 : i32
    "tpu.region"() ({
      %run_scoped3A = tpu.sem_alloc : memref<!tpu.dma_semaphore, #tpu.memory_space<semaphore_mem>>
      tpu.enqueue_dma source(%arg4 : memref<10240xf32, #tpu.memory_space<hbm>>) target(%arg7 : memref<10240xf32, #tpu.memory_space<vmem>>) target_semaphore(%run_scoped3A : memref<!tpu.dma_semaphore, #tpu.memory_space<semaphore_mem>>)
      tpu.wait_dma2 semaphore(%run_scoped3A : memref<!tpu.dma_semaphore, #tpu.memory_space<semaphore_mem>>) src(%arg4 : memref<10240xf32, #tpu.memory_space<hbm>>) dst(%arg7 : memref<10240xf32, #tpu.memory_space<vmem>>)
      tpu.yield
    }) : () -> ()
    "tpu.region"() ({
      %run_scoped3A = tpu.sem_alloc : memref<!tpu.dma_semaphore, #tpu.memory_space<semaphore_mem>>
      tpu.enqueue_dma source(%arg5 : memref<10240xf32, #tpu.memory_space<hbm>>) target(%arg8 : memref<10240xf32, #tpu.memory_space<vmem>>) target_semaphore(%run_scoped3A : memref<!tpu.dma_semaphore, #tpu.memory_space<semaphore_mem>>)
      tpu.wait_dma2 semaphore(%run_scoped3A : memref<!tpu.dma_semaphore, #tpu.memory_space<semaphore_mem>>) src(%arg5 : memref<10240xf32, #tpu.memory_space<hbm>>) dst(%arg8 : memref<10240xf32, #tpu.memory_space<vmem>>)
      tpu.yield
    }) : () -> ()
    %scan3A = arith.constant 0 : i32
    %scan3A_3 = arith.constant 0 : i32
    %scan3A_4 = arith.constant 640 : i32
    %scan3A_5 = arith.addi %scan3A_3, %scan3A_4 : i32
    %scan3A_6 = arith.constant 1 : i32
    scf.for %scan3A_21 = %scan3A_3 to %scan3A_5 step %scan3A_6  : i32 {
      %mul3A_22 = arith.constant 16 : i32
      %mul3A_23 = arith.muli %scan3A_21, %mul3A_22 : i32
      %get3A = arith.index_cast %mul3A_23 : i32 to index
      %get3A_24 = tpu.vector_load %arg7[%get3A] {strides = array<i32>} : memref<10240xf32, #tpu.memory_space<vmem>>, vector<16xf32>,
      %get3A_25 = arith.index_cast %mul3A_23 : i32 to index
      %get3A_26 = tpu.vector_load %arg8[%get3A_25] {strides = array<i32>} : memref<10240xf32, #tpu.memory_space<vmem>>, vector<16xf32>,
      %add3A_27 = arith.addf %get3A_24, %get3A_26 : vector<16xf32>
      %add3A_28 = arith.constant 1.000000e-16 : f32
      %add3A_29 = vector.broadcast %add3A_28 : f32 to vector<16xf32>
      %add3A_30 = arith.addf %add3A_27, %add3A_29 : vector<16xf32>
      %swap3A = arith.index_cast %mul3A_23 : i32 to index
      %swap3A_31 = tpu.vector_load %arg7[%swap3A] {strides = array<i32>} : memref<10240xf32, #tpu.memory_space<vmem>>, vector<16xf32>,
      tpu.vector_store %arg7[%swap3A], %add3A_30 {strides = array<i32>} : memref<10240xf32, #tpu.memory_space<vmem>>, vector<16xf32>,
    }
    %scan3A_7 = arith.constant 640 : i32
    %mul3A_8 = arith.constant 10112 : i32
    %mul3A_9 = arith.muli %add3A, %mul3A_8 : i32
    "tpu.region"() ({
      %run_scoped3A = tpu.sem_alloc : memref<!tpu.dma_semaphore, #tpu.memory_space<semaphore_mem>>
      %dma_start3A = tpu.memref_slice %arg3[%mul3A_9] : memref<323584xi32, #tpu.memory_space<hbm>> -> memref<10112xi32, #tpu.memory_space<hbm>>
      %dma_start3A_21 = tpu.memref_slice %arg3[%mul3A_9] : memref<323584xi32, #tpu.memory_space<hbm>> -> memref<10112xi32, #tpu.memory_space<hbm>>
      tpu.enqueue_dma source(%dma_start3A_21 : memref<10112xi32, #tpu.memory_space<hbm>>) target(%arg9 : memref<10112xi32, #tpu.memory_space<vmem>>) target_semaphore(%run_scoped3A : memref<!tpu.dma_semaphore, #tpu.memory_space<semaphore_mem>>)
      %dma_wait3A = tpu.memref_slice %arg3[%mul3A_9] : memref<323584xi32, #tpu.memory_space<hbm>> -> memref<10112xi32, #tpu.memory_space<hbm>>
      %dma_wait3A_22 = tpu.memref_slice %arg3[%mul3A_9] : memref<323584xi32, #tpu.memory_space<hbm>> -> memref<10112xi32, #tpu.memory_space<hbm>>
      tpu.wait_dma2 semaphore(%run_scoped3A : memref<!tpu.dma_semaphore, #tpu.memory_space<semaphore_mem>>) src(%dma_wait3A_22 : memref<10112xi32, #tpu.memory_space<hbm>>) dst(%arg9 : memref<10112xi32, #tpu.memory_space<vmem>>)
      tpu.yield
    }) : () -> ()
    %eq3A = arith.constant 31 : i32
    %eq3A_10 = arith.cmpi eq, %add3A, %eq3A : i32
    %jit3A = arith.constant 51 : i32
    %jit3A_11 = arith.constant 79 : i32
    %select_n3A = arith.select %eq3A_10, %jit3A, %jit3A_11 : i32
    %while3A = arith.constant 0 : i32
    %while3A_12 = arith.constant 0 : i32
    %while3A_13 = arith.subi %select_n3A, %while3A_12 : i32
    %while3A_14 = arith.addi %while3A_12, %while3A_13 : i32
    %while3A_15 = arith.constant 1 : i32
    %while3A_16 = arith.divsi %while3A_13, %while3A_15 : i32
    %while3A_17 = arith.muli %while3A_16, %while3A_15 : i32
    %while3A_18 = arith.addi %while3A_12, %while3A_17 : i32
    %while3A_19 = arith.constant 1 : i32
    scf.for %while3A_21 = %while3A_12 to %while3A_18 step %while3A_19  : i32 {
      %mul3A_22 = arith.constant 128 : i32
      %mul3A_23 = arith.muli %while3A_21, %mul3A_22 : i32
      %add3A_24 = arith.addi %mul3A_2, %mul3A_23 : i32
      "tpu.region"() ({
        %run_scoped3A = tpu.sem_alloc : memref<!tpu.dma_semaphore, #tpu.memory_space<semaphore_mem>>
        %dma_start3A = tpu.memref_slice %arg2[%add3A_24] : memref<320000xf32, #tpu.memory_space<hbm>> -> memref<128xf32, #tpu.memory_space<hbm>>
        %dma_start3A_120 = tpu.memref_slice %arg2[%add3A_24] : memref<320000xf32, #tpu.memory_space<hbm>> -> memref<128xf32, #tpu.memory_space<hbm>>
        tpu.enqueue_dma source(%dma_start3A_120 : memref<128xf32, #tpu.memory_space<hbm>>) target(%arg10 : memref<128xf32, #tpu.memory_space<vmem>>) target_semaphore(%run_scoped3A : memref<!tpu.dma_semaphore, #tpu.memory_space<semaphore_mem>>)
        %dma_wait3A = tpu.memref_slice %arg2[%add3A_24] : memref<320000xf32, #tpu.memory_space<hbm>> -> memref<128xf32, #tpu.memory_space<hbm>>
        %dma_wait3A_121 = tpu.memref_slice %arg2[%add3A_24] : memref<320000xf32, #tpu.memory_space<hbm>> -> memref<128xf32, #tpu.memory_space<hbm>>
        tpu.wait_dma2 semaphore(%run_scoped3A : memref<!tpu.dma_semaphore, #tpu.memory_space<semaphore_mem>>) src(%dma_wait3A_121 : memref<128xf32, #tpu.memory_space<hbm>>) dst(%arg10 : memref<128xf32, #tpu.memory_space<vmem>>)
        tpu.yield
      }) : () -> ()
      %mul3A_25 = arith.constant 128 : i32
      %mul3A_26 = arith.muli %while3A_21, %mul3A_25 : i32
      %add3A_27 = arith.constant 0 : i32
      %add3A_28 = arith.addi %mul3A_26, %add3A_27 : i32
      %get3A = arith.index_cast %add3A_28 : i32 to index
      %get3A_29 = tpu.vector_load %arg9[%get3A] {strides = array<i32>} : memref<10112xi32, #tpu.memory_space<vmem>>, vector<16xi32>,
      %gather3A = tpu.vector_load_idx %arg7[%get3A_29] : memref<10240xf32, #tpu.memory_space<vmem>>[vector<16xi32>], vector<16xf32>,
      %get3A_30 = arith.constant 0 : index
      %get3A_31 = tpu.vector_load %arg10[%get3A_30] {strides = array<i32>} : memref<128xf32, #tpu.memory_space<vmem>>, vector<16xf32>,
      %div3A = arith.divf %get3A_31, %gather3A : vector<16xf32>
      %swap3A = arith.constant 0 : index
      %swap3A_32 = tpu.vector_load %arg11[%swap3A] {strides = array<i32>} : memref<128xf32, #tpu.memory_space<vmem>>, vector<16xf32>,
      tpu.vector_store %arg11[%swap3A], %div3A {strides = array<i32>} : memref<128xf32, #tpu.memory_space<vmem>>, vector<16xf32>,
      %mul3A_33 = arith.constant 128 : i32
      %mul3A_34 = arith.muli %while3A_21, %mul3A_33 : i32
      %add3A_35 = arith.constant 16 : i32
      %add3A_36 = arith.addi %mul3A_34, %add3A_35 : i32
      %get3A_37 = arith.index_cast %add3A_36 : i32 to index
      %get3A_38 = tpu.vector_load %arg9[%get3A_37] {strides = array<i32>} : memref<10112xi32, #tpu.memory_space<vmem>>, vector<16xi32>,
      %gather3A_39 = tpu.vector_load_idx %arg7[%get3A_38] : memref<10240xf32, #tpu.memory_space<vmem>>[vector<16xi32>], vector<16xf32>,
      %get3A_40 = arith.constant 16 : index
      %get3A_41 = tpu.vector_load %arg10[%get3A_40] {strides = array<i32>} : memref<128xf32, #tpu.memory_space<vmem>>, vector<16xf32>,
      %div3A_42 = arith.divf %get3A_41, %gather3A_39 : vector<16xf32>
      %swap3A_43 = arith.constant 16 : index
      %swap3A_44 = tpu.vector_load %arg11[%swap3A_43] {strides = array<i32>} : memref<128xf32, #tpu.memory_space<vmem>>, vector<16xf32>,
      tpu.vector_store %arg11[%swap3A_43], %div3A_42 {strides = array<i32>} : memref<128xf32, #tpu.memory_space<vmem>>, vector<16xf32>,
      %mul3A_45 = arith.constant 128 : i32
      %mul3A_46 = arith.muli %while3A_21, %mul3A_45 : i32
      %add3A_47 = arith.constant 32 : i32
      %add3A_48 = arith.addi %mul3A_46, %add3A_47 : i32
      %get3A_49 = arith.index_cast %add3A_48 : i32 to index
      %get3A_50 = tpu.vector_load %arg9[%get3A_49] {strides = array<i32>} : memref<10112xi32, #tpu.memory_space<vmem>>, vector<16xi32>,
      %gather3A_51 = tpu.vector_load_idx %arg7[%get3A_50] : memref<10240xf32, #tpu.memory_space<vmem>>[vector<16xi32>], vector<16xf32>,
      %get3A_52 = arith.constant 32 : index
      %get3A_53 = tpu.vector_load %arg10[%get3A_52] {strides = array<i32>} : memref<128xf32, #tpu.memory_space<vmem>>, vector<16xf32>,
      %div3A_54 = arith.divf %get3A_53, %gather3A_51 : vector<16xf32>
      %swap3A_55 = arith.constant 32 : index
      %swap3A_56 = tpu.vector_load %arg11[%swap3A_55] {strides = array<i32>} : memref<128xf32, #tpu.memory_space<vmem>>, vector<16xf32>,
      tpu.vector_store %arg11[%swap3A_55], %div3A_54 {strides = array<i32>} : memref<128xf32, #tpu.memory_space<vmem>>, vector<16xf32>,
      %mul3A_57 = arith.constant 128 : i32
      %mul3A_58 = arith.muli %while3A_21, %mul3A_57 : i32
      %add3A_59 = arith.constant 48 : i32
      %add3A_60 = arith.addi %mul3A_58, %add3A_59 : i32
      %get3A_61 = arith.index_cast %add3A_60 : i32 to index
      %get3A_62 = tpu.vector_load %arg9[%get3A_61] {strides = array<i32>} : memref<10112xi32, #tpu.memory_space<vmem>>, vector<16xi32>,
      %gather3A_63 = tpu.vector_load_idx %arg7[%get3A_62] : memref<10240xf32, #tpu.memory_space<vmem>>[vector<16xi32>], vector<16xf32>,
      %get3A_64 = arith.constant 48 : index
      %get3A_65 = tpu.vector_load %arg10[%get3A_64] {strides = array<i32>} : memref<128xf32, #tpu.memory_space<vmem>>, vector<16xf32>,
      %div3A_66 = arith.divf %get3A_65, %gather3A_63 : vector<16xf32>
      %swap3A_67 = arith.constant 48 : index
      %swap3A_68 = tpu.vector_load %arg11[%swap3A_67] {strides = array<i32>} : memref<128xf32, #tpu.memory_space<vmem>>, vector<16xf32>,
      tpu.vector_store %arg11[%swap3A_67], %div3A_66 {strides = array<i32>} : memref<128xf32, #tpu.memory_space<vmem>>, vector<16xf32>,
      %mul3A_69 = arith.constant 128 : i32
      %mul3A_70 = arith.muli %while3A_21, %mul3A_69 : i32
      %add3A_71 = arith.constant 64 : i32
      %add3A_72 = arith.addi %mul3A_70, %add3A_71 : i32
      %get3A_73 = arith.index_cast %add3A_72 : i32 to index
      %get3A_74 = tpu.vector_load %arg9[%get3A_73] {strides = array<i32>} : memref<10112xi32, #tpu.memory_space<vmem>>, vector<16xi32>,
      %gather3A_75 = tpu.vector_load_idx %arg7[%get3A_74] : memref<10240xf32, #tpu.memory_space<vmem>>[vector<16xi32>], vector<16xf32>,
      %get3A_76 = arith.constant 64 : index
      %get3A_77 = tpu.vector_load %arg10[%get3A_76] {strides = array<i32>} : memref<128xf32, #tpu.memory_space<vmem>>, vector<16xf32>,
      %div3A_78 = arith.divf %get3A_77, %gather3A_75 : vector<16xf32>
      %swap3A_79 = arith.constant 64 : index
      %swap3A_80 = tpu.vector_load %arg11[%swap3A_79] {strides = array<i32>} : memref<128xf32, #tpu.memory_space<vmem>>, vector<16xf32>,
      tpu.vector_store %arg11[%swap3A_79], %div3A_78 {strides = array<i32>} : memref<128xf32, #tpu.memory_space<vmem>>, vector<16xf32>,
      %mul3A_81 = arith.constant 128 : i32
      %mul3A_82 = arith.muli %while3A_21, %mul3A_81 : i32
      %add3A_83 = arith.constant 80 : i32
      %add3A_84 = arith.addi %mul3A_82, %add3A_83 : i32
      %get3A_85 = arith.index_cast %add3A_84 : i32 to index
      %get3A_86 = tpu.vector_load %arg9[%get3A_85] {strides = array<i32>} : memref<10112xi32, #tpu.memory_space<vmem>>, vector<16xi32>,
      %gather3A_87 = tpu.vector_load_idx %arg7[%get3A_86] : memref<10240xf32, #tpu.memory_space<vmem>>[vector<16xi32>], vector<16xf32>,
      %get3A_88 = arith.constant 80 : index
      %get3A_89 = tpu.vector_load %arg10[%get3A_88] {strides = array<i32>} : memref<128xf32, #tpu.memory_space<vmem>>, vector<16xf32>,
      %div3A_90 = arith.divf %get3A_89, %gather3A_87 : vector<16xf32>
      %swap3A_91 = arith.constant 80 : index
      %swap3A_92 = tpu.vector_load %arg11[%swap3A_91] {strides = array<i32>} : memref<128xf32, #tpu.memory_space<vmem>>, vector<16xf32>,
      tpu.vector_store %arg11[%swap3A_91], %div3A_90 {strides = array<i32>} : memref<128xf32, #tpu.memory_space<vmem>>, vector<16xf32>,
      %mul3A_93 = arith.constant 128 : i32
      %mul3A_94 = arith.muli %while3A_21, %mul3A_93 : i32
      %add3A_95 = arith.constant 96 : i32
      %add3A_96 = arith.addi %mul3A_94, %add3A_95 : i32
      %get3A_97 = arith.index_cast %add3A_96 : i32 to index
      %get3A_98 = tpu.vector_load %arg9[%get3A_97] {strides = array<i32>} : memref<10112xi32, #tpu.memory_space<vmem>>, vector<16xi32>,
      %gather3A_99 = tpu.vector_load_idx %arg7[%get3A_98] : memref<10240xf32, #tpu.memory_space<vmem>>[vector<16xi32>], vector<16xf32>,
      %get3A_100 = arith.constant 96 : index
      %get3A_101 = tpu.vector_load %arg10[%get3A_100] {strides = array<i32>} : memref<128xf32, #tpu.memory_space<vmem>>, vector<16xf32>,
      %div3A_102 = arith.divf %get3A_101, %gather3A_99 : vector<16xf32>
      %swap3A_103 = arith.constant 96 : index
      %swap3A_104 = tpu.vector_load %arg11[%swap3A_103] {strides = array<i32>} : memref<128xf32, #tpu.memory_space<vmem>>, vector<16xf32>,
      tpu.vector_store %arg11[%swap3A_103], %div3A_102 {strides = array<i32>} : memref<128xf32, #tpu.memory_space<vmem>>, vector<16xf32>,
      %mul3A_105 = arith.constant 128 : i32
      %mul3A_106 = arith.muli %while3A_21, %mul3A_105 : i32
      %add3A_107 = arith.constant 112 : i32
      %add3A_108 = arith.addi %mul3A_106, %add3A_107 : i32
      %get3A_109 = arith.index_cast %add3A_108 : i32 to index
      %get3A_110 = tpu.vector_load %arg9[%get3A_109] {strides = array<i32>} : memref<10112xi32, #tpu.memory_space<vmem>>, vector<16xi32>,
      %gather3A_111 = tpu.vector_load_idx %arg7[%get3A_110] : memref<10240xf32, #tpu.memory_space<vmem>>[vector<16xi32>], vector<16xf32>,
      %get3A_112 = arith.constant 112 : index
      %get3A_113 = tpu.vector_load %arg10[%get3A_112] {strides = array<i32>} : memref<128xf32, #tpu.memory_space<vmem>>, vector<16xf32>,
      %div3A_114 = arith.divf %get3A_113, %gather3A_111 : vector<16xf32>
      %swap3A_115 = arith.constant 112 : index
      %swap3A_116 = tpu.vector_load %arg11[%swap3A_115] {strides = array<i32>} : memref<128xf32, #tpu.memory_space<vmem>>, vector<16xf32>,
      tpu.vector_store %arg11[%swap3A_115], %div3A_114 {strides = array<i32>} : memref<128xf32, #tpu.memory_space<vmem>>, vector<16xf32>,
      %mul3A_117 = arith.constant 128 : i32
      %mul3A_118 = arith.muli %while3A_21, %mul3A_117 : i32
      %add3A_119 = arith.addi %mul3A_2, %mul3A_118 : i32
      "tpu.region"() ({
        %run_scoped3A = tpu.sem_alloc : memref<!tpu.dma_semaphore, #tpu.memory_space<semaphore_mem>>
        %dma_start3A = tpu.memref_slice %arg6[%add3A_119] : memref<320000xf32, #tpu.memory_space<hbm>> -> memref<128xf32, #tpu.memory_space<hbm>>
        %dma_start3A_120 = tpu.memref_slice %arg6[%add3A_119] : memref<320000xf32, #tpu.memory_space<hbm>> -> memref<128xf32, #tpu.memory_space<hbm>>
        tpu.enqueue_dma source(%arg11 : memref<128xf32, #tpu.memory_space<vmem>>) target(%dma_start3A_120 : memref<128xf32, #tpu.memory_space<hbm>>) target_semaphore(%run_scoped3A : memref<!tpu.dma_semaphore, #tpu.memory_space<semaphore_mem>>)
        %dma_wait3A = tpu.memref_slice %arg6[%add3A_119] : memref<320000xf32, #tpu.memory_space<hbm>> -> memref<128xf32, #tpu.memory_space<hbm>>
        %dma_wait3A_121 = tpu.memref_slice %arg6[%add3A_119] : memref<320000xf32, #tpu.memory_space<hbm>> -> memref<128xf32, #tpu.memory_space<hbm>>
        tpu.wait_dma2 semaphore(%run_scoped3A : memref<!tpu.dma_semaphore, #tpu.memory_space<semaphore_mem>>) src(%arg11 : memref<128xf32, #tpu.memory_space<vmem>>) dst(%dma_wait3A_121 : memref<128xf32, #tpu.memory_space<hbm>>)
        tpu.yield
      }) : () -> ()
    }
    %while3A_20 = arith.constant 1 : i32
    scf.for %while3A_21 = %while3A_18 to %while3A_14 step %while3A_20  : i32 {
      %mul3A_22 = arith.constant 128 : i32
      %mul3A_23 = arith.muli %while3A_21, %mul3A_22 : i32
      %add3A_24 = arith.addi %mul3A_2, %mul3A_23 : i32
      "tpu.region"() ({
        %run_scoped3A = tpu.sem_alloc : memref<!tpu.dma_semaphore, #tpu.memory_space<semaphore_mem>>
        %dma_start3A = tpu.memref_slice %arg2[%add3A_24] : memref<320000xf32, #tpu.memory_space<hbm>> -> memref<128xf32, #tpu.memory_space<hbm>>
        %dma_start3A_120 = tpu.memref_slice %arg2[%add3A_24] : memref<320000xf32, #tpu.memory_space<hbm>> -> memref<128xf32, #tpu.memory_space<hbm>>
        tpu.enqueue_dma source(%dma_start3A_120 : memref<128xf32, #tpu.memory_space<hbm>>) target(%arg10 : memref<128xf32, #tpu.memory_space<vmem>>) target_semaphore(%run_scoped3A : memref<!tpu.dma_semaphore, #tpu.memory_space<semaphore_mem>>)
        %dma_wait3A = tpu.memref_slice %arg2[%add3A_24] : memref<320000xf32, #tpu.memory_space<hbm>> -> memref<128xf32, #tpu.memory_space<hbm>>
        %dma_wait3A_121 = tpu.memref_slice %arg2[%add3A_24] : memref<320000xf32, #tpu.memory_space<hbm>> -> memref<128xf32, #tpu.memory_space<hbm>>
        tpu.wait_dma2 semaphore(%run_scoped3A : memref<!tpu.dma_semaphore, #tpu.memory_space<semaphore_mem>>) src(%dma_wait3A_121 : memref<128xf32, #tpu.memory_space<hbm>>) dst(%arg10 : memref<128xf32, #tpu.memory_space<vmem>>)
        tpu.yield
      }) : () -> ()
      %mul3A_25 = arith.constant 128 : i32
      %mul3A_26 = arith.muli %while3A_21, %mul3A_25 : i32
      %add3A_27 = arith.constant 0 : i32
      %add3A_28 = arith.addi %mul3A_26, %add3A_27 : i32
      %get3A = arith.index_cast %add3A_28 : i32 to index
      %get3A_29 = tpu.vector_load %arg9[%get3A] {strides = array<i32>} : memref<10112xi32, #tpu.memory_space<vmem>>, vector<16xi32>,
      %gather3A = tpu.vector_load_idx %arg7[%get3A_29] : memref<10240xf32, #tpu.memory_space<vmem>>[vector<16xi32>], vector<16xf32>,
      %get3A_30 = arith.constant 0 : index
      %get3A_31 = tpu.vector_load %arg10[%get3A_30] {strides = array<i32>} : memref<128xf32, #tpu.memory_space<vmem>>, vector<16xf32>,
      %div3A = arith.divf %get3A_31, %gather3A : vector<16xf32>
      %swap3A = arith.constant 0 : index
      %swap3A_32 = tpu.vector_load %arg11[%swap3A] {strides = array<i32>} : memref<128xf32, #tpu.memory_space<vmem>>, vector<16xf32>,
      tpu.vector_store %arg11[%swap3A], %div3A {strides = array<i32>} : memref<128xf32, #tpu.memory_space<vmem>>, vector<16xf32>,
      %mul3A_33 = arith.constant 128 : i32
      %mul3A_34 = arith.muli %while3A_21, %mul3A_33 : i32
      %add3A_35 = arith.constant 16 : i32
      %add3A_36 = arith.addi %mul3A_34, %add3A_35 : i32
      %get3A_37 = arith.index_cast %add3A_36 : i32 to index
      %get3A_38 = tpu.vector_load %arg9[%get3A_37] {strides = array<i32>} : memref<10112xi32, #tpu.memory_space<vmem>>, vector<16xi32>,
      %gather3A_39 = tpu.vector_load_idx %arg7[%get3A_38] : memref<10240xf32, #tpu.memory_space<vmem>>[vector<16xi32>], vector<16xf32>,
      %get3A_40 = arith.constant 16 : index
      %get3A_41 = tpu.vector_load %arg10[%get3A_40] {strides = array<i32>} : memref<128xf32, #tpu.memory_space<vmem>>, vector<16xf32>,
      %div3A_42 = arith.divf %get3A_41, %gather3A_39 : vector<16xf32>
      %swap3A_43 = arith.constant 16 : index
      %swap3A_44 = tpu.vector_load %arg11[%swap3A_43] {strides = array<i32>} : memref<128xf32, #tpu.memory_space<vmem>>, vector<16xf32>,
      tpu.vector_store %arg11[%swap3A_43], %div3A_42 {strides = array<i32>} : memref<128xf32, #tpu.memory_space<vmem>>, vector<16xf32>,
      %mul3A_45 = arith.constant 128 : i32
      %mul3A_46 = arith.muli %while3A_21, %mul3A_45 : i32
      %add3A_47 = arith.constant 32 : i32
      %add3A_48 = arith.addi %mul3A_46, %add3A_47 : i32
      %get3A_49 = arith.index_cast %add3A_48 : i32 to index
      %get3A_50 = tpu.vector_load %arg9[%get3A_49] {strides = array<i32>} : memref<10112xi32, #tpu.memory_space<vmem>>, vector<16xi32>,
      %gather3A_51 = tpu.vector_load_idx %arg7[%get3A_50] : memref<10240xf32, #tpu.memory_space<vmem>>[vector<16xi32>], vector<16xf32>,
      %get3A_52 = arith.constant 32 : index
      %get3A_53 = tpu.vector_load %arg10[%get3A_52] {strides = array<i32>} : memref<128xf32, #tpu.memory_space<vmem>>, vector<16xf32>,
      %div3A_54 = arith.divf %get3A_53, %gather3A_51 : vector<16xf32>
      %swap3A_55 = arith.constant 32 : index
      %swap3A_56 = tpu.vector_load %arg11[%swap3A_55] {strides = array<i32>} : memref<128xf32, #tpu.memory_space<vmem>>, vector<16xf32>,
      tpu.vector_store %arg11[%swap3A_55], %div3A_54 {strides = array<i32>} : memref<128xf32, #tpu.memory_space<vmem>>, vector<16xf32>,
      %mul3A_57 = arith.constant 128 : i32
      %mul3A_58 = arith.muli %while3A_21, %mul3A_57 : i32
      %add3A_59 = arith.constant 48 : i32
      %add3A_60 = arith.addi %mul3A_58, %add3A_59 : i32
      %get3A_61 = arith.index_cast %add3A_60 : i32 to index
      %get3A_62 = tpu.vector_load %arg9[%get3A_61] {strides = array<i32>} : memref<10112xi32, #tpu.memory_space<vmem>>, vector<16xi32>,
      %gather3A_63 = tpu.vector_load_idx %arg7[%get3A_62] : memref<10240xf32, #tpu.memory_space<vmem>>[vector<16xi32>], vector<16xf32>,
      %get3A_64 = arith.constant 48 : index
      %get3A_65 = tpu.vector_load %arg10[%get3A_64] {strides = array<i32>} : memref<128xf32, #tpu.memory_space<vmem>>, vector<16xf32>,
      %div3A_66 = arith.divf %get3A_65, %gather3A_63 : vector<16xf32>
      %swap3A_67 = arith.constant 48 : index
      %swap3A_68 = tpu.vector_load %arg11[%swap3A_67] {strides = array<i32>} : memref<128xf32, #tpu.memory_space<vmem>>, vector<16xf32>,
      tpu.vector_store %arg11[%swap3A_67], %div3A_66 {strides = array<i32>} : memref<128xf32, #tpu.memory_space<vmem>>, vector<16xf32>,
      %mul3A_69 = arith.constant 128 : i32
      %mul3A_70 = arith.muli %while3A_21, %mul3A_69 : i32
      %add3A_71 = arith.constant 64 : i32
      %add3A_72 = arith.addi %mul3A_70, %add3A_71 : i32
      %get3A_73 = arith.index_cast %add3A_72 : i32 to index
      %get3A_74 = tpu.vector_load %arg9[%get3A_73] {strides = array<i32>} : memref<10112xi32, #tpu.memory_space<vmem>>, vector<16xi32>,
      %gather3A_75 = tpu.vector_load_idx %arg7[%get3A_74] : memref<10240xf32, #tpu.memory_space<vmem>>[vector<16xi32>], vector<16xf32>,
      %get3A_76 = arith.constant 64 : index
      %get3A_77 = tpu.vector_load %arg10[%get3A_76] {strides = array<i32>} : memref<128xf32, #tpu.memory_space<vmem>>, vector<16xf32>,
      %div3A_78 = arith.divf %get3A_77, %gather3A_75 : vector<16xf32>
      %swap3A_79 = arith.constant 64 : index
      %swap3A_80 = tpu.vector_load %arg11[%swap3A_79] {strides = array<i32>} : memref<128xf32, #tpu.memory_space<vmem>>, vector<16xf32>,
      tpu.vector_store %arg11[%swap3A_79], %div3A_78 {strides = array<i32>} : memref<128xf32, #tpu.memory_space<vmem>>, vector<16xf32>,
      %mul3A_81 = arith.constant 128 : i32
      %mul3A_82 = arith.muli %while3A_21, %mul3A_81 : i32
      %add3A_83 = arith.constant 80 : i32
      %add3A_84 = arith.addi %mul3A_82, %add3A_83 : i32
      %get3A_85 = arith.index_cast %add3A_84 : i32 to index
      %get3A_86 = tpu.vector_load %arg9[%get3A_85] {strides = array<i32>} : memref<10112xi32, #tpu.memory_space<vmem>>, vector<16xi32>,
      %gather3A_87 = tpu.vector_load_idx %arg7[%get3A_86] : memref<10240xf32, #tpu.memory_space<vmem>>[vector<16xi32>], vector<16xf32>,
      %get3A_88 = arith.constant 80 : index
      %get3A_89 = tpu.vector_load %arg10[%get3A_88] {strides = array<i32>} : memref<128xf32, #tpu.memory_space<vmem>>, vector<16xf32>,
      %div3A_90 = arith.divf %get3A_89, %gather3A_87 : vector<16xf32>
      %swap3A_91 = arith.constant 80 : index
      %swap3A_92 = tpu.vector_load %arg11[%swap3A_91] {strides = array<i32>} : memref<128xf32, #tpu.memory_space<vmem>>, vector<16xf32>,
      tpu.vector_store %arg11[%swap3A_91], %div3A_90 {strides = array<i32>} : memref<128xf32, #tpu.memory_space<vmem>>, vector<16xf32>,
      %mul3A_93 = arith.constant 128 : i32
      %mul3A_94 = arith.muli %while3A_21, %mul3A_93 : i32
      %add3A_95 = arith.constant 96 : i32
      %add3A_96 = arith.addi %mul3A_94, %add3A_95 : i32
      %get3A_97 = arith.index_cast %add3A_96 : i32 to index
      %get3A_98 = tpu.vector_load %arg9[%get3A_97] {strides = array<i32>} : memref<10112xi32, #tpu.memory_space<vmem>>, vector<16xi32>,
      %gather3A_99 = tpu.vector_load_idx %arg7[%get3A_98] : memref<10240xf32, #tpu.memory_space<vmem>>[vector<16xi32>], vector<16xf32>,
      %get3A_100 = arith.constant 96 : index
      %get3A_101 = tpu.vector_load %arg10[%get3A_100] {strides = array<i32>} : memref<128xf32, #tpu.memory_space<vmem>>, vector<16xf32>,
      %div3A_102 = arith.divf %get3A_101, %gather3A_99 : vector<16xf32>
      %swap3A_103 = arith.constant 96 : index
      %swap3A_104 = tpu.vector_load %arg11[%swap3A_103] {strides = array<i32>} : memref<128xf32, #tpu.memory_space<vmem>>, vector<16xf32>,
      tpu.vector_store %arg11[%swap3A_103], %div3A_102 {strides = array<i32>} : memref<128xf32, #tpu.memory_space<vmem>>, vector<16xf32>,
      %mul3A_105 = arith.constant 128 : i32
      %mul3A_106 = arith.muli %while3A_21, %mul3A_105 : i32
      %add3A_107 = arith.constant 112 : i32
      %add3A_108 = arith.addi %mul3A_106, %add3A_107 : i32
      %get3A_109 = arith.index_cast %add3A_108 : i32 to index
      %get3A_110 = tpu.vector_load %arg9[%get3A_109] {strides = array<i32>} : memref<10112xi32, #tpu.memory_space<vmem>>, vector<16xi32>,
      %gather3A_111 = tpu.vector_load_idx %arg7[%get3A_110] : memref<10240xf32, #tpu.memory_space<vmem>>[vector<16xi32>], vector<16xf32>,
      %get3A_112 = arith.constant 112 : index
      %get3A_113 = tpu.vector_load %arg10[%get3A_112] {strides = array<i32>} : memref<128xf32, #tpu.memory_space<vmem>>, vector<16xf32>,
      %div3A_114 = arith.divf %get3A_113, %gather3A_111 : vector<16xf32>
      %swap3A_115 = arith.constant 112 : index
      %swap3A_116 = tpu.vector_load %arg11[%swap3A_115] {strides = array<i32>} : memref<128xf32, #tpu.memory_space<vmem>>, vector<16xf32>,
      tpu.vector_store %arg11[%swap3A_115], %div3A_114 {strides = array<i32>} : memref<128xf32, #tpu.memory_space<vmem>>, vector<16xf32>,
      %mul3A_117 = arith.constant 128 : i32
      %mul3A_118 = arith.muli %while3A_21, %mul3A_117 : i32
      %add3A_119 = arith.addi %mul3A_2, %mul3A_118 : i32
      "tpu.region"() ({
        %run_scoped3A = tpu.sem_alloc : memref<!tpu.dma_semaphore, #tpu.memory_space<semaphore_mem>>
        %dma_start3A = tpu.memref_slice %arg6[%add3A_119] : memref<320000xf32, #tpu.memory_space<hbm>> -> memref<128xf32, #tpu.memory_space<hbm>>
        %dma_start3A_120 = tpu.memref_slice %arg6[%add3A_119] : memref<320000xf32, #tpu.memory_space<hbm>> -> memref<128xf32, #tpu.memory_space<hbm>>
        tpu.enqueue_dma source(%arg11 : memref<128xf32, #tpu.memory_space<vmem>>) target(%dma_start3A_120 : memref<128xf32, #tpu.memory_space<hbm>>) target_semaphore(%run_scoped3A : memref<!tpu.dma_semaphore, #tpu.memory_space<semaphore_mem>>)
        %dma_wait3A = tpu.memref_slice %arg6[%add3A_119] : memref<320000xf32, #tpu.memory_space<hbm>> -> memref<128xf32, #tpu.memory_space<hbm>>
        %dma_wait3A_121 = tpu.memref_slice %arg6[%add3A_119] : memref<320000xf32, #tpu.memory_space<hbm>> -> memref<128xf32, #tpu.memory_space<hbm>>
        tpu.wait_dma2 semaphore(%run_scoped3A : memref<!tpu.dma_semaphore, #tpu.memory_space<semaphore_mem>>) src(%arg11 : memref<128xf32, #tpu.memory_space<vmem>>) dst(%dma_wait3A_121 : memref<128xf32, #tpu.memory_space<hbm>>)
        tpu.yield
      }) : () -> ()
    }
    return
  }
}

#map = affine_map<(d0, d1) -> (0, 0)>
#map1 = affine_map<(d0, d1) -> (0)>
module attributes {stable_mosaic.version = 14 : i64} {
  func.func @_gather_body(%arg0: i32, %arg1: i32, %arg2: memref<10000x128xf32, #tpu.memory_space<hbm>>, %arg3: memref<323584xi32, #tpu.memory_space<hbm>>, %arg4: memref<320000x128xf32, #tpu.memory_space<hbm>>, %arg5: memref<10112xi32, #tpu.memory_space<vmem>>, %arg6: memref<128x128xf32, #tpu.memory_space<vmem>>, %arg7: memref<128x128xf32, #tpu.memory_space<vmem>>, %arg8: memref<128x128xf32, #tpu.memory_space<vmem>>, %arg9: memref<128x128xf32, #tpu.memory_space<vmem>>, %arg10: memref<!tpu.dma_semaphore, #tpu.memory_space<semaphore_mem>>, %arg11: memref<!tpu.dma_semaphore, #tpu.memory_space<semaphore_mem>>, %arg12: memref<!tpu.dma_semaphore, #tpu.memory_space<semaphore_mem>>, %arg13: memref<!tpu.dma_semaphore, #tpu.memory_space<semaphore_mem>>) attributes {dimension_semantics = [#tpu.dimension_semantics<core_parallel>, #tpu.dimension_semantics<subcore_parallel>], iteration_bounds = array<i64: 2, 16>, scalar_prefetch = 0 : i64, scratch_operands = 9 : i64, tpu.core_type = #tpu.core_type<sc_vector_subcore>, window_params = [{transform_indices = #map}, {transform_indices = #map1}, {transform_indices = #map}]} {
    %mul3A = arith.constant 2 : i32
    %mul3A_0 = arith.muli %arg1, %mul3A : i32
    %add3A = arith.addi %mul3A_0, %arg0 : i32
    %mul3A_1 = arith.constant 10112 : i32
    %mul3A_2 = arith.muli %add3A, %mul3A_1 : i32
    %mul3A_3 = arith.constant 10112 : i32
    %mul3A_4 = arith.muli %add3A, %mul3A_3 : i32
    "tpu.region"() ({
      %run_scoped3A = tpu.sem_alloc : memref<!tpu.dma_semaphore, #tpu.memory_space<semaphore_mem>>
      %dma_start3A_82 = tpu.memref_slice %arg3[%mul3A_4] : memref<323584xi32, #tpu.memory_space<hbm>> -> memref<10112xi32, #tpu.memory_space<hbm>>
      %dma_start3A_83 = tpu.memref_slice %arg3[%mul3A_4] : memref<323584xi32, #tpu.memory_space<hbm>> -> memref<10112xi32, #tpu.memory_space<hbm>>
      tpu.enqueue_dma source(%dma_start3A_83 : memref<10112xi32, #tpu.memory_space<hbm>>) target(%arg5 : memref<10112xi32, #tpu.memory_space<vmem>>) target_semaphore(%run_scoped3A : memref<!tpu.dma_semaphore, #tpu.memory_space<semaphore_mem>>)
      %dma_wait3A_84 = tpu.memref_slice %arg3[%mul3A_4] : memref<323584xi32, #tpu.memory_space<hbm>> -> memref<10112xi32, #tpu.memory_space<hbm>>
      %dma_wait3A_85 = tpu.memref_slice %arg3[%mul3A_4] : memref<323584xi32, #tpu.memory_space<hbm>> -> memref<10112xi32, #tpu.memory_space<hbm>>
      tpu.wait_dma2 semaphore(%run_scoped3A : memref<!tpu.dma_semaphore, #tpu.memory_space<semaphore_mem>>) src(%dma_wait3A_85 : memref<10112xi32, #tpu.memory_space<hbm>>) dst(%arg5 : memref<10112xi32, #tpu.memory_space<vmem>>)
      tpu.yield
    }) : () -> ()
    %eq3A = arith.constant 31 : i32
    %eq3A_5 = arith.cmpi eq, %add3A, %eq3A : i32
    %jit3A = arith.constant 51 : i32
    %jit3A_6 = arith.constant 79 : i32
    %select_n3A = arith.select %eq3A_5, %jit3A, %jit3A_6 : i32
    %dma_start3A = arith.constant 0 : i32
    %dma_start3A_7 = tpu.memref_slice %arg5[%dma_start3A] : memref<10112xi32, #tpu.memory_space<vmem>> -> memref<128xi32, #tpu.memory_space<vmem>>
    %dma_start3A_8 = arith.constant 0 : i32
    %dma_start3A_9 = arith.constant 0 : i32
    %dma_start3A_10 = tpu.memref_slice %arg2[%dma_start3A_8, %dma_start3A_9] : memref<10000x128xf32, #tpu.memory_space<hbm>> -> memref<10000x128xf32, #tpu.memory_space<hbm>>
    tpu.enqueue_indirect_dma source(%dma_start3A_10 : memref<10000x128xf32, #tpu.memory_space<hbm>>) target(%arg6 : memref<128x128xf32, #tpu.memory_space<vmem>>) offsets(%dma_start3A_7 : memref<128xi32, #tpu.memory_space<vmem>>) semaphore(%arg10 : memref<!tpu.dma_semaphore, #tpu.memory_space<semaphore_mem>>)
    %dma_start3A_11 = arith.constant 128 : i32
    %dma_start3A_12 = tpu.memref_slice %arg5[%dma_start3A_11] : memref<10112xi32, #tpu.memory_space<vmem>> -> memref<128xi32, #tpu.memory_space<vmem>>
    %dma_start3A_13 = arith.constant 0 : i32
    %dma_start3A_14 = arith.constant 0 : i32
    %dma_start3A_15 = tpu.memref_slice %arg2[%dma_start3A_13, %dma_start3A_14] : memref<10000x128xf32, #tpu.memory_space<hbm>> -> memref<10000x128xf32, #tpu.memory_space<hbm>>
    tpu.enqueue_indirect_dma source(%dma_start3A_15 : memref<10000x128xf32, #tpu.memory_space<hbm>>) target(%arg7 : memref<128x128xf32, #tpu.memory_space<vmem>>) offsets(%dma_start3A_12 : memref<128xi32, #tpu.memory_space<vmem>>) semaphore(%arg11 : memref<!tpu.dma_semaphore, #tpu.memory_space<semaphore_mem>>)
    %dma_start3A_16 = arith.constant 256 : i32
    %dma_start3A_17 = tpu.memref_slice %arg5[%dma_start3A_16] : memref<10112xi32, #tpu.memory_space<vmem>> -> memref<128xi32, #tpu.memory_space<vmem>>
    %dma_start3A_18 = arith.constant 0 : i32
    %dma_start3A_19 = arith.constant 0 : i32
    %dma_start3A_20 = tpu.memref_slice %arg2[%dma_start3A_18, %dma_start3A_19] : memref<10000x128xf32, #tpu.memory_space<hbm>> -> memref<10000x128xf32, #tpu.memory_space<hbm>>
    tpu.enqueue_indirect_dma source(%dma_start3A_20 : memref<10000x128xf32, #tpu.memory_space<hbm>>) target(%arg8 : memref<128x128xf32, #tpu.memory_space<vmem>>) offsets(%dma_start3A_17 : memref<128xi32, #tpu.memory_space<vmem>>) semaphore(%arg12 : memref<!tpu.dma_semaphore, #tpu.memory_space<semaphore_mem>>)
    %sub3A = arith.constant 3 : i32
    %sub3A_21 = arith.subi %select_n3A, %sub3A : i32
    %jit3A_22 = arith.constant 4 : i32
    %div3A = arith.divsi %sub3A_21, %jit3A_22 : i32
    %sign3A = arith.constant 0 : i32
    %sign3A_23 = arith.cmpi sgt, %sub3A_21, %sign3A : i32
    %sign3A_24 = arith.extui %sign3A_23 : i1 to i32
    %sign3A_25 = arith.constant 0 : i32
    %sign3A_26 = arith.cmpi slt, %sub3A_21, %sign3A_25 : i32
    %sign3A_27 = arith.extui %sign3A_26 : i1 to i32
    %sign3A_28 = arith.subi %sign3A_24, %sign3A_27 : i32
    %sign3A_29 = arith.constant 0 : i32
    %sign3A_30 = arith.cmpi sgt, %jit3A_22, %sign3A_29 : i32
    %sign3A_31 = arith.extui %sign3A_30 : i1 to i32
    %sign3A_32 = arith.constant 0 : i32
    %sign3A_33 = arith.cmpi slt, %jit3A_22, %sign3A_32 : i32
    %sign3A_34 = arith.extui %sign3A_33 : i1 to i32
    %sign3A_35 = arith.subi %sign3A_31, %sign3A_34 : i32
    %ne3A = arith.cmpi ne, %sign3A_28, %sign3A_35 : i32
    %rem3A = arith.remsi %sub3A_21, %jit3A_22 : i32
    %ne3A_36 = arith.constant 0 : i32
    %ne3A_37 = arith.cmpi ne, %rem3A, %ne3A_36 : i32
    %and3A = arith.andi %ne3A, %ne3A_37 : i1
    %sub3A_38 = arith.constant 1 : i32
    %sub3A_39 = arith.subi %div3A, %sub3A_38 : i32
    %select_n3A_40 = arith.select %and3A, %sub3A_39, %div3A : i32
    %while3A = arith.constant 0 : i32
    %while3A_41 = arith.constant 0 : i32
    %while3A_42 = arith.subi %select_n3A_40, %while3A_41 : i32
    %while3A_43 = arith.addi %while3A_41, %while3A_42 : i32
    %while3A_44 = arith.constant 1 : i32
    %while3A_45 = arith.divsi %while3A_42, %while3A_44 : i32
    %while3A_46 = arith.muli %while3A_45, %while3A_44 : i32
    %while3A_47 = arith.addi %while3A_41, %while3A_46 : i32
    %while3A_48 = arith.constant 1 : i32
    scf.for %while3A_82 = %while3A_41 to %while3A_47 step %while3A_48  : i32 {
      %mul3A_83 = arith.constant 4 : i32
      %mul3A_84 = arith.muli %mul3A_83, %while3A_82 : i32
      %add3A_85 = arith.constant 3 : i32
      %add3A_86 = arith.addi %mul3A_84, %add3A_85 : i32
      %mul3A_87 = arith.constant 128 : i32
      %mul3A_88 = arith.muli %add3A_86, %mul3A_87 : i32
      %dma_start3A_89 = tpu.memref_slice %arg5[%mul3A_88] : memref<10112xi32, #tpu.memory_space<vmem>> -> memref<128xi32, #tpu.memory_space<vmem>>
      %dma_start3A_90 = arith.constant 0 : i32
      %dma_start3A_91 = arith.constant 0 : i32
      %dma_start3A_92 = tpu.memref_slice %arg2[%dma_start3A_90, %dma_start3A_91] : memref<10000x128xf32, #tpu.memory_space<hbm>> -> memref<10000x128xf32, #tpu.memory_space<hbm>>
      tpu.enqueue_indirect_dma source(%dma_start3A_92 : memref<10000x128xf32, #tpu.memory_space<hbm>>) target(%arg9 : memref<128x128xf32, #tpu.memory_space<vmem>>) offsets(%dma_start3A_89 : memref<128xi32, #tpu.memory_space<vmem>>) semaphore(%arg13 : memref<!tpu.dma_semaphore, #tpu.memory_space<semaphore_mem>>)
      %dma_wait3A_93 = arith.constant 0 : i32
      %dma_wait3A_94 = arith.constant 0 : i32
      %dma_wait3A_95 = tpu.memref_slice %arg2[%dma_wait3A_93, %dma_wait3A_94] : memref<10000x128xf32, #tpu.memory_space<hbm>> -> memref<128x128xf32, #tpu.memory_space<hbm>>
      %dma_wait3A_96 = arith.constant 0 : i32
      %dma_wait3A_97 = arith.constant 0 : i32
      %dma_wait3A_98 = tpu.memref_slice %arg2[%dma_wait3A_96, %dma_wait3A_97] : memref<10000x128xf32, #tpu.memory_space<hbm>> -> memref<128x128xf32, #tpu.memory_space<hbm>>
      tpu.wait_dma2 semaphore(%arg10 : memref<!tpu.dma_semaphore, #tpu.memory_space<semaphore_mem>>) src(%dma_wait3A_98 : memref<128x128xf32, #tpu.memory_space<hbm>>) dst(%arg6 : memref<128x128xf32, #tpu.memory_space<vmem>>)
      %mul3A_99 = arith.constant 128 : i32
      %mul3A_100 = arith.muli %mul3A_84, %mul3A_99 : i32
      %add3A_101 = arith.addi %mul3A_2, %mul3A_100 : i32
      "tpu.region"() ({
        %run_scoped3A = tpu.sem_alloc : memref<!tpu.dma_semaphore, #tpu.memory_space<semaphore_mem>>
        %dma_start3A_150 = arith.constant 0 : i32
        %dma_start3A_151 = tpu.memref_slice %arg4[%add3A_101, %dma_start3A_150] : memref<320000x128xf32, #tpu.memory_space<hbm>> -> memref<128x128xf32, #tpu.memory_space<hbm>>
        %dma_start3A_152 = arith.constant 0 : i32
        %dma_start3A_153 = tpu.memref_slice %arg4[%add3A_101, %dma_start3A_152] : memref<320000x128xf32, #tpu.memory_space<hbm>> -> memref<128x128xf32, #tpu.memory_space<hbm>>
        tpu.enqueue_dma source(%arg6 : memref<128x128xf32, #tpu.memory_space<vmem>>) target(%dma_start3A_153 : memref<128x128xf32, #tpu.memory_space<hbm>>) target_semaphore(%run_scoped3A : memref<!tpu.dma_semaphore, #tpu.memory_space<semaphore_mem>>)
        %dma_wait3A_154 = arith.constant 0 : i32
        %dma_wait3A_155 = tpu.memref_slice %arg4[%add3A_101, %dma_wait3A_154] : memref<320000x128xf32, #tpu.memory_space<hbm>> -> memref<128x128xf32, #tpu.memory_space<hbm>>
        %dma_wait3A_156 = arith.constant 0 : i32
        %dma_wait3A_157 = tpu.memref_slice %arg4[%add3A_101, %dma_wait3A_156] : memref<320000x128xf32, #tpu.memory_space<hbm>> -> memref<128x128xf32, #tpu.memory_space<hbm>>
        tpu.wait_dma2 semaphore(%run_scoped3A : memref<!tpu.dma_semaphore, #tpu.memory_space<semaphore_mem>>) src(%arg6 : memref<128x128xf32, #tpu.memory_space<vmem>>) dst(%dma_wait3A_157 : memref<128x128xf32, #tpu.memory_space<hbm>>)
        tpu.yield
      }) : () -> ()
      %add3A_102 = arith.constant 4 : i32
      %add3A_103 = arith.addi %mul3A_84, %add3A_102 : i32
      %lt3A = arith.cmpi slt, %add3A_103, %select_n3A : i32
      %convert_element_type3A = arith.extui %lt3A : i1 to i32
      %cond3A = arith.constant 0 : i32
      %cond3A_104 = arith.cmpi ne, %convert_element_type3A, %cond3A : i32
      scf.if %cond3A_104 {
        %add3A_150 = arith.constant 4 : i32
        %add3A_151 = arith.addi %mul3A_84, %add3A_150 : i32
        %mul3A_152 = arith.constant 128 : i32
        %mul3A_153 = arith.muli %add3A_151, %mul3A_152 : i32
        %dma_start3A_154 = tpu.memref_slice %arg5[%mul3A_153] : memref<10112xi32, #tpu.memory_space<vmem>> -> memref<128xi32, #tpu.memory_space<vmem>>
        %dma_start3A_155 = arith.constant 0 : i32
        %dma_start3A_156 = arith.constant 0 : i32
        %dma_start3A_157 = tpu.memref_slice %arg2[%dma_start3A_155, %dma_start3A_156] : memref<10000x128xf32, #tpu.memory_space<hbm>> -> memref<10000x128xf32, #tpu.memory_space<hbm>>
        tpu.enqueue_indirect_dma source(%dma_start3A_157 : memref<10000x128xf32, #tpu.memory_space<hbm>>) target(%arg6 : memref<128x128xf32, #tpu.memory_space<vmem>>) offsets(%dma_start3A_154 : memref<128xi32, #tpu.memory_space<vmem>>) semaphore(%arg10 : memref<!tpu.dma_semaphore, #tpu.memory_space<semaphore_mem>>)
      } else {
      }
      %add3A_105 = arith.constant 1 : i32
      %add3A_106 = arith.addi %mul3A_84, %add3A_105 : i32
      %dma_wait3A_107 = arith.constant 0 : i32
      %dma_wait3A_108 = arith.constant 0 : i32
      %dma_wait3A_109 = tpu.memref_slice %arg2[%dma_wait3A_107, %dma_wait3A_108] : memref<10000x128xf32, #tpu.memory_space<hbm>> -> memref<128x128xf32, #tpu.memory_space<hbm>>
      %dma_wait3A_110 = arith.constant 0 : i32
      %dma_wait3A_111 = arith.constant 0 : i32
      %dma_wait3A_112 = tpu.memref_slice %arg2[%dma_wait3A_110, %dma_wait3A_111] : memref<10000x128xf32, #tpu.memory_space<hbm>> -> memref<128x128xf32, #tpu.memory_space<hbm>>
      tpu.wait_dma2 semaphore(%arg11 : memref<!tpu.dma_semaphore, #tpu.memory_space<semaphore_mem>>) src(%dma_wait3A_112 : memref<128x128xf32, #tpu.memory_space<hbm>>) dst(%arg7 : memref<128x128xf32, #tpu.memory_space<vmem>>)
      %mul3A_113 = arith.constant 128 : i32
      %mul3A_114 = arith.muli %add3A_106, %mul3A_113 : i32
      %add3A_115 = arith.addi %mul3A_2, %mul3A_114 : i32
      "tpu.region"() ({
        %run_scoped3A = tpu.sem_alloc : memref<!tpu.dma_semaphore, #tpu.memory_space<semaphore_mem>>
        %dma_start3A_150 = arith.constant 0 : i32
        %dma_start3A_151 = tpu.memref_slice %arg4[%add3A_115, %dma_start3A_150] : memref<320000x128xf32, #tpu.memory_space<hbm>> -> memref<128x128xf32, #tpu.memory_space<hbm>>
        %dma_start3A_152 = arith.constant 0 : i32
        %dma_start3A_153 = tpu.memref_slice %arg4[%add3A_115, %dma_start3A_152] : memref<320000x128xf32, #tpu.memory_space<hbm>> -> memref<128x128xf32, #tpu.memory_space<hbm>>
        tpu.enqueue_dma source(%arg7 : memref<128x128xf32, #tpu.memory_space<vmem>>) target(%dma_start3A_153 : memref<128x128xf32, #tpu.memory_space<hbm>>) target_semaphore(%run_scoped3A : memref<!tpu.dma_semaphore, #tpu.memory_space<semaphore_mem>>)
        %dma_wait3A_154 = arith.constant 0 : i32
        %dma_wait3A_155 = tpu.memref_slice %arg4[%add3A_115, %dma_wait3A_154] : memref<320000x128xf32, #tpu.memory_space<hbm>> -> memref<128x128xf32, #tpu.memory_space<hbm>>
        %dma_wait3A_156 = arith.constant 0 : i32
        %dma_wait3A_157 = tpu.memref_slice %arg4[%add3A_115, %dma_wait3A_156] : memref<320000x128xf32, #tpu.memory_space<hbm>> -> memref<128x128xf32, #tpu.memory_space<hbm>>
        tpu.wait_dma2 semaphore(%run_scoped3A : memref<!tpu.dma_semaphore, #tpu.memory_space<semaphore_mem>>) src(%arg7 : memref<128x128xf32, #tpu.memory_space<vmem>>) dst(%dma_wait3A_157 : memref<128x128xf32, #tpu.memory_space<hbm>>)
        tpu.yield
      }) : () -> ()
      %add3A_116 = arith.constant 5 : i32
      %add3A_117 = arith.addi %mul3A_84, %add3A_116 : i32
      %lt3A_118 = arith.cmpi slt, %add3A_117, %select_n3A : i32
      %convert_element_type3A_119 = arith.extui %lt3A_118 : i1 to i32
      %cond3A_120 = arith.constant 0 : i32
      %cond3A_121 = arith.cmpi ne, %convert_element_type3A_119, %cond3A_120 : i32
      scf.if %cond3A_121 {
        %add3A_150 = arith.constant 5 : i32
        %add3A_151 = arith.addi %mul3A_84, %add3A_150 : i32
        %mul3A_152 = arith.constant 128 : i32
        %mul3A_153 = arith.muli %add3A_151, %mul3A_152 : i32
        %dma_start3A_154 = tpu.memref_slice %arg5[%mul3A_153] : memref<10112xi32, #tpu.memory_space<vmem>> -> memref<128xi32, #tpu.memory_space<vmem>>
        %dma_start3A_155 = arith.constant 0 : i32
        %dma_start3A_156 = arith.constant 0 : i32
        %dma_start3A_157 = tpu.memref_slice %arg2[%dma_start3A_155, %dma_start3A_156] : memref<10000x128xf32, #tpu.memory_space<hbm>> -> memref<10000x128xf32, #tpu.memory_space<hbm>>
        tpu.enqueue_indirect_dma source(%dma_start3A_157 : memref<10000x128xf32, #tpu.memory_space<hbm>>) target(%arg7 : memref<128x128xf32, #tpu.memory_space<vmem>>) offsets(%dma_start3A_154 : memref<128xi32, #tpu.memory_space<vmem>>) semaphore(%arg11 : memref<!tpu.dma_semaphore, #tpu.memory_space<semaphore_mem>>)
      } else {
      }
      %add3A_122 = arith.constant 2 : i32
      %add3A_123 = arith.addi %mul3A_84, %add3A_122 : i32
      %dma_wait3A_124 = arith.constant 0 : i32
      %dma_wait3A_125 = arith.constant 0 : i32
      %dma_wait3A_126 = tpu.memref_slice %arg2[%dma_wait3A_124, %dma_wait3A_125] : memref<10000x128xf32, #tpu.memory_space<hbm>> -> memref<128x128xf32, #tpu.memory_space<hbm>>
      %dma_wait3A_127 = arith.constant 0 : i32
      %dma_wait3A_128 = arith.constant 0 : i32
      %dma_wait3A_129 = tpu.memref_slice %arg2[%dma_wait3A_127, %dma_wait3A_128] : memref<10000x128xf32, #tpu.memory_space<hbm>> -> memref<128x128xf32, #tpu.memory_space<hbm>>
      tpu.wait_dma2 semaphore(%arg12 : memref<!tpu.dma_semaphore, #tpu.memory_space<semaphore_mem>>) src(%dma_wait3A_129 : memref<128x128xf32, #tpu.memory_space<hbm>>) dst(%arg8 : memref<128x128xf32, #tpu.memory_space<vmem>>)
      %mul3A_130 = arith.constant 128 : i32
      %mul3A_131 = arith.muli %add3A_123, %mul3A_130 : i32
      %add3A_132 = arith.addi %mul3A_2, %mul3A_131 : i32
      "tpu.region"() ({
        %run_scoped3A = tpu.sem_alloc : memref<!tpu.dma_semaphore, #tpu.memory_space<semaphore_mem>>
        %dma_start3A_150 = arith.constant 0 : i32
        %dma_start3A_151 = tpu.memref_slice %arg4[%add3A_132, %dma_start3A_150] : memref<320000x128xf32, #tpu.memory_space<hbm>> -> memref<128x128xf32, #tpu.memory_space<hbm>>
        %dma_start3A_152 = arith.constant 0 : i32
        %dma_start3A_153 = tpu.memref_slice %arg4[%add3A_132, %dma_start3A_152] : memref<320000x128xf32, #tpu.memory_space<hbm>> -> memref<128x128xf32, #tpu.memory_space<hbm>>
        tpu.enqueue_dma source(%arg8 : memref<128x128xf32, #tpu.memory_space<vmem>>) target(%dma_start3A_153 : memref<128x128xf32, #tpu.memory_space<hbm>>) target_semaphore(%run_scoped3A : memref<!tpu.dma_semaphore, #tpu.memory_space<semaphore_mem>>)
        %dma_wait3A_154 = arith.constant 0 : i32
        %dma_wait3A_155 = tpu.memref_slice %arg4[%add3A_132, %dma_wait3A_154] : memref<320000x128xf32, #tpu.memory_space<hbm>> -> memref<128x128xf32, #tpu.memory_space<hbm>>
        %dma_wait3A_156 = arith.constant 0 : i32
        %dma_wait3A_157 = tpu.memref_slice %arg4[%add3A_132, %dma_wait3A_156] : memref<320000x128xf32, #tpu.memory_space<hbm>> -> memref<128x128xf32, #tpu.memory_space<hbm>>
        tpu.wait_dma2 semaphore(%run_scoped3A : memref<!tpu.dma_semaphore, #tpu.memory_space<semaphore_mem>>) src(%arg8 : memref<128x128xf32, #tpu.memory_space<vmem>>) dst(%dma_wait3A_157 : memref<128x128xf32, #tpu.memory_space<hbm>>)
        tpu.yield
      }) : () -> ()
      %add3A_133 = arith.constant 6 : i32
      %add3A_134 = arith.addi %mul3A_84, %add3A_133 : i32
      %lt3A_135 = arith.cmpi slt, %add3A_134, %select_n3A : i32
      %convert_element_type3A_136 = arith.extui %lt3A_135 : i1 to i32
      %cond3A_137 = arith.constant 0 : i32
      %cond3A_138 = arith.cmpi ne, %convert_element_type3A_136, %cond3A_137 : i32
      scf.if %cond3A_138 {
        %add3A_150 = arith.constant 6 : i32
        %add3A_151 = arith.addi %mul3A_84, %add3A_150 : i32
        %mul3A_152 = arith.constant 128 : i32
        %mul3A_153 = arith.muli %add3A_151, %mul3A_152 : i32
        %dma_start3A_154 = tpu.memref_slice %arg5[%mul3A_153] : memref<10112xi32, #tpu.memory_space<vmem>> -> memref<128xi32, #tpu.memory_space<vmem>>
        %dma_start3A_155 = arith.constant 0 : i32
        %dma_start3A_156 = arith.constant 0 : i32
        %dma_start3A_157 = tpu.memref_slice %arg2[%dma_start3A_155, %dma_start3A_156] : memref<10000x128xf32, #tpu.memory_space<hbm>> -> memref<10000x128xf32, #tpu.memory_space<hbm>>
        tpu.enqueue_indirect_dma source(%dma_start3A_157 : memref<10000x128xf32, #tpu.memory_space<hbm>>) target(%arg8 : memref<128x128xf32, #tpu.memory_space<vmem>>) offsets(%dma_start3A_154 : memref<128xi32, #tpu.memory_space<vmem>>) semaphore(%arg12 : memref<!tpu.dma_semaphore, #tpu.memory_space<semaphore_mem>>)
      } else {
      }
      %add3A_139 = arith.constant 3 : i32
      %add3A_140 = arith.addi %mul3A_84, %add3A_139 : i32
      %dma_wait3A_141 = arith.constant 0 : i32
      %dma_wait3A_142 = arith.constant 0 : i32
      %dma_wait3A_143 = tpu.memref_slice %arg2[%dma_wait3A_141, %dma_wait3A_142] : memref<10000x128xf32, #tpu.memory_space<hbm>> -> memref<128x128xf32, #tpu.memory_space<hbm>>
      %dma_wait3A_144 = arith.constant 0 : i32
      %dma_wait3A_145 = arith.constant 0 : i32
      %dma_wait3A_146 = tpu.memref_slice %arg2[%dma_wait3A_144, %dma_wait3A_145] : memref<10000x128xf32, #tpu.memory_space<hbm>> -> memref<128x128xf32, #tpu.memory_space<hbm>>
      tpu.wait_dma2 semaphore(%arg13 : memref<!tpu.dma_semaphore, #tpu.memory_space<semaphore_mem>>) src(%dma_wait3A_146 : memref<128x128xf32, #tpu.memory_space<hbm>>) dst(%arg9 : memref<128x128xf32, #tpu.memory_space<vmem>>)
      %mul3A_147 = arith.constant 128 : i32
      %mul3A_148 = arith.muli %add3A_140, %mul3A_147 : i32
      %add3A_149 = arith.addi %mul3A_2, %mul3A_148 : i32
      "tpu.region"() ({
        %run_scoped3A = tpu.sem_alloc : memref<!tpu.dma_semaphore, #tpu.memory_space<semaphore_mem>>
        %dma_start3A_150 = arith.constant 0 : i32
        %dma_start3A_151 = tpu.memref_slice %arg4[%add3A_149, %dma_start3A_150] : memref<320000x128xf32, #tpu.memory_space<hbm>> -> memref<128x128xf32, #tpu.memory_space<hbm>>
        %dma_start3A_152 = arith.constant 0 : i32
        %dma_start3A_153 = tpu.memref_slice %arg4[%add3A_149, %dma_start3A_152] : memref<320000x128xf32, #tpu.memory_space<hbm>> -> memref<128x128xf32, #tpu.memory_space<hbm>>
        tpu.enqueue_dma source(%arg9 : memref<128x128xf32, #tpu.memory_space<vmem>>) target(%dma_start3A_153 : memref<128x128xf32, #tpu.memory_space<hbm>>) target_semaphore(%run_scoped3A : memref<!tpu.dma_semaphore, #tpu.memory_space<semaphore_mem>>)
        %dma_wait3A_154 = arith.constant 0 : i32
        %dma_wait3A_155 = tpu.memref_slice %arg4[%add3A_149, %dma_wait3A_154] : memref<320000x128xf32, #tpu.memory_space<hbm>> -> memref<128x128xf32, #tpu.memory_space<hbm>>
        %dma_wait3A_156 = arith.constant 0 : i32
        %dma_wait3A_157 = tpu.memref_slice %arg4[%add3A_149, %dma_wait3A_156] : memref<320000x128xf32, #tpu.memory_space<hbm>> -> memref<128x128xf32, #tpu.memory_space<hbm>>
        tpu.wait_dma2 semaphore(%run_scoped3A : memref<!tpu.dma_semaphore, #tpu.memory_space<semaphore_mem>>) src(%arg9 : memref<128x128xf32, #tpu.memory_space<vmem>>) dst(%dma_wait3A_157 : memref<128x128xf32, #tpu.memory_space<hbm>>)
        tpu.yield
      }) : () -> ()
    }
    %while3A_49 = arith.constant 1 : i32
    scf.for %while3A_82 = %while3A_47 to %while3A_43 step %while3A_49  : i32 {
      %mul3A_83 = arith.constant 4 : i32
      %mul3A_84 = arith.muli %mul3A_83, %while3A_82 : i32
      %add3A_85 = arith.constant 3 : i32
      %add3A_86 = arith.addi %mul3A_84, %add3A_85 : i32
      %mul3A_87 = arith.constant 128 : i32
      %mul3A_88 = arith.muli %add3A_86, %mul3A_87 : i32
      %dma_start3A_89 = tpu.memref_slice %arg5[%mul3A_88] : memref<10112xi32, #tpu.memory_space<vmem>> -> memref<128xi32, #tpu.memory_space<vmem>>
      %dma_start3A_90 = arith.constant 0 : i32
      %dma_start3A_91 = arith.constant 0 : i32
      %dma_start3A_92 = tpu.memref_slice %arg2[%dma_start3A_90, %dma_start3A_91] : memref<10000x128xf32, #tpu.memory_space<hbm>> -> memref<10000x128xf32, #tpu.memory_space<hbm>>
      tpu.enqueue_indirect_dma source(%dma_start3A_92 : memref<10000x128xf32, #tpu.memory_space<hbm>>) target(%arg9 : memref<128x128xf32, #tpu.memory_space<vmem>>) offsets(%dma_start3A_89 : memref<128xi32, #tpu.memory_space<vmem>>) semaphore(%arg13 : memref<!tpu.dma_semaphore, #tpu.memory_space<semaphore_mem>>)
      %dma_wait3A_93 = arith.constant 0 : i32
      %dma_wait3A_94 = arith.constant 0 : i32
      %dma_wait3A_95 = tpu.memref_slice %arg2[%dma_wait3A_93, %dma_wait3A_94] : memref<10000x128xf32, #tpu.memory_space<hbm>> -> memref<128x128xf32, #tpu.memory_space<hbm>>
      %dma_wait3A_96 = arith.constant 0 : i32
      %dma_wait3A_97 = arith.constant 0 : i32
      %dma_wait3A_98 = tpu.memref_slice %arg2[%dma_wait3A_96, %dma_wait3A_97] : memref<10000x128xf32, #tpu.memory_space<hbm>> -> memref<128x128xf32, #tpu.memory_space<hbm>>
      tpu.wait_dma2 semaphore(%arg10 : memref<!tpu.dma_semaphore, #tpu.memory_space<semaphore_mem>>) src(%dma_wait3A_98 : memref<128x128xf32, #tpu.memory_space<hbm>>) dst(%arg6 : memref<128x128xf32, #tpu.memory_space<vmem>>)
      %mul3A_99 = arith.constant 128 : i32
      %mul3A_100 = arith.muli %mul3A_84, %mul3A_99 : i32
      %add3A_101 = arith.addi %mul3A_2, %mul3A_100 : i32
      "tpu.region"() ({
        %run_scoped3A = tpu.sem_alloc : memref<!tpu.dma_semaphore, #tpu.memory_space<semaphore_mem>>
        %dma_start3A_150 = arith.constant 0 : i32
        %dma_start3A_151 = tpu.memref_slice %arg4[%add3A_101, %dma_start3A_150] : memref<320000x128xf32, #tpu.memory_space<hbm>> -> memref<128x128xf32, #tpu.memory_space<hbm>>
        %dma_start3A_152 = arith.constant 0 : i32
        %dma_start3A_153 = tpu.memref_slice %arg4[%add3A_101, %dma_start3A_152] : memref<320000x128xf32, #tpu.memory_space<hbm>> -> memref<128x128xf32, #tpu.memory_space<hbm>>
        tpu.enqueue_dma source(%arg6 : memref<128x128xf32, #tpu.memory_space<vmem>>) target(%dma_start3A_153 : memref<128x128xf32, #tpu.memory_space<hbm>>) target_semaphore(%run_scoped3A : memref<!tpu.dma_semaphore, #tpu.memory_space<semaphore_mem>>)
        %dma_wait3A_154 = arith.constant 0 : i32
        %dma_wait3A_155 = tpu.memref_slice %arg4[%add3A_101, %dma_wait3A_154] : memref<320000x128xf32, #tpu.memory_space<hbm>> -> memref<128x128xf32, #tpu.memory_space<hbm>>
        %dma_wait3A_156 = arith.constant 0 : i32
        %dma_wait3A_157 = tpu.memref_slice %arg4[%add3A_101, %dma_wait3A_156] : memref<320000x128xf32, #tpu.memory_space<hbm>> -> memref<128x128xf32, #tpu.memory_space<hbm>>
        tpu.wait_dma2 semaphore(%run_scoped3A : memref<!tpu.dma_semaphore, #tpu.memory_space<semaphore_mem>>) src(%arg6 : memref<128x128xf32, #tpu.memory_space<vmem>>) dst(%dma_wait3A_157 : memref<128x128xf32, #tpu.memory_space<hbm>>)
        tpu.yield
      }) : () -> ()
      %add3A_102 = arith.constant 4 : i32
      %add3A_103 = arith.addi %mul3A_84, %add3A_102 : i32
      %lt3A = arith.cmpi slt, %add3A_103, %select_n3A : i32
      %convert_element_type3A = arith.extui %lt3A : i1 to i32
      %cond3A = arith.constant 0 : i32
      %cond3A_104 = arith.cmpi ne, %convert_element_type3A, %cond3A : i32
      scf.if %cond3A_104 {
        %add3A_150 = arith.constant 4 : i32
        %add3A_151 = arith.addi %mul3A_84, %add3A_150 : i32
        %mul3A_152 = arith.constant 128 : i32
        %mul3A_153 = arith.muli %add3A_151, %mul3A_152 : i32
        %dma_start3A_154 = tpu.memref_slice %arg5[%mul3A_153] : memref<10112xi32, #tpu.memory_space<vmem>> -> memref<128xi32, #tpu.memory_space<vmem>>
        %dma_start3A_155 = arith.constant 0 : i32
        %dma_start3A_156 = arith.constant 0 : i32
        %dma_start3A_157 = tpu.memref_slice %arg2[%dma_start3A_155, %dma_start3A_156] : memref<10000x128xf32, #tpu.memory_space<hbm>> -> memref<10000x128xf32, #tpu.memory_space<hbm>>
        tpu.enqueue_indirect_dma source(%dma_start3A_157 : memref<10000x128xf32, #tpu.memory_space<hbm>>) target(%arg6 : memref<128x128xf32, #tpu.memory_space<vmem>>) offsets(%dma_start3A_154 : memref<128xi32, #tpu.memory_space<vmem>>) semaphore(%arg10 : memref<!tpu.dma_semaphore, #tpu.memory_space<semaphore_mem>>)
      } else {
      }
      %add3A_105 = arith.constant 1 : i32
      %add3A_106 = arith.addi %mul3A_84, %add3A_105 : i32
      %dma_wait3A_107 = arith.constant 0 : i32
      %dma_wait3A_108 = arith.constant 0 : i32
      %dma_wait3A_109 = tpu.memref_slice %arg2[%dma_wait3A_107, %dma_wait3A_108] : memref<10000x128xf32, #tpu.memory_space<hbm>> -> memref<128x128xf32, #tpu.memory_space<hbm>>
      %dma_wait3A_110 = arith.constant 0 : i32
      %dma_wait3A_111 = arith.constant 0 : i32
      %dma_wait3A_112 = tpu.memref_slice %arg2[%dma_wait3A_110, %dma_wait3A_111] : memref<10000x128xf32, #tpu.memory_space<hbm>> -> memref<128x128xf32, #tpu.memory_space<hbm>>
      tpu.wait_dma2 semaphore(%arg11 : memref<!tpu.dma_semaphore, #tpu.memory_space<semaphore_mem>>) src(%dma_wait3A_112 : memref<128x128xf32, #tpu.memory_space<hbm>>) dst(%arg7 : memref<128x128xf32, #tpu.memory_space<vmem>>)
      %mul3A_113 = arith.constant 128 : i32
      %mul3A_114 = arith.muli %add3A_106, %mul3A_113 : i32
      %add3A_115 = arith.addi %mul3A_2, %mul3A_114 : i32
      "tpu.region"() ({
        %run_scoped3A = tpu.sem_alloc : memref<!tpu.dma_semaphore, #tpu.memory_space<semaphore_mem>>
        %dma_start3A_150 = arith.constant 0 : i32
        %dma_start3A_151 = tpu.memref_slice %arg4[%add3A_115, %dma_start3A_150] : memref<320000x128xf32, #tpu.memory_space<hbm>> -> memref<128x128xf32, #tpu.memory_space<hbm>>
        %dma_start3A_152 = arith.constant 0 : i32
        %dma_start3A_153 = tpu.memref_slice %arg4[%add3A_115, %dma_start3A_152] : memref<320000x128xf32, #tpu.memory_space<hbm>> -> memref<128x128xf32, #tpu.memory_space<hbm>>
        tpu.enqueue_dma source(%arg7 : memref<128x128xf32, #tpu.memory_space<vmem>>) target(%dma_start3A_153 : memref<128x128xf32, #tpu.memory_space<hbm>>) target_semaphore(%run_scoped3A : memref<!tpu.dma_semaphore, #tpu.memory_space<semaphore_mem>>)
        %dma_wait3A_154 = arith.constant 0 : i32
        %dma_wait3A_155 = tpu.memref_slice %arg4[%add3A_115, %dma_wait3A_154] : memref<320000x128xf32, #tpu.memory_space<hbm>> -> memref<128x128xf32, #tpu.memory_space<hbm>>
        %dma_wait3A_156 = arith.constant 0 : i32
        %dma_wait3A_157 = tpu.memref_slice %arg4[%add3A_115, %dma_wait3A_156] : memref<320000x128xf32, #tpu.memory_space<hbm>> -> memref<128x128xf32, #tpu.memory_space<hbm>>
        tpu.wait_dma2 semaphore(%run_scoped3A : memref<!tpu.dma_semaphore, #tpu.memory_space<semaphore_mem>>) src(%arg7 : memref<128x128xf32, #tpu.memory_space<vmem>>) dst(%dma_wait3A_157 : memref<128x128xf32, #tpu.memory_space<hbm>>)
        tpu.yield
      }) : () -> ()
      %add3A_116 = arith.constant 5 : i32
      %add3A_117 = arith.addi %mul3A_84, %add3A_116 : i32
      %lt3A_118 = arith.cmpi slt, %add3A_117, %select_n3A : i32
      %convert_element_type3A_119 = arith.extui %lt3A_118 : i1 to i32
      %cond3A_120 = arith.constant 0 : i32
      %cond3A_121 = arith.cmpi ne, %convert_element_type3A_119, %cond3A_120 : i32
      scf.if %cond3A_121 {
        %add3A_150 = arith.constant 5 : i32
        %add3A_151 = arith.addi %mul3A_84, %add3A_150 : i32
        %mul3A_152 = arith.constant 128 : i32
        %mul3A_153 = arith.muli %add3A_151, %mul3A_152 : i32
        %dma_start3A_154 = tpu.memref_slice %arg5[%mul3A_153] : memref<10112xi32, #tpu.memory_space<vmem>> -> memref<128xi32, #tpu.memory_space<vmem>>
        %dma_start3A_155 = arith.constant 0 : i32
        %dma_start3A_156 = arith.constant 0 : i32
        %dma_start3A_157 = tpu.memref_slice %arg2[%dma_start3A_155, %dma_start3A_156] : memref<10000x128xf32, #tpu.memory_space<hbm>> -> memref<10000x128xf32, #tpu.memory_space<hbm>>
        tpu.enqueue_indirect_dma source(%dma_start3A_157 : memref<10000x128xf32, #tpu.memory_space<hbm>>) target(%arg7 : memref<128x128xf32, #tpu.memory_space<vmem>>) offsets(%dma_start3A_154 : memref<128xi32, #tpu.memory_space<vmem>>) semaphore(%arg11 : memref<!tpu.dma_semaphore, #tpu.memory_space<semaphore_mem>>)
      } else {
      }
      %add3A_122 = arith.constant 2 : i32
      %add3A_123 = arith.addi %mul3A_84, %add3A_122 : i32
      %dma_wait3A_124 = arith.constant 0 : i32
      %dma_wait3A_125 = arith.constant 0 : i32
      %dma_wait3A_126 = tpu.memref_slice %arg2[%dma_wait3A_124, %dma_wait3A_125] : memref<10000x128xf32, #tpu.memory_space<hbm>> -> memref<128x128xf32, #tpu.memory_space<hbm>>
      %dma_wait3A_127 = arith.constant 0 : i32
      %dma_wait3A_128 = arith.constant 0 : i32
      %dma_wait3A_129 = tpu.memref_slice %arg2[%dma_wait3A_127, %dma_wait3A_128] : memref<10000x128xf32, #tpu.memory_space<hbm>> -> memref<128x128xf32, #tpu.memory_space<hbm>>
      tpu.wait_dma2 semaphore(%arg12 : memref<!tpu.dma_semaphore, #tpu.memory_space<semaphore_mem>>) src(%dma_wait3A_129 : memref<128x128xf32, #tpu.memory_space<hbm>>) dst(%arg8 : memref<128x128xf32, #tpu.memory_space<vmem>>)
      %mul3A_130 = arith.constant 128 : i32
      %mul3A_131 = arith.muli %add3A_123, %mul3A_130 : i32
      %add3A_132 = arith.addi %mul3A_2, %mul3A_131 : i32
      "tpu.region"() ({
        %run_scoped3A = tpu.sem_alloc : memref<!tpu.dma_semaphore, #tpu.memory_space<semaphore_mem>>
        %dma_start3A_150 = arith.constant 0 : i32
        %dma_start3A_151 = tpu.memref_slice %arg4[%add3A_132, %dma_start3A_150] : memref<320000x128xf32, #tpu.memory_space<hbm>> -> memref<128x128xf32, #tpu.memory_space<hbm>>
        %dma_start3A_152 = arith.constant 0 : i32
        %dma_start3A_153 = tpu.memref_slice %arg4[%add3A_132, %dma_start3A_152] : memref<320000x128xf32, #tpu.memory_space<hbm>> -> memref<128x128xf32, #tpu.memory_space<hbm>>
        tpu.enqueue_dma source(%arg8 : memref<128x128xf32, #tpu.memory_space<vmem>>) target(%dma_start3A_153 : memref<128x128xf32, #tpu.memory_space<hbm>>) target_semaphore(%run_scoped3A : memref<!tpu.dma_semaphore, #tpu.memory_space<semaphore_mem>>)
        %dma_wait3A_154 = arith.constant 0 : i32
        %dma_wait3A_155 = tpu.memref_slice %arg4[%add3A_132, %dma_wait3A_154] : memref<320000x128xf32, #tpu.memory_space<hbm>> -> memref<128x128xf32, #tpu.memory_space<hbm>>
        %dma_wait3A_156 = arith.constant 0 : i32
        %dma_wait3A_157 = tpu.memref_slice %arg4[%add3A_132, %dma_wait3A_156] : memref<320000x128xf32, #tpu.memory_space<hbm>> -> memref<128x128xf32, #tpu.memory_space<hbm>>
        tpu.wait_dma2 semaphore(%run_scoped3A : memref<!tpu.dma_semaphore, #tpu.memory_space<semaphore_mem>>) src(%arg8 : memref<128x128xf32, #tpu.memory_space<vmem>>) dst(%dma_wait3A_157 : memref<128x128xf32, #tpu.memory_space<hbm>>)
        tpu.yield
      }) : () -> ()
      %add3A_133 = arith.constant 6 : i32
      %add3A_134 = arith.addi %mul3A_84, %add3A_133 : i32
      %lt3A_135 = arith.cmpi slt, %add3A_134, %select_n3A : i32
      %convert_element_type3A_136 = arith.extui %lt3A_135 : i1 to i32
      %cond3A_137 = arith.constant 0 : i32
      %cond3A_138 = arith.cmpi ne, %convert_element_type3A_136, %cond3A_137 : i32
      scf.if %cond3A_138 {
        %add3A_150 = arith.constant 6 : i32
        %add3A_151 = arith.addi %mul3A_84, %add3A_150 : i32
        %mul3A_152 = arith.constant 128 : i32
        %mul3A_153 = arith.muli %add3A_151, %mul3A_152 : i32
        %dma_start3A_154 = tpu.memref_slice %arg5[%mul3A_153] : memref<10112xi32, #tpu.memory_space<vmem>> -> memref<128xi32, #tpu.memory_space<vmem>>
        %dma_start3A_155 = arith.constant 0 : i32
        %dma_start3A_156 = arith.constant 0 : i32
        %dma_start3A_157 = tpu.memref_slice %arg2[%dma_start3A_155, %dma_start3A_156] : memref<10000x128xf32, #tpu.memory_space<hbm>> -> memref<10000x128xf32, #tpu.memory_space<hbm>>
        tpu.enqueue_indirect_dma source(%dma_start3A_157 : memref<10000x128xf32, #tpu.memory_space<hbm>>) target(%arg8 : memref<128x128xf32, #tpu.memory_space<vmem>>) offsets(%dma_start3A_154 : memref<128xi32, #tpu.memory_space<vmem>>) semaphore(%arg12 : memref<!tpu.dma_semaphore, #tpu.memory_space<semaphore_mem>>)
      } else {
      }
      %add3A_139 = arith.constant 3 : i32
      %add3A_140 = arith.addi %mul3A_84, %add3A_139 : i32
      %dma_wait3A_141 = arith.constant 0 : i32
      %dma_wait3A_142 = arith.constant 0 : i32
      %dma_wait3A_143 = tpu.memref_slice %arg2[%dma_wait3A_141, %dma_wait3A_142] : memref<10000x128xf32, #tpu.memory_space<hbm>> -> memref<128x128xf32, #tpu.memory_space<hbm>>
      %dma_wait3A_144 = arith.constant 0 : i32
      %dma_wait3A_145 = arith.constant 0 : i32
      %dma_wait3A_146 = tpu.memref_slice %arg2[%dma_wait3A_144, %dma_wait3A_145] : memref<10000x128xf32, #tpu.memory_space<hbm>> -> memref<128x128xf32, #tpu.memory_space<hbm>>
      tpu.wait_dma2 semaphore(%arg13 : memref<!tpu.dma_semaphore, #tpu.memory_space<semaphore_mem>>) src(%dma_wait3A_146 : memref<128x128xf32, #tpu.memory_space<hbm>>) dst(%arg9 : memref<128x128xf32, #tpu.memory_space<vmem>>)
      %mul3A_147 = arith.constant 128 : i32
      %mul3A_148 = arith.muli %add3A_140, %mul3A_147 : i32
      %add3A_149 = arith.addi %mul3A_2, %mul3A_148 : i32
      "tpu.region"() ({
        %run_scoped3A = tpu.sem_alloc : memref<!tpu.dma_semaphore, #tpu.memory_space<semaphore_mem>>
        %dma_start3A_150 = arith.constant 0 : i32
        %dma_start3A_151 = tpu.memref_slice %arg4[%add3A_149, %dma_start3A_150] : memref<320000x128xf32, #tpu.memory_space<hbm>> -> memref<128x128xf32, #tpu.memory_space<hbm>>
        %dma_start3A_152 = arith.constant 0 : i32
        %dma_start3A_153 = tpu.memref_slice %arg4[%add3A_149, %dma_start3A_152] : memref<320000x128xf32, #tpu.memory_space<hbm>> -> memref<128x128xf32, #tpu.memory_space<hbm>>
        tpu.enqueue_dma source(%arg9 : memref<128x128xf32, #tpu.memory_space<vmem>>) target(%dma_start3A_153 : memref<128x128xf32, #tpu.memory_space<hbm>>) target_semaphore(%run_scoped3A : memref<!tpu.dma_semaphore, #tpu.memory_space<semaphore_mem>>)
        %dma_wait3A_154 = arith.constant 0 : i32
        %dma_wait3A_155 = tpu.memref_slice %arg4[%add3A_149, %dma_wait3A_154] : memref<320000x128xf32, #tpu.memory_space<hbm>> -> memref<128x128xf32, #tpu.memory_space<hbm>>
        %dma_wait3A_156 = arith.constant 0 : i32
        %dma_wait3A_157 = tpu.memref_slice %arg4[%add3A_149, %dma_wait3A_156] : memref<320000x128xf32, #tpu.memory_space<hbm>> -> memref<128x128xf32, #tpu.memory_space<hbm>>
        tpu.wait_dma2 semaphore(%run_scoped3A : memref<!tpu.dma_semaphore, #tpu.memory_space<semaphore_mem>>) src(%arg9 : memref<128x128xf32, #tpu.memory_space<vmem>>) dst(%dma_wait3A_157 : memref<128x128xf32, #tpu.memory_space<hbm>>)
        tpu.yield
      }) : () -> ()
    }
    %sub3A_50 = arith.constant 3 : i32
    %sub3A_51 = arith.subi %select_n3A, %sub3A_50 : i32
    %dma_wait3A = arith.constant 0 : i32
    %dma_wait3A_52 = arith.constant 0 : i32
    %dma_wait3A_53 = tpu.memref_slice %arg2[%dma_wait3A, %dma_wait3A_52] : memref<10000x128xf32, #tpu.memory_space<hbm>> -> memref<128x128xf32, #tpu.memory_space<hbm>>
    %dma_wait3A_54 = arith.constant 0 : i32
    %dma_wait3A_55 = arith.constant 0 : i32
    %dma_wait3A_56 = tpu.memref_slice %arg2[%dma_wait3A_54, %dma_wait3A_55] : memref<10000x128xf32, #tpu.memory_space<hbm>> -> memref<128x128xf32, #tpu.memory_space<hbm>>
    tpu.wait_dma2 semaphore(%arg10 : memref<!tpu.dma_semaphore, #tpu.memory_space<semaphore_mem>>) src(%dma_wait3A_56 : memref<128x128xf32, #tpu.memory_space<hbm>>) dst(%arg6 : memref<128x128xf32, #tpu.memory_space<vmem>>)
    %mul3A_57 = arith.constant 128 : i32
    %mul3A_58 = arith.muli %sub3A_51, %mul3A_57 : i32
    %add3A_59 = arith.addi %mul3A_2, %mul3A_58 : i32
    "tpu.region"() ({
      %run_scoped3A = tpu.sem_alloc : memref<!tpu.dma_semaphore, #tpu.memory_space<semaphore_mem>>
      %dma_start3A_82 = arith.constant 0 : i32
      %dma_start3A_83 = tpu.memref_slice %arg4[%add3A_59, %dma_start3A_82] : memref<320000x128xf32, #tpu.memory_space<hbm>> -> memref<128x128xf32, #tpu.memory_space<hbm>>
      %dma_start3A_84 = arith.constant 0 : i32
      %dma_start3A_85 = tpu.memref_slice %arg4[%add3A_59, %dma_start3A_84] : memref<320000x128xf32, #tpu.memory_space<hbm>> -> memref<128x128xf32, #tpu.memory_space<hbm>>
      tpu.enqueue_dma source(%arg6 : memref<128x128xf32, #tpu.memory_space<vmem>>) target(%dma_start3A_85 : memref<128x128xf32, #tpu.memory_space<hbm>>) target_semaphore(%run_scoped3A : memref<!tpu.dma_semaphore, #tpu.memory_space<semaphore_mem>>)
      %dma_wait3A_86 = arith.constant 0 : i32
      %dma_wait3A_87 = tpu.memref_slice %arg4[%add3A_59, %dma_wait3A_86] : memref<320000x128xf32, #tpu.memory_space<hbm>> -> memref<128x128xf32, #tpu.memory_space<hbm>>
      %dma_wait3A_88 = arith.constant 0 : i32
      %dma_wait3A_89 = tpu.memref_slice %arg4[%add3A_59, %dma_wait3A_88] : memref<320000x128xf32, #tpu.memory_space<hbm>> -> memref<128x128xf32, #tpu.memory_space<hbm>>
      tpu.wait_dma2 semaphore(%run_scoped3A : memref<!tpu.dma_semaphore, #tpu.memory_space<semaphore_mem>>) src(%arg6 : memref<128x128xf32, #tpu.memory_space<vmem>>) dst(%dma_wait3A_89 : memref<128x128xf32, #tpu.memory_space<hbm>>)
      tpu.yield
    }) : () -> ()
    %sub3A_60 = arith.constant 2 : i32
    %sub3A_61 = arith.subi %select_n3A, %sub3A_60 : i32
    %dma_wait3A_62 = arith.constant 0 : i32
    %dma_wait3A_63 = arith.constant 0 : i32
    %dma_wait3A_64 = tpu.memref_slice %arg2[%dma_wait3A_62, %dma_wait3A_63] : memref<10000x128xf32, #tpu.memory_space<hbm>> -> memref<128x128xf32, #tpu.memory_space<hbm>>
    %dma_wait3A_65 = arith.constant 0 : i32
    %dma_wait3A_66 = arith.constant 0 : i32
    %dma_wait3A_67 = tpu.memref_slice %arg2[%dma_wait3A_65, %dma_wait3A_66] : memref<10000x128xf32, #tpu.memory_space<hbm>> -> memref<128x128xf32, #tpu.memory_space<hbm>>
    tpu.wait_dma2 semaphore(%arg11 : memref<!tpu.dma_semaphore, #tpu.memory_space<semaphore_mem>>) src(%dma_wait3A_67 : memref<128x128xf32, #tpu.memory_space<hbm>>) dst(%arg7 : memref<128x128xf32, #tpu.memory_space<vmem>>)
    %mul3A_68 = arith.constant 128 : i32
    %mul3A_69 = arith.muli %sub3A_61, %mul3A_68 : i32
    %add3A_70 = arith.addi %mul3A_2, %mul3A_69 : i32
    "tpu.region"() ({
      %run_scoped3A = tpu.sem_alloc : memref<!tpu.dma_semaphore, #tpu.memory_space<semaphore_mem>>
      %dma_start3A_82 = arith.constant 0 : i32
      %dma_start3A_83 = tpu.memref_slice %arg4[%add3A_70, %dma_start3A_82] : memref<320000x128xf32, #tpu.memory_space<hbm>> -> memref<128x128xf32, #tpu.memory_space<hbm>>
      %dma_start3A_84 = arith.constant 0 : i32
      %dma_start3A_85 = tpu.memref_slice %arg4[%add3A_70, %dma_start3A_84] : memref<320000x128xf32, #tpu.memory_space<hbm>> -> memref<128x128xf32, #tpu.memory_space<hbm>>
      tpu.enqueue_dma source(%arg7 : memref<128x128xf32, #tpu.memory_space<vmem>>) target(%dma_start3A_85 : memref<128x128xf32, #tpu.memory_space<hbm>>) target_semaphore(%run_scoped3A : memref<!tpu.dma_semaphore, #tpu.memory_space<semaphore_mem>>)
      %dma_wait3A_86 = arith.constant 0 : i32
      %dma_wait3A_87 = tpu.memref_slice %arg4[%add3A_70, %dma_wait3A_86] : memref<320000x128xf32, #tpu.memory_space<hbm>> -> memref<128x128xf32, #tpu.memory_space<hbm>>
      %dma_wait3A_88 = arith.constant 0 : i32
      %dma_wait3A_89 = tpu.memref_slice %arg4[%add3A_70, %dma_wait3A_88] : memref<320000x128xf32, #tpu.memory_space<hbm>> -> memref<128x128xf32, #tpu.memory_space<hbm>>
      tpu.wait_dma2 semaphore(%run_scoped3A : memref<!tpu.dma_semaphore, #tpu.memory_space<semaphore_mem>>) src(%arg7 : memref<128x128xf32, #tpu.memory_space<vmem>>) dst(%dma_wait3A_89 : memref<128x128xf32, #tpu.memory_space<hbm>>)
      tpu.yield
    }) : () -> ()
    %sub3A_71 = arith.constant 1 : i32
    %sub3A_72 = arith.subi %select_n3A, %sub3A_71 : i32
    %dma_wait3A_73 = arith.constant 0 : i32
    %dma_wait3A_74 = arith.constant 0 : i32
    %dma_wait3A_75 = tpu.memref_slice %arg2[%dma_wait3A_73, %dma_wait3A_74] : memref<10000x128xf32, #tpu.memory_space<hbm>> -> memref<128x128xf32, #tpu.memory_space<hbm>>
    %dma_wait3A_76 = arith.constant 0 : i32
    %dma_wait3A_77 = arith.constant 0 : i32
    %dma_wait3A_78 = tpu.memref_slice %arg2[%dma_wait3A_76, %dma_wait3A_77] : memref<10000x128xf32, #tpu.memory_space<hbm>> -> memref<128x128xf32, #tpu.memory_space<hbm>>
    tpu.wait_dma2 semaphore(%arg12 : memref<!tpu.dma_semaphore, #tpu.memory_space<semaphore_mem>>) src(%dma_wait3A_78 : memref<128x128xf32, #tpu.memory_space<hbm>>) dst(%arg8 : memref<128x128xf32, #tpu.memory_space<vmem>>)
    %mul3A_79 = arith.constant 128 : i32
    %mul3A_80 = arith.muli %sub3A_72, %mul3A_79 : i32
    %add3A_81 = arith.addi %mul3A_2, %mul3A_80 : i32
    "tpu.region"() ({
      %run_scoped3A = tpu.sem_alloc : memref<!tpu.dma_semaphore, #tpu.memory_space<semaphore_mem>>
      %dma_start3A_82 = arith.constant 0 : i32
      %dma_start3A_83 = tpu.memref_slice %arg4[%add3A_81, %dma_start3A_82] : memref<320000x128xf32, #tpu.memory_space<hbm>> -> memref<128x128xf32, #tpu.memory_space<hbm>>
      %dma_start3A_84 = arith.constant 0 : i32
      %dma_start3A_85 = tpu.memref_slice %arg4[%add3A_81, %dma_start3A_84] : memref<320000x128xf32, #tpu.memory_space<hbm>> -> memref<128x128xf32, #tpu.memory_space<hbm>>
      tpu.enqueue_dma source(%arg8 : memref<128x128xf32, #tpu.memory_space<vmem>>) target(%dma_start3A_85 : memref<128x128xf32, #tpu.memory_space<hbm>>) target_semaphore(%run_scoped3A : memref<!tpu.dma_semaphore, #tpu.memory_space<semaphore_mem>>)
      %dma_wait3A_86 = arith.constant 0 : i32
      %dma_wait3A_87 = tpu.memref_slice %arg4[%add3A_81, %dma_wait3A_86] : memref<320000x128xf32, #tpu.memory_space<hbm>> -> memref<128x128xf32, #tpu.memory_space<hbm>>
      %dma_wait3A_88 = arith.constant 0 : i32
      %dma_wait3A_89 = tpu.memref_slice %arg4[%add3A_81, %dma_wait3A_88] : memref<320000x128xf32, #tpu.memory_space<hbm>> -> memref<128x128xf32, #tpu.memory_space<hbm>>
      tpu.wait_dma2 semaphore(%run_scoped3A : memref<!tpu.dma_semaphore, #tpu.memory_space<semaphore_mem>>) src(%arg8 : memref<128x128xf32, #tpu.memory_space<vmem>>) dst(%dma_wait3A_89 : memref<128x128xf32, #tpu.memory_space<hbm>>)
      tpu.yield
    }) : () -> ()
    return
  }
}

module attributes {stable_mosaic.version = 14 : i64} {
  func.func @_k1_body(%arg0: i32, %arg1: memref<1000x128xf32, #tpu.memory_space<vmem>>, %arg2: memref<128x128xf32, #tpu.memory_space<vmem>>, %arg3: memref<1000x128xf32, #tpu.memory_space<vmem>>) attributes {dimension_semantics = [#tpu.dimension_semantics<arbitrary>], iteration_bounds = array<i64: 10>, scalar_prefetch = 0 : i64, scratch_operands = 0 : i64, tpu.core_type = #tpu.core_type<tc>, window_params = [{transform_indices = @transform_0, window_bounds = array<i64: 1000, 128>}, {pipeline_mode = #tpu.pipeline_mode<synchronous>, transform_indices = @transform_1, window_bounds = array<i64: 128, 128>}, {transform_indices = @transform_2, window_bounds = array<i64: 1000, 128>}]} {
    %get3A = arith.constant 0 : index
    %get3A_0 = arith.constant 0 : index
    %get3A_1 = vector.load %arg1[%get3A, %get3A_0] : memref<1000x128xf32, #tpu.memory_space<vmem>>, vector<1000x128xf32>
    %get3A_2 = arith.constant 0 : index
    %get3A_3 = arith.constant 0 : index
    %get3A_4 = vector.load %arg2[%get3A_2, %get3A_3] : memref<128x128xf32, #tpu.memory_space<vmem>>, vector<128x128xf32>
    %dot_general3A = arith.constant dense<0.000000e+00> : vector<1000x128xf32>
    %dot_general3A_5 = tpu.matmul %get3A_1, %get3A_4, %dot_general3A {dimension_numbers = #tpu.dot_dimension_numbers<[1], [0], [0], [1], [0, 0, 1, 1], [], []>, transpose_lhs_hint = false} : vector<1000x128xf32>, vector<128x128xf32>, vector<1000x128xf32> -> vector<1000x128xf32>
    %swap3A = arith.constant 0 : index
    %swap3A_6 = arith.constant 0 : index
    %swap3A_7 = vector.load %arg3[%swap3A, %swap3A_6] : memref<1000x128xf32, #tpu.memory_space<vmem>>, vector<1000x128xf32>
    tpu.vector_store %arg3[%swap3A, %swap3A_6], %dot_general3A_5 {strides = array<i32>} : memref<1000x128xf32, #tpu.memory_space<vmem>>, vector<1000x128xf32>,
    return
  }
  func.func @transform_0(%arg0: i32) -> (i32, i32) {
    %c0_i32 = arith.constant 0 : i32
    %c0_i32_0 = arith.constant 0 : i32
    return %arg0, %c0_i32 : i32, i32
  }
  func.func @transform_1(%arg0: i32) -> (i32, i32) {
    %c0_i32 = arith.constant 0 : i32
    %c0_i32_0 = arith.constant 0 : i32
    %c0_i32_1 = arith.constant 0 : i32
    return %c0_i32, %c0_i32_0 : i32, i32
  }
  func.func @transform_2(%arg0: i32) -> (i32, i32) {
    %c0_i32 = arith.constant 0 : i32
    %c0_i32_0 = arith.constant 0 : i32
    return %arg0, %c0_i32 : i32, i32
  }
}

module attributes {stable_mosaic.version = 14 : i64} {
  func.func @_k3_body(%arg0: i32, %arg1: memref<3200x128xf32, #tpu.memory_space<vmem>>, %arg2: memref<16x3200xf32, #tpu.memory_space<vmem>>, %arg3: memref<128x16xf32, #tpu.memory_space<vmem>>, %arg4: memref<1x128xf32, #tpu.memory_space<vmem>>, %arg5: memref<128x1xf32, #tpu.memory_space<vmem>>, %arg6: memref<3200x128xf32, #tpu.memory_space<vmem>>, %arg7: memref<1x1x3200xf32, #tpu.memory_space<vmem>>) attributes {dimension_semantics = [#tpu.dimension_semantics<arbitrary>], iteration_bounds = array<i64: 100>, scalar_prefetch = 0 : i64, scratch_operands = 0 : i64, tpu.core_type = #tpu.core_type<tc>, window_params = [{transform_indices = @transform_0, window_bounds = array<i64: 3200, 128>}, {transform_indices = @transform_1, window_bounds = array<i64: 16, 3200>}, {pipeline_mode = #tpu.pipeline_mode<synchronous>, transform_indices = @transform_2, window_bounds = array<i64: 128, 16>}, {pipeline_mode = #tpu.pipeline_mode<synchronous>, transform_indices = @transform_3, window_bounds = array<i64: 1, 128>}, {pipeline_mode = #tpu.pipeline_mode<synchronous>, transform_indices = @transform_4, window_bounds = array<i64: 128, 1>}, {transform_indices = @transform_5, window_bounds = array<i64: 3200, 128>}, {transform_indices = @transform_6, window_bounds = array<i64: 1, 1, 3200>}]} {
    %get3A = arith.constant 0 : index
    %get3A_0 = arith.constant 0 : index
    %get3A_1 = vector.load %arg2[%get3A, %get3A_0] : memref<16x3200xf32, #tpu.memory_space<vmem>>, vector<16x3200xf32>
    %mul3A = arith.mulf %get3A_1, %get3A_1 : vector<16x3200xf32>
    %reduce_sum3A = arith.constant dense<0.000000e+00> : vector<3200xf32>
    %reduce_sum3A_2 = vector.multi_reduction <add>, %mul3A, %reduce_sum3A [0] : vector<16x3200xf32> to vector<3200xf32>
    %broadcast_in_dim3A = vector.shape_cast %reduce_sum3A_2 : vector<3200xf32> to vector<1x3200xf32>
    %sqrt3A = math.sqrt %broadcast_in_dim3A : vector<1x3200xf32>
    %add3A = arith.constant 9.99999993E-9 : f32
    %add3A_3 = vector.broadcast %add3A : f32 to vector<1x3200xf32>
    %add3A_4 = arith.addf %sqrt3A, %add3A_3 : vector<1x3200xf32>
    %div3A = vector.broadcast %add3A_4 : vector<1x3200xf32> to vector<16x3200xf32>
    %div3A_5 = arith.divf %get3A_1, %div3A : vector<16x3200xf32>
    %get3A_6 = arith.constant 0 : index
    %get3A_7 = arith.constant 0 : index
    %get3A_8 = vector.load %arg3[%get3A_6, %get3A_7] : memref<128x16xf32, #tpu.memory_space<vmem>>, vector<128x16xf32>
    %dot_general3A = arith.constant dense<0.000000e+00> : vector<3200x128xf32>
    %dot_general3A_9 = tpu.matmul %div3A_5, %get3A_8, %dot_general3A {dimension_numbers = #tpu.dot_dimension_numbers<[0], [1], [1], [0], [0, 1, 1, 0], [], []>, transpose_lhs_hint = false} : vector<16x3200xf32>, vector<128x16xf32>, vector<3200x128xf32> -> vector<3200x128xf32>
    %get3A_10 = arith.constant 0 : index
    %get3A_11 = arith.constant 0 : index
    %get3A_12 = vector.load %arg4[%get3A_10, %get3A_11] : memref<1x128xf32, #tpu.memory_space<vmem>>, vector<1x128xf32>
    %add3A_13 = vector.broadcast %get3A_12 : vector<1x128xf32> to vector<3200x128xf32>
    %add3A_14 = arith.addf %dot_general3A_9, %add3A_13 : vector<3200x128xf32>
    %get3A_15 = arith.constant 0 : index
    %get3A_16 = arith.constant 0 : index
    %get3A_17 = vector.load %arg1[%get3A_15, %get3A_16] : memref<3200x128xf32, #tpu.memory_space<vmem>>, vector<3200x128xf32>
    %add3A_18 = arith.addf %get3A_17, %add3A_14 : vector<3200x128xf32>
    %tanh3A = math.tanh %add3A_18 : vector<3200x128xf32>
    %get3A_19 = arith.constant 0 : index
    %get3A_20 = arith.constant 0 : index
    %get3A_21 = vector.load %arg5[%get3A_19, %get3A_20] : memref<128x1xf32, #tpu.memory_space<vmem>>, vector<128x1xf32>
    %dot_general3A_22 = arith.constant dense<0.000000e+00> : vector<3200x1xf32>
    %dot_general3A_23 = tpu.matmul %tanh3A, %get3A_21, %dot_general3A_22 {dimension_numbers = #tpu.dot_dimension_numbers<[1], [0], [0], [1], [0, 0, 1, 1], [], []>, transpose_lhs_hint = false} : vector<3200x128xf32>, vector<128x1xf32>, vector<3200x1xf32> -> vector<3200x1xf32>
    %exp3A = math.exp %dot_general3A_23 : vector<3200x1xf32>
    %mul3A_24 = vector.broadcast %exp3A : vector<3200x1xf32> to vector<3200x128xf32>
    %mul3A_25 = arith.mulf %tanh3A, %mul3A_24 : vector<3200x128xf32>
    %swap3A = arith.constant 0 : index
    %swap3A_26 = arith.constant 0 : index
    %swap3A_27 = vector.load %arg6[%swap3A, %swap3A_26] : memref<3200x128xf32, #tpu.memory_space<vmem>>, vector<3200x128xf32>
    tpu.vector_store %arg6[%swap3A, %swap3A_26], %mul3A_25 {strides = array<i32>} : memref<3200x128xf32, #tpu.memory_space<vmem>>, vector<3200x128xf32>,
    %get3A_28 = arith.constant 0 : index
    %get3A_29 = arith.constant 0 : index
    %get3A_30 = vector.load %arg5[%get3A_28, %get3A_29] : memref<128x1xf32, #tpu.memory_space<vmem>>, vector<128x1xf32>
    %dot_general3A_31 = arith.constant dense<0.000000e+00> : vector<1x3200xf32>
    %dot_general3A_32 = tpu.matmul %get3A_30, %tanh3A, %dot_general3A_31 {dimension_numbers = #tpu.dot_dimension_numbers<[0], [1], [1], [0], [0, 1, 1, 0], [], []>, transpose_lhs_hint = false} : vector<128x1xf32>, vector<3200x128xf32>, vector<1x3200xf32> -> vector<1x3200xf32>
    %exp3A_33 = math.exp %dot_general3A_32 : vector<1x3200xf32>
    %reshape3A = vector.shape_cast %exp3A_33 : vector<1x3200xf32> to vector<1x1x3200xf32>
    %swap3A_34 = arith.constant 0 : index
    %swap3A_35 = arith.constant 0 : index
    %swap3A_36 = arith.constant 0 : index
    %swap3A_37 = vector.load %arg7[%swap3A_34, %swap3A_35, %swap3A_36] : memref<1x1x3200xf32, #tpu.memory_space<vmem>>, vector<1x1x3200xf32>
    tpu.vector_store %arg7[%swap3A_34, %swap3A_35, %swap3A_36], %reshape3A {strides = array<i32>} : memref<1x1x3200xf32, #tpu.memory_space<vmem>>, vector<1x1x3200xf32>,
    return
  }
  func.func @transform_0(%arg0: i32) -> (i32, i32) {
    %c0_i32 = arith.constant 0 : i32
    %c0_i32_0 = arith.constant 0 : i32
    return %arg0, %c0_i32 : i32, i32
  }
  func.func @transform_1(%arg0: i32) -> (i32, i32) {
    %c0_i32 = arith.constant 0 : i32
    %c0_i32_0 = arith.constant 0 : i32
    return %c0_i32, %arg0 : i32, i32
  }
  func.func @transform_2(%arg0: i32) -> (i32, i32) {
    %c0_i32 = arith.constant 0 : i32
    %c0_i32_0 = arith.constant 0 : i32
    %c0_i32_1 = arith.constant 0 : i32
    return %c0_i32, %c0_i32_0 : i32, i32
  }
  func.func @transform_3(%arg0: i32) -> (i32, i32) {
    %c0_i32 = arith.constant 0 : i32
    %c0_i32_0 = arith.constant 0 : i32
    %c0_i32_1 = arith.constant 0 : i32
    return %c0_i32, %c0_i32_0 : i32, i32
  }
  func.func @transform_4(%arg0: i32) -> (i32, i32) {
    %c0_i32 = arith.constant 0 : i32
    %c0_i32_0 = arith.constant 0 : i32
    %c0_i32_1 = arith.constant 0 : i32
    return %c0_i32, %c0_i32_0 : i32, i32
  }
  func.func @transform_5(%arg0: i32) -> (i32, i32) {
    %c0_i32 = arith.constant 0 : i32
    %c0_i32_0 = arith.constant 0 : i32
    return %arg0, %c0_i32 : i32, i32
  }
  func.func @transform_6(%arg0: i32) -> (i32, i32, i32) {
    %c0_i32 = arith.constant 0 : i32
    %c0_i32_0 = arith.constant 0 : i32
    %c0_i32_1 = arith.constant 0 : i32
    return %arg0, %c0_i32, %c0_i32_0 : i32, i32, i32
  }
}

module attributes {stable_mosaic.version = 14 : i64} {
  func.func @_k5a_body(%arg0: i32, %arg1: memref<1000x128xf32, #tpu.memory_space<vmem>>, %arg2: memref<2x1000x128xf32, #tpu.memory_space<vmem>>, %arg3: memref<1x1000x1xf32, #tpu.memory_space<vmem>>, %arg4: memref<1x1000x1xf32, #tpu.memory_space<vmem>>, %arg5: memref<1x1xf32, #tpu.memory_space<vmem>>, %arg6: memref<128x128xf32, #tpu.memory_space<vmem>>, %arg7: memref<1x128xf32, #tpu.memory_space<vmem>>, %arg8: memref<128x128xf32, #tpu.memory_space<vmem>>, %arg9: memref<1x128xf32, #tpu.memory_space<vmem>>, %arg10: memref<128x128xf32, #tpu.memory_space<vmem>>, %arg11: memref<1x128xf32, #tpu.memory_space<vmem>>, %arg12: memref<1000x128xf32, #tpu.memory_space<vmem>>, %arg13: memref<1x128xf32, #tpu.memory_space<vmem>>, %arg14: memref<1x128xf32, #tpu.memory_space<vmem>>) attributes {dimension_semantics = [#tpu.dimension_semantics<arbitrary>], iteration_bounds = array<i64: 10>, scalar_prefetch = 0 : i64, scratch_operands = 0 : i64, tpu.core_type = #tpu.core_type<tc>, window_params = [{transform_indices = @transform_0, window_bounds = array<i64: 1000, 128>}, {transform_indices = @transform_1, window_bounds = array<i64: 2, 1000, 128>}, {transform_indices = @transform_2, window_bounds = array<i64: 1, 1000, 1>}, {transform_indices = @transform_3, window_bounds = array<i64: 1, 1000, 1>}, {pipeline_mode = #tpu.pipeline_mode<synchronous>, transform_indices = @transform_4, window_bounds = array<i64: 1, 1>}, {pipeline_mode = #tpu.pipeline_mode<synchronous>, transform_indices = @transform_5, window_bounds = array<i64: 128, 128>}, {pipeline_mode = #tpu.pipeline_mode<synchronous>, transform_indices = @transform_6, window_bounds = array<i64: 1, 128>}, {pipeline_mode = #tpu.pipeline_mode<synchronous>, transform_indices = @transform_7, window_bounds = array<i64: 128, 128>}, {pipeline_mode = #tpu.pipeline_mode<synchronous>, transform_indices = @transform_8, window_bounds = array<i64: 1, 128>}, {pipeline_mode = #tpu.pipeline_mode<synchronous>, transform_indices = @transform_9, window_bounds = array<i64: 128, 128>}, {pipeline_mode = #tpu.pipeline_mode<synchronous>, transform_indices = @transform_10, window_bounds = array<i64: 1, 128>}, {transform_indices = @transform_11, window_bounds = array<i64: 1000, 128>}, {pipeline_mode = #tpu.pipeline_mode<synchronous>, transform_indices = @transform_12, window_bounds = array<i64: 1, 128>}, {pipeline_mode = #tpu.pipeline_mode<synchronous>, transform_indices = @transform_13, window_bounds = array<i64: 1, 128>}]} {
    %get3A = arith.constant 0 : index
    %get3A_0 = arith.constant 0 : index
    %get3A_1 = arith.constant 0 : index
    %get3A_2 = vector.load %arg3[%get3A, %get3A_0, %get3A_1] : memref<1x1000x1xf32, #tpu.memory_space<vmem>>, vector<1x1000x1xf32>
    %reshape3A = vector.shape_cast %get3A_2 : vector<1x1000x1xf32> to vector<1000x1xf32>
    %get3A_3 = arith.constant 0 : index
    %get3A_4 = arith.constant 0 : index
    %get3A_5 = arith.constant 0 : index
    %get3A_6 = vector.load %arg4[%get3A_3, %get3A_4, %get3A_5] : memref<1x1000x1xf32, #tpu.memory_space<vmem>>, vector<1x1000x1xf32>
    %reshape3A_7 = vector.shape_cast %get3A_6 : vector<1x1000x1xf32> to vector<1000x1xf32>
    %add3A = arith.addf %reshape3A, %reshape3A_7 : vector<1000x1xf32>
    %add3A_8 = arith.constant 1.000000e-16 : f32
    %add3A_9 = vector.broadcast %add3A_8 : f32 to vector<1000x1xf32>
    %add3A_10 = arith.addf %add3A, %add3A_9 : vector<1000x1xf32>
    %get3A_11 = arith.constant 0 : index
    %get3A_12 = arith.constant 0 : index
    %get3A_13 = arith.constant 0 : index
    %get3A_14 = vector.load %arg2[%get3A_11, %get3A_12, %get3A_13] : memref<2x1000x128xf32, #tpu.memory_space<vmem>>, vector<1x1000x128xf32>
    %get3A_15 = vector.shape_cast %get3A_14 : vector<1x1000x128xf32> to vector<1000x128xf32>
    %get3A_16 = arith.constant 1 : index
    %get3A_17 = arith.constant 0 : index
    %get3A_18 = arith.constant 0 : index
    %get3A_19 = vector.load %arg2[%get3A_16, %get3A_17, %get3A_18] : memref<2x1000x128xf32, #tpu.memory_space<vmem>>, vector<1x1000x128xf32>
    %get3A_20 = vector.shape_cast %get3A_19 : vector<1x1000x128xf32> to vector<1000x128xf32>
    %add3A_21 = arith.addf %get3A_15, %get3A_20 : vector<1000x128xf32>
    %div3A = vector.broadcast %add3A_10 : vector<1000x1xf32> to vector<1000x128xf32>
    %div3A_22 = arith.divf %add3A_21, %div3A : vector<1000x128xf32>
    %get3A_23 = arith.constant 0 : index
    %get3A_24 = arith.constant 0 : index
    %get3A_25 = vector.load %arg5[%get3A_23, %get3A_24] : memref<1x1xf32, #tpu.memory_space<vmem>>, vector<1x1xf32>
    %get3A_26 = vector.extract %get3A_25[0, 0] : f32 from vector<1x1xf32>
    %add3A_27 = arith.constant 1.000000e+00 : f32
    %add3A_28 = arith.addf %add3A_27, %get3A_26 : f32
    %get3A_29 = arith.constant 0 : index
    %get3A_30 = arith.constant 0 : index
    %get3A_31 = vector.load %arg1[%get3A_29, %get3A_30] : memref<1000x128xf32, #tpu.memory_space<vmem>>, vector<1000x128xf32>
    %mul3A = vector.broadcast %add3A_28 : f32 to vector<1000x128xf32>
    %mul3A_32 = arith.mulf %mul3A, %get3A_31 : vector<1000x128xf32>
    %add3A_33 = arith.addf %mul3A_32, %div3A_22 : vector<1000x128xf32>
    %get3A_34 = arith.constant 0 : index
    %get3A_35 = arith.constant 0 : index
    %get3A_36 = vector.load %arg6[%get3A_34, %get3A_35] : memref<128x128xf32, #tpu.memory_space<vmem>>, vector<128x128xf32>
    %dot_general3A = arith.constant dense<0.000000e+00> : vector<1000x128xf32>
    %dot_general3A_37 = tpu.matmul %add3A_33, %get3A_36, %dot_general3A {dimension_numbers = #tpu.dot_dimension_numbers<[1], [0], [0], [1], [0, 0, 1, 1], [], []>, transpose_lhs_hint = false} : vector<1000x128xf32>, vector<128x128xf32>, vector<1000x128xf32> -> vector<1000x128xf32>
    %get3A_38 = arith.constant 0 : index
    %get3A_39 = arith.constant 0 : index
    %get3A_40 = vector.load %arg7[%get3A_38, %get3A_39] : memref<1x128xf32, #tpu.memory_space<vmem>>, vector<1x128xf32>
    %add3A_41 = vector.broadcast %get3A_40 : vector<1x128xf32> to vector<1000x128xf32>
    %add3A_42 = arith.addf %dot_general3A_37, %add3A_41 : vector<1000x128xf32>
    %tanh3A = math.tanh %add3A_42 : vector<1000x128xf32>
    %get3A_43 = arith.constant 0 : index
    %get3A_44 = arith.constant 0 : index
    %get3A_45 = vector.load %arg8[%get3A_43, %get3A_44] : memref<128x128xf32, #tpu.memory_space<vmem>>, vector<128x128xf32>
    %dot_general3A_46 = arith.constant dense<0.000000e+00> : vector<1000x128xf32>
    %dot_general3A_47 = tpu.matmul %tanh3A, %get3A_45, %dot_general3A_46 {dimension_numbers = #tpu.dot_dimension_numbers<[1], [0], [0], [1], [0, 0, 1, 1], [], []>, transpose_lhs_hint = false} : vector<1000x128xf32>, vector<128x128xf32>, vector<1000x128xf32> -> vector<1000x128xf32>
    %get3A_48 = arith.constant 0 : index
    %get3A_49 = arith.constant 0 : index
    %get3A_50 = vector.load %arg9[%get3A_48, %get3A_49] : memref<1x128xf32, #tpu.memory_space<vmem>>, vector<1x128xf32>
    %add3A_51 = vector.broadcast %get3A_50 : vector<1x128xf32> to vector<1000x128xf32>
    %add3A_52 = arith.addf %dot_general3A_47, %add3A_51 : vector<1000x128xf32>
    %get3A_53 = arith.constant 0 : index
    %get3A_54 = arith.constant 0 : index
    %get3A_55 = vector.load %arg10[%get3A_53, %get3A_54] : memref<128x128xf32, #tpu.memory_space<vmem>>, vector<128x128xf32>
    %dot_general3A_56 = arith.constant dense<0.000000e+00> : vector<1000x128xf32>
    %dot_general3A_57 = tpu.matmul %add3A_52, %get3A_55, %dot_general3A_56 {dimension_numbers = #tpu.dot_dimension_numbers<[1], [0], [0], [1], [0, 0, 1, 1], [], []>, transpose_lhs_hint = false} : vector<1000x128xf32>, vector<128x128xf32>, vector<1000x128xf32> -> vector<1000x128xf32>
    %get3A_58 = arith.constant 0 : index
    %get3A_59 = arith.constant 0 : index
    %get3A_60 = vector.load %arg11[%get3A_58, %get3A_59] : memref<1x128xf32, #tpu.memory_space<vmem>>, vector<1x128xf32>
    %add3A_61 = vector.broadcast %get3A_60 : vector<1x128xf32> to vector<1000x128xf32>
    %add3A_62 = arith.addf %dot_general3A_57, %add3A_61 : vector<1000x128xf32>
    %swap3A = arith.constant 0 : index
    %swap3A_63 = arith.constant 0 : index
    %swap3A_64 = vector.load %arg12[%swap3A, %swap3A_63] : memref<1000x128xf32, #tpu.memory_space<vmem>>, vector<1000x128xf32>
    tpu.vector_store %arg12[%swap3A, %swap3A_63], %add3A_62 {strides = array<i32>} : memref<1000x128xf32, #tpu.memory_space<vmem>>, vector<1000x128xf32>,
    %reduce_sum3A = arith.constant dense<0.000000e+00> : vector<128xf32>
    %reduce_sum3A_65 = vector.multi_reduction <add>, %add3A_62, %reduce_sum3A [0] : vector<1000x128xf32> to vector<128xf32>
    %broadcast_in_dim3A = vector.shape_cast %reduce_sum3A_65 : vector<128xf32> to vector<1x128xf32>
    %mul3A_66 = arith.mulf %add3A_62, %add3A_62 : vector<1000x128xf32>
    %reduce_sum3A_67 = arith.constant dense<0.000000e+00> : vector<128xf32>
    %reduce_sum3A_68 = vector.multi_reduction <add>, %mul3A_66, %reduce_sum3A_67 [0] : vector<1000x128xf32> to vector<128xf32>
    %broadcast_in_dim3A_69 = vector.shape_cast %reduce_sum3A_68 : vector<128xf32> to vector<1x128xf32>
    %eq3A = arith.constant 0 : i32
    %eq3A_70 = arith.cmpi eq, %arg0, %eq3A : i32
    %convert_element_type3A = arith.extui %eq3A_70 : i1 to i32
    %cond3A = arith.constant 0 : i32
    %cond3A_71 = arith.cmpi ne, %convert_element_type3A, %cond3A : i32
    scf.if %cond3A_71 {
      %swap3A_76 = arith.constant 0 : index
      %swap3A_77 = arith.constant 0 : index
      %swap3A_78 = vector.load %arg13[%swap3A_76, %swap3A_77] : memref<1x128xf32, #tpu.memory_space<vmem>>, vector<1x128xf32>
      tpu.vector_store %arg13[%swap3A_76, %swap3A_77], %broadcast_in_dim3A {strides = array<i32>} : memref<1x128xf32, #tpu.memory_space<vmem>>, vector<1x128xf32>,
      %swap3A_79 = arith.constant 0 : index
      %swap3A_80 = arith.constant 0 : index
      %swap3A_81 = vector.load %arg14[%swap3A_79, %swap3A_80] : memref<1x128xf32, #tpu.memory_space<vmem>>, vector<1x128xf32>
      tpu.vector_store %arg14[%swap3A_79, %swap3A_80], %broadcast_in_dim3A_69 {strides = array<i32>} : memref<1x128xf32, #tpu.memory_space<vmem>>, vector<1x128xf32>,
    } else {
    }
    %gt3A = arith.constant 0 : i32
    %gt3A_72 = arith.cmpi sgt, %arg0, %gt3A : i32
    %convert_element_type3A_73 = arith.extui %gt3A_72 : i1 to i32
    %cond3A_74 = arith.constant 0 : i32
    %cond3A_75 = arith.cmpi ne, %convert_element_type3A_73, %cond3A_74 : i32
    scf.if %cond3A_75 {
      %get3A_76 = arith.constant 0 : index
      %get3A_77 = arith.constant 0 : index
      %get3A_78 = vector.load %arg13[%get3A_76, %get3A_77] : memref<1x128xf32, #tpu.memory_space<vmem>>, vector<1x128xf32>
      %add3A_79 = arith.addf %get3A_78, %broadcast_in_dim3A : vector<1x128xf32>
      %swap3A_80 = arith.constant 0 : index
      %swap3A_81 = arith.constant 0 : index
      %swap3A_82 = vector.load %arg13[%swap3A_80, %swap3A_81] : memref<1x128xf32, #tpu.memory_space<vmem>>, vector<1x128xf32>
      tpu.vector_store %arg13[%swap3A_80, %swap3A_81], %add3A_79 {strides = array<i32>} : memref<1x128xf32, #tpu.memory_space<vmem>>, vector<1x128xf32>,
      %get3A_83 = arith.constant 0 : index
      %get3A_84 = arith.constant 0 : index
      %get3A_85 = vector.load %arg14[%get3A_83, %get3A_84] : memref<1x128xf32, #tpu.memory_space<vmem>>, vector<1x128xf32>
      %add3A_86 = arith.addf %get3A_85, %broadcast_in_dim3A_69 : vector<1x128xf32>
      %swap3A_87 = arith.constant 0 : index
      %swap3A_88 = arith.constant 0 : index
      %swap3A_89 = vector.load %arg14[%swap3A_87, %swap3A_88] : memref<1x128xf32, #tpu.memory_space<vmem>>, vector<1x128xf32>
      tpu.vector_store %arg14[%swap3A_87, %swap3A_88], %add3A_86 {strides = array<i32>} : memref<1x128xf32, #tpu.memory_space<vmem>>, vector<1x128xf32>,
    } else {
    }
    return
  }
  func.func @transform_0(%arg0: i32) -> (i32, i32) {
    %c0_i32 = arith.constant 0 : i32
    %c0_i32_0 = arith.constant 0 : i32
    return %arg0, %c0_i32 : i32, i32
  }
  func.func @transform_1(%arg0: i32) -> (i32, i32, i32) {
    %c0_i32 = arith.constant 0 : i32
    %c0_i32_0 = arith.constant 0 : i32
    %c0_i32_1 = arith.constant 0 : i32
    return %c0_i32, %arg0, %c0_i32_0 : i32, i32, i32
  }
  func.func @transform_2(%arg0: i32) -> (i32, i32, i32) {
    %c0_i32 = arith.constant 0 : i32
    %c0_i32_0 = arith.constant 0 : i32
    %c0_i32_1 = arith.constant 0 : i32
    return %arg0, %c0_i32, %c0_i32_0 : i32, i32, i32
  }
  func.func @transform_3(%arg0: i32) -> (i32, i32, i32) {
    %c0_i32 = arith.constant 0 : i32
    %c0_i32_0 = arith.constant 0 : i32
    %c0_i32_1 = arith.constant 0 : i32
    return %arg0, %c0_i32, %c0_i32_0 : i32, i32, i32
  }
  func.func @transform_4(%arg0: i32) -> (i32, i32) {
    %c0_i32 = arith.constant 0 : i32
    %c0_i32_0 = arith.constant 0 : i32
    %c0_i32_1 = arith.constant 0 : i32
    return %c0_i32, %c0_i32_0 : i32, i32
  }
  func.func @transform_5(%arg0: i32) -> (i32, i32) {
    %c0_i32 = arith.constant 0 : i32
    %c0_i32_0 = arith.constant 0 : i32
    %c0_i32_1 = arith.constant 0 : i32
    return %c0_i32, %c0_i32_0 : i32, i32
  }
  func.func @transform_6(%arg0: i32) -> (i32, i32) {
    %c0_i32 = arith.constant 0 : i32
    %c0_i32_0 = arith.constant 0 : i32
    %c0_i32_1 = arith.constant 0 : i32
    return %c0_i32, %c0_i32_0 : i32, i32
  }
  func.func @transform_7(%arg0: i32) -> (i32, i32) {
    %c0_i32 = arith.constant 0 : i32
    %c0_i32_0 = arith.constant 0 : i32
    %c0_i32_1 = arith.constant 0 : i32
    return %c0_i32, %c0_i32_0 : i32, i32
  }
  func.func @transform_8(%arg0: i32) -> (i32, i32) {
    %c0_i32 = arith.constant 0 : i32
    %c0_i32_0 = arith.constant 0 : i32
    %c0_i32_1 = arith.constant 0 : i32
    return %c0_i32, %c0_i32_0 : i32, i32
  }
  func.func @transform_9(%arg0: i32) -> (i32, i32) {
    %c0_i32 = arith.constant 0 : i32
    %c0_i32_0 = arith.constant 0 : i32
    %c0_i32_1 = arith.constant 0 : i32
    return %c0_i32, %c0_i32_0 : i32, i32
  }
  func.func @transform_10(%arg0: i32) -> (i32, i32) {
    %c0_i32 = arith.constant 0 : i32
    %c0_i32_0 = arith.constant 0 : i32
    %c0_i32_1 = arith.constant 0 : i32
    return %c0_i32, %c0_i32_0 : i32, i32
  }
  func.func @transform_11(%arg0: i32) -> (i32, i32) {
    %c0_i32 = arith.constant 0 : i32
    %c0_i32_0 = arith.constant 0 : i32
    return %arg0, %c0_i32 : i32, i32
  }
  func.func @transform_12(%arg0: i32) -> (i32, i32) {
    %c0_i32 = arith.constant 0 : i32
    %c0_i32_0 = arith.constant 0 : i32
    %c0_i32_1 = arith.constant 0 : i32
    return %c0_i32, %c0_i32_0 : i32, i32
  }
  func.func @transform_13(%arg0: i32) -> (i32, i32) {
    %c0_i32 = arith.constant 0 : i32
    %c0_i32_0 = arith.constant 0 : i32
    %c0_i32_1 = arith.constant 0 : i32
    return %c0_i32, %c0_i32_0 : i32, i32
  }
}

module attributes {stable_mosaic.version = 14 : i64} {
  func.func @_k5b_body(%arg0: i32, %arg1: memref<1000x128xf32, #tpu.memory_space<vmem>>, %arg2: memref<1x128xf32, #tpu.memory_space<vmem>>, %arg3: memref<1x128xf32, #tpu.memory_space<vmem>>, %arg4: memref<1x128xf32, #tpu.memory_space<vmem>>, %arg5: memref<1x128xf32, #tpu.memory_space<vmem>>, %arg6: memref<128x128xf32, #tpu.memory_space<vmem>>, %arg7: memref<1x128xf32, #tpu.memory_space<vmem>>, %arg8: memref<1000x128xf32, #tpu.memory_space<vmem>>) attributes {dimension_semantics = [#tpu.dimension_semantics<arbitrary>], iteration_bounds = array<i64: 10>, scalar_prefetch = 0 : i64, scratch_operands = 0 : i64, tpu.core_type = #tpu.core_type<tc>, window_params = [{transform_indices = @transform_0, window_bounds = array<i64: 1000, 128>}, {pipeline_mode = #tpu.pipeline_mode<synchronous>, transform_indices = @transform_1, window_bounds = array<i64: 1, 128>}, {pipeline_mode = #tpu.pipeline_mode<synchronous>, transform_indices = @transform_2, window_bounds = array<i64: 1, 128>}, {pipeline_mode = #tpu.pipeline_mode<synchronous>, transform_indices = @transform_3, window_bounds = array<i64: 1, 128>}, {pipeline_mode = #tpu.pipeline_mode<synchronous>, transform_indices = @transform_4, window_bounds = array<i64: 1, 128>}, {pipeline_mode = #tpu.pipeline_mode<synchronous>, transform_indices = @transform_5, window_bounds = array<i64: 128, 128>}, {pipeline_mode = #tpu.pipeline_mode<synchronous>, transform_indices = @transform_6, window_bounds = array<i64: 1, 128>}, {transform_indices = @transform_7, window_bounds = array<i64: 1000, 128>}]} {
    %get3A = arith.constant 0 : index
    %get3A_0 = arith.constant 0 : index
    %get3A_1 = vector.load %arg2[%get3A, %get3A_0] : memref<1x128xf32, #tpu.memory_space<vmem>>, vector<1x128xf32>
    %mul3A = arith.constant 9.99999974E-5 : f32
    %mul3A_2 = vector.broadcast %mul3A : f32 to vector<1x128xf32>
    %mul3A_3 = arith.mulf %get3A_1, %mul3A_2 : vector<1x128xf32>
    %get3A_4 = arith.constant 0 : index
    %get3A_5 = arith.constant 0 : index
    %get3A_6 = vector.load %arg3[%get3A_4, %get3A_5] : memref<1x128xf32, #tpu.memory_space<vmem>>, vector<1x128xf32>
    %mul3A_7 = arith.constant 9.99999974E-5 : f32
    %mul3A_8 = vector.broadcast %mul3A_7 : f32 to vector<1x128xf32>
    %mul3A_9 = arith.mulf %get3A_6, %mul3A_8 : vector<1x128xf32>
    %mul3A_10 = arith.mulf %mul3A_3, %mul3A_3 : vector<1x128xf32>
    %sub3A = arith.subf %mul3A_9, %mul3A_10 : vector<1x128xf32>
    %add3A = arith.constant 9.99999974E-6 : f32
    %add3A_11 = vector.broadcast %add3A : f32 to vector<1x128xf32>
    %add3A_12 = arith.addf %sub3A, %add3A_11 : vector<1x128xf32>
    %sqrt3A = math.sqrt %add3A_12 : vector<1x128xf32>
    %div3A = arith.constant 1.000000e+00 : f32
    %div3A_13 = vector.broadcast %div3A : f32 to vector<1x128xf32>
    %div3A_14 = arith.divf %div3A_13, %sqrt3A : vector<1x128xf32>
    %get3A_15 = arith.constant 0 : index
    %get3A_16 = arith.constant 0 : index
    %get3A_17 = vector.load %arg1[%get3A_15, %get3A_16] : memref<1000x128xf32, #tpu.memory_space<vmem>>, vector<1000x128xf32>
    %sub3A_18 = vector.broadcast %mul3A_3 : vector<1x128xf32> to vector<1000x128xf32>
    %sub3A_19 = arith.subf %get3A_17, %sub3A_18 : vector<1000x128xf32>
    %mul3A_20 = vector.broadcast %div3A_14 : vector<1x128xf32> to vector<1000x128xf32>
    %mul3A_21 = arith.mulf %sub3A_19, %mul3A_20 : vector<1000x128xf32>
    %get3A_22 = arith.constant 0 : index
    %get3A_23 = arith.constant 0 : index
    %get3A_24 = vector.load %arg4[%get3A_22, %get3A_23] : memref<1x128xf32, #tpu.memory_space<vmem>>, vector<1x128xf32>
    %mul3A_25 = vector.broadcast %get3A_24 : vector<1x128xf32> to vector<1000x128xf32>
    %mul3A_26 = arith.mulf %mul3A_21, %mul3A_25 : vector<1000x128xf32>
    %get3A_27 = arith.constant 0 : index
    %get3A_28 = arith.constant 0 : index
    %get3A_29 = vector.load %arg5[%get3A_27, %get3A_28] : memref<1x128xf32, #tpu.memory_space<vmem>>, vector<1x128xf32>
    %add3A_30 = vector.broadcast %get3A_29 : vector<1x128xf32> to vector<1000x128xf32>
    %add3A_31 = arith.addf %mul3A_26, %add3A_30 : vector<1000x128xf32>
    %tanh3A = math.tanh %add3A_31 : vector<1000x128xf32>
    %get3A_32 = arith.constant 0 : index
    %get3A_33 = arith.constant 0 : index
    %get3A_34 = vector.load %arg6[%get3A_32, %get3A_33] : memref<128x128xf32, #tpu.memory_space<vmem>>, vector<128x128xf32>
    %dot_general3A = arith.constant dense<0.000000e+00> : vector<1000x128xf32>
    %dot_general3A_35 = tpu.matmul %tanh3A, %get3A_34, %dot_general3A {dimension_numbers = #tpu.dot_dimension_numbers<[1], [0], [0], [1], [0, 0, 1, 1], [], []>, transpose_lhs_hint = false} : vector<1000x128xf32>, vector<128x128xf32>, vector<1000x128xf32> -> vector<1000x128xf32>
    %get3A_36 = arith.constant 0 : index
    %get3A_37 = arith.constant 0 : index
    %get3A_38 = vector.load %arg7[%get3A_36, %get3A_37] : memref<1x128xf32, #tpu.memory_space<vmem>>, vector<1x128xf32>
    %add3A_39 = vector.broadcast %get3A_38 : vector<1x128xf32> to vector<1000x128xf32>
    %add3A_40 = arith.addf %dot_general3A_35, %add3A_39 : vector<1000x128xf32>
    %swap3A = arith.constant 0 : index
    %swap3A_41 = arith.constant 0 : index
    %swap3A_42 = vector.load %arg8[%swap3A, %swap3A_41] : memref<1000x128xf32, #tpu.memory_space<vmem>>, vector<1000x128xf32>
    tpu.vector_store %arg8[%swap3A, %swap3A_41], %add3A_40 {strides = array<i32>} : memref<1000x128xf32, #tpu.memory_space<vmem>>, vector<1000x128xf32>,
    return
  }
  func.func @transform_0(%arg0: i32) -> (i32, i32) {
    %c0_i32 = arith.constant 0 : i32
    %c0_i32_0 = arith.constant 0 : i32
    return %arg0, %c0_i32 : i32, i32
  }
  func.func @transform_1(%arg0: i32) -> (i32, i32) {
    %c0_i32 = arith.constant 0 : i32
    %c0_i32_0 = arith.constant 0 : i32
    %c0_i32_1 = arith.constant 0 : i32
    return %c0_i32, %c0_i32_0 : i32, i32
  }
  func.func @transform_2(%arg0: i32) -> (i32, i32) {
    %c0_i32 = arith.constant 0 : i32
    %c0_i32_0 = arith.constant 0 : i32
    %c0_i32_1 = arith.constant 0 : i32
    return %c0_i32, %c0_i32_0 : i32, i32
  }
  func.func @transform_3(%arg0: i32) -> (i32, i32) {
    %c0_i32 = arith.constant 0 : i32
    %c0_i32_0 = arith.constant 0 : i32
    %c0_i32_1 = arith.constant 0 : i32
    return %c0_i32, %c0_i32_0 : i32, i32
  }
  func.func @transform_4(%arg0: i32) -> (i32, i32) {
    %c0_i32 = arith.constant 0 : i32
    %c0_i32_0 = arith.constant 0 : i32
    %c0_i32_1 = arith.constant 0 : i32
    return %c0_i32, %c0_i32_0 : i32, i32
  }
  func.func @transform_5(%arg0: i32) -> (i32, i32) {
    %c0_i32 = arith.constant 0 : i32
    %c0_i32_0 = arith.constant 0 : i32
    %c0_i32_1 = arith.constant 0 : i32
    return %c0_i32, %c0_i32_0 : i32, i32
  }
  func.func @transform_6(%arg0: i32) -> (i32, i32) {
    %c0_i32 = arith.constant 0 : i32
    %c0_i32_0 = arith.constant 0 : i32
    %c0_i32_1 = arith.constant 0 : i32
    return %c0_i32, %c0_i32_0 : i32, i32
  }
  func.func @transform_7(%arg0: i32) -> (i32, i32) {
    %c0_i32 = arith.constant 0 : i32
    %c0_i32_0 = arith.constant 0 : i32
    return %arg0, %c0_i32 : i32, i32
  }
}

</mosaic_0001>

<sc_bundles>
// kernel: kernel.12.cloned.1.call-start
scs
__scs_entry_jumppad:
0x0: {  	(pc) =	sbr.rel $0x88, $3  }
0x1: {  	(tag) =	ssettag $0x0;
	lr =	simm.s32 $0x1  }
0x2: {  	[smem:$0x3F8F] =	sst lr;
	_ =	strace $0xD0000000  }
0x3: {  	_ = 	snop  }
0x4: {  	_ = 	snop  }
0x5: {  	_ = 	snop  }
0x6: {  	_ = 	snop  }
0x7: {  	_ = 	snop  }
__scs_overlays_trampoline_lowered:
0x8: {  	[smem:$0x3F9E] =	sst s0  }
0x9: {  	[smem:$0x3F9F] =	sst s1  }
0xa: {  	[smem:$0x3FA0] =	sst s2  }
0xb: {  	[smem:$0x3FA1] =	sst s3  }
0xc: {  	[smem:$0x3FA2] =	sst s4  }
0xd: {  	[smem:$0x3FA3] =	sst s5  }
0xe: {  	[smem:$0x3FA4] =	sst s6  }
0xf: {  	[smem:$0x3FA5] =	sst s7  }
0x10: {  	[smem:$0x3FA6] =	sst s8  }
0x11: {  	[smem:$0x3FA7] =	sst s9;
	s0 =	simm.s32 @!p0 $0x0  }
0x12: {  	s1 =	sld [smem:$0x3F8D];
	s0 =	simm.s32 @p0 $0x1  }
0x13: {  	[smem:$0x3FA8] =	sst s0;
	s0 =	simm.s32 @!p1 $0x0  }
0x14: {  	s2 =	sld [smem:$0x3F8C];
	s0 =	simm.s32 @p1 $0x1  }
0x15: {  	[smem:$0x3FA9] =	sst s0;
	s0 =	simm.s32 @!p2 $0x0  }
0x16: {  	s3 =	sld [smem:$0x3FDB];
	s0 =	simm.s32 @p2 $0x1  }
0x17: {  	s4 =	simm.s32 $0x1BF5;
	[smem:$0x3FAB] =	sst s0  }
0x18: {  	s0 =	sld [smem:$0x3F8E];
	_ =	swait.ge [sflag:s4], $0x0  }
0x19: {  	s7 =	sld [smem:$0x3F8F]  }
0x1a: {  	s8 =	sadd.s32 $0xFFFFE003, lr  }
0x1b: {  	s9 =	sadd.s32 $0xFFFFFEF7, lr;
	s5 =	simm.s32 $0xFFFFFFFF;
	p2 =	slt.u32 s8, $0xFFFFF086  }
0x1c: {  	p1 =	slt.u32 s9, $0xF7A;
	s5 =	simm.s32 @!p2 $0x0  }
0x1d: {  	s5 =	simm.s32 @p1 $0x1;
	p0 =	seq.s32 s7, s2  }
0x1e: {  	s7 =	smul.u32 @!p0 $0xF7A, s2;
	p2 =	seq.s32 @!p0 s5, $0x0  }
0x1f: {  	s9 =	smul.u32 $0xF7A, s1;
	s8 =	simm.s32 @!p0 $0x1BF5;
	p2 =	por !p2, p0  }
0x20: {  	[sflag:s8] =	ssyncset.s32 @!p0 $0xFFFFF086;
	s6 =	sadd.s32 @!p0 s3, s7;
	s7 =	simm.s32 @!p0 $0x108  }
0x21: {  	s3 =	sadd.s32 s3, s9;
	s6 =	sadd.s32 @!p0 $0x88, s6;
	s7 =	simm.s32 @p2 $0x1082  }
0x22: {  	[simem:s7], [sflag:s8] =	dma.local @!p0 [hbm:s6], $0xF7A  }
0x23: {  	s9 =	sor.u32 $0xD0000000, s2;
	s6 =	simm.s32 $0x108;
	_ =	swait.ge @!p0 [sflag:s8], $0x0  }
0x24: {  	s3 =	sadd.s32 $0x88, s3;
	s6 =	simm.s32 @!p1 $0x1082;
	[sflag:s4] =	ssyncset.s32 $0xFFFFF086  }
0x25: {  	[simem:s6], [sflag:s4] =	dma.local [hbm:s3], $0xF7A  }
0x26: {  	[smem:$0x3F8F] =	sst s1;
	(tag) =	ssettag s2;
	_ =	strace s9  }
0x27: {  	s1 =	sld [smem:$0x3F9F]  }
0x28: {  	s2 =	sld [smem:$0x3FA0]  }
0x29: {  	s4 =	sld [smem:$0x3FA2]  }
0x2a: {  	p0 =	seq.s32 s5, $0x0;
	s5 =	sld [smem:$0x3FA3]  }
0x2b: {  	s6 =	sld [smem:$0x3FA4]  }
0x2c: {  	s7 =	sld [smem:$0x3FA5]  }
0x2d: {  	s3 =	simm.s32 $0x108;
	s8 =	sld [smem:$0x3FA6]  }
0x2e: {  	s3 =	simm.s32 @!p0 $0x1082;
	s9 =	sld [smem:$0x3FA7]  }
0x2f: {  	lr =	sadd.s32 s0, s3;
	s0 =	sld [smem:$0x3F9E]  }
0x30: {  	s3 =	sld [smem:$0x3FA1]  }
0x31: {  	[smem:$0x3FAA] =	sst s10  }
0x32: {  	s10 =	sld [smem:$0x3FA8];
	_ =	sdelay $0x3  }
0x33: {  	p0 =	seq.s32 s10, $0x1;
	s10 =	sld [smem:$0x3FAA];
	_ =	sdelay $0x3  }
0x34: {  	[smem:$0x3FAA] =	sst s10  }
0x35: {  	s10 =	sld [smem:$0x3FA9];
	_ =	sdelay $0x3  }
0x36: {  	p1 =	seq.s32 s10, $0x1;
	s10 =	sld [smem:$0x3FAA];
	_ =	sdelay $0x3  }
0x37: {  	[smem:$0x3FAA] =	sst s10  }
0x38: {  	s10 =	sld [smem:$0x3FAB]  }
0x39: {  	_ = 	snop;
	(pc) =	sbr.ind lr, $3  }
0x3a: {  	_ = 	snop  }
0x3b: {  	_ = 	snop  }
0x3c: {  	p2 =	seq.s32 s10, $0x1;
	s10 =	sld [smem:$0x3FAA]  }
0x3d: {  	_ =	shalt  }
0x3e: {  	_ =	shalt  }
0x3f: {  	_ =	shalt  }
0x40: {  	_ =	shalt  }
0x41: {  	_ =	shalt  }
0x42: {  	_ =	shalt  }
0x43: {  	_ =	shalt  }
0x44: {  	_ =	shalt  }
0x45: {  	_ =	shalt  }
0x46: {  	_ =	shalt  }
0x47: {  	_ =	shalt  }
0x48: {  	_ =	shalt  }
0x49: {  	_ =	shalt  }
0x4a: {  	_ =	shalt  }
0x4b: {  	_ =	shalt  }
0x4c: {  	_ =	shalt  }
0x4d: {  	_ =	shalt  }
0x4e: {  	_ =	shalt  }
0x4f: {  	_ =	shalt  }
0x50: {  	_ =	shalt  }
0x51: {  	_ =	shalt  }
0x52: {  	_ =	shalt  }
0x53: {  	_ =	shalt  }
0x54: {  	_ =	shalt  }
0x55: {  	_ =	shalt  }
0x56: {  	_ =	shalt  }
0x57: {  	_ =	shalt  }
0x58: {  	_ =	shalt  }
0x59: {  	_ =	shalt  }
0x5a: {  	_ =	shalt  }
0x5b: {  	_ =	shalt  }
0x5c: {  	_ =	shalt  }
0x5d: {  	_ =	shalt  }
0x5e: {  	_ =	shalt  }
0x5f: {  	_ =	shalt  }
0x60: {  	_ =	shalt  }
0x61: {  	_ =	shalt  }
0x62: {  	_ =	shalt  }
0x63: {  	_ =	shalt  }
0x64: {  	_ =	shalt  }
0x65: {  	_ =	shalt  }
0x66: {  	_ =	shalt  }
0x67: {  	_ =	shalt  }
0x68: {  	_ =	shalt  }
0x69: {  	_ =	shalt  }
0x6a: {  	_ =	shalt  }
0x6b: {  	_ =	shalt  }
0x6c: {  	_ =	shalt  }
0x6d: {  	_ =	shalt  }
0x6e: {  	_ =	shalt  }
0x6f: {  	_ =	shalt  }
0x70: {  	_ =	shalt  }
0x71: {  	_ =	shalt  }
0x72: {  	_ =	shalt  }
0x73: {  	_ =	shalt  }
0x74: {  	_ =	shalt  }
0x75: {  	_ =	shalt  }
0x76: {  	_ =	shalt  }
0x77: {  	_ =	shalt  }
0x78: {  	_ =	shalt  }
0x79: {  	_ =	shalt  }
0x7a: {  	_ =	shalt  }
0x7b: {  	_ =	shalt  }
0x7c: {  	_ =	shalt  }
0x7d: {  	_ =	shalt  }
0x7e: {  	_ =	shalt  }
0x7f: {  	_ =	shalt  }
0x80: {  	_ =	shalt  }
0x81: {  	_ =	shalt  }
0x82: {  	_ =	shalt  }
0x83: {  	_ =	shalt  }
0x84: {  	_ =	shalt  }
0x85: {  	_ =	shalt  }
0x86: {  	_ =	shalt  }
0x87: {  	_ =	shalt  }
.Lfunc_end0:
.L_simem_size_0:
called_computation.1_lowered:
.L_overlay_start_0:
0x88: {  	s2 =	sld [smem:$0x3FD9]  }
0x89: {  	s3 =	sld [smem:$0x3FFE];
	_ =	sdelay $0x1  }
0x8a: {  	s1 =	srdreg.scid  }
0x8b: {  	s0 =	sand.u32 $0x1, s1  }
0x8c: {  	s14 =	sshll.u32 s0, $0xA;
	s2 =	sadd.s32 s3, s2  }
0x8d: {  	s2 =	sadd.s32 s2, s14  }
0x8e: {  	[smem:$0x3FB6] =	sst s2  }
0x8f: {  	_ = 	snop  }
0x90: {  	s2 =	sld [smem:$0x3FD0];
	_ =	sdelay $0x2  }
0x91: {  	s15 =	simm.s32 $0xA;
	s4 =	simm.s32 $0x10  }
0x92: {  	[smem:s4], [sflag:s15] =	dma.local [hbm:s2], $0x1  }
0x93: {  	_ =	swait.eq [sflag:s15], $0x1  }
0x94: {  	[sflag:s15] =	ssyncset.done $0x0  }
0x95: {  	[sflag:s15] =	ssyncadd.s32 $0xFFFFFFFF  }
0x96: {  	s16 =	sld [smem:$0x11];
	(tm) =	ssettm $0x1  }
0x97: {  	s17 =	sld [smem:$0x3FFB];
	_ =	sdelay $0x3  }
0x98: {  	_ =	strace s17  }
0x99: {  	s3 =	sld [smem:$0x3FFC];
	_ =	sdelay $0x3  }
0x9a: {  	_ =	strace s3  }
0x9b: {  	s3 =	sld [smem:$0x3FFD];
	_ =	sdelay $0x3  }
0x9c: {  	_ =	strace s3  }
0x9d: {  	_ =	strace $0x8FFFFFFF  }
0x9e: {  	s18 =	sld [smem:$0x3FDB];
	_ =	sdelay $0x1  }
0x9f: {  	s19 =	simm.s32 $_scs_section_size  }
0xa0: {  	s5 =	simm.s32 $_size__tile_overlayer_lowered;
	s6 =	simm.s32 $_tile_overlayer_lowered  }
0xa1: {  	s22 =	simm.s32 $0x1BFF;
	s21 =	sshll.u32 s6, $0x1;
	s3 =	sadd.s32 s19, s18  }
0xa2: {  	s7 =	simm.s32 $0x0;
	s20 =	sshll.u32 s5, $0x1;
	s5 =	sadd.s32 s21, s3  }
0xa3: {  	[timem:s7], [sflag:s22] =	dma.local [hbm:s5], s20  }
0xa4: {  	_ =	swait.ge [sflag:s22], s20  }
0xa5: {  	s4 =	ssub.s32 $0x0, s20;
	[sflag:s22] =	ssyncset.done $0x0  }
0xa6: {  	[sflag:s22] =	ssyncadd.s32 s4;
	_ =	sdelay $0x1  }
0xa7: {  	s23 =	simm.s32 $0x1B8B  }
0xa8: {  	_ =	swait.ge [sflag:s23], $0x1  }
0xa9: {  	[sflag:s23] =	ssyncset.done $0x0  }
0xaa: {  	s25 =	simm.s32 $0x1B8E;
	s24 =	sld [smem:$0x3FFE];
	[sflag:s23] =	ssyncadd.s32 $0xFFFFFFFF  }
0xab: {  	s26 =	simm.s32 $execute0_lowered;
	[smem:$0x3FD2] =	sst s25  }
0xac: {  	s5 =	sshll.u32 s26, $0x1;
	_ =	strace $0x80000049;
	[dreg:$0x1] =	wrdreg $0xFFFFFFFF  }
0xad: {  	s28 =	simm.s32 $_size_execute0_lowered;
	s3 =	sadd.s32 s3, s5;
	[dreg:$0x0] =	wrdreg $0x0  }
0xae: {  	s5 =	sshll.u32 s28, $0x1;
	[dreg:$0x2] =	wrdreg s3  }
0xaf: {  	[dreg:$0x3] =	wrdreg s5  }
0xb0: {  	[dreg:$0x4] =	wrdreg $0xC0  }
0xb1: {  	_ =	task [dreg:s7], $0x5FFFF  }
0xb2: {  	[dreg:$0x1] =	wrdreg $0xFFFFFFFF  }
0xb3: {  	[dreg:$0x0] =	wrdreg $0x60  }
0xb4: {  	[dreg:$0x2] =	wrdreg s24  }
0xb5: {  	[dreg:$0x3] =	wrdreg s16  }
0xb6: {  	[dreg:$0x4] =	wrdreg $0x0  }
0xb7: {  	[dreg:$0x5] =	wrdreg $0x138800  }
0xb8: {  	[dreg:$0x6] =	wrdreg $0x9  }
0xb9: {  	_ =	task.clear_ibuf [dreg:s7], $0x7FFFF;
	_ =	strace $0x90000049  }
0xba: {  	s29 =	simm.s32 $0x9;
	_ =	strace $0x8000004B  }
0xbb: {  	_ =	swait.ge [sflag:s29], $0x1  }
0xbc: {  	[sflag:s29] =	ssyncadd.s32 $0xFFFFFFFF  }
0xbd: {  	_ =	strace $0x9000004B  }
0xbe: {  	_ =	sfence  }
0xbf: {  	s30 =	sld [smem:$0x0];
	_ =	sdelay $0x2  }
0xc0: {  	s31 =	sshll.u32 s1, $0xD;
	s1 =	sshrl.u32 s1, $0x2  }
0xc1: {  	s3 =	sand.u32 $0x4000, s31;
	s1 =	sadd.s32 s1, s30  }
0xc2: {  	s0 =	sor.u32 s3, s0;
	s1 =	sshll.u32 s1, $0x11  }
0xc3: {  	s0 =	sor.u32 s1, s0  }
0xc4: {  	s0 =	sadd.s32 $0x8F2B, s0  }
0xc5: {  	[sflag:s0] =	ssyncadd.remote.s32 $0x1  }
0xc6: {  	_ =	sfence.sel $0xFFFF  }
0xc7: {  	[dreg:$0x0] =	wrdreg $0xFFFFFFFF;
	(pc) =	sbr.abs _section_cstart, $3  }
0xc8: {  	[dreg:$0x1] =	wrdreg $0xFFFFFFFF  }
0xc9: {  	_ =	task.clear_ibuf [dreg:s7], $0x2FFFF;
	_ =	strace $0x9FFFFFFF  }
0xca: {  	(tm) =	ssettm $0x7FFFFFFF  }
0xcb: {  	_ =	shalt  }
tec
execute0_lowered:
.L_overlay_start_1:
0x0: {  	(tag) =	ssettag $0x1  }
0x1: {  	s0 =	rddreg [dreg:$0x0]  }
0x2: {  	s1 =	rddreg [dreg:$0x1]  }
0x3: {  	s2 =	rddreg [dreg:$0x2]  }
0x4: {  	s4 =	srdreg.scid;
	s18 =	stileid.u32  }
0x5: {  	s3 =	rddreg [dreg:$0x3];
	s28 =	simm.s32 $0x16280;
	s10 =	smul.u32 $0x280, s18  }
0x6: {  	s29 =	simm.s32 $0x1E280;
	s30 =	simm.s32 $0x1A280;
	s12 =	smul.u32 $0x2780, s18  }
0x7: {  	s31 =	simm.s32 $0x1E300;
	s6 =	sand.u32 $0x1, s4;
	s15 =	smul.u32 $0x4F000, s18  }
0x8: {  	s5 =	sshll.u32 s18, $0x1;
	s8 =	sadd.s32 $0x4F8200, s0;
	s19 =	smul.u32 $0x13C00, s18  }
0x9: {  	s4 =	simm.s32 $0x0;
	s17 =	sadd.s32 $0x33C00, s0;
	s25 =	smul.u32 $0x138800, s6  }
0xa: {  	s26 =	sadd.s32 $0x128400, s2;
	s7 =	sor.u32 s6, s5;
	s22 =	smul.u32 $0x2800, s6  }
0xb: {  	[smem:$0x7FF] =	sst s4;
	s14 =	ssub.s32 $0x2, s6;
	s5 =	smul.u32 $0x2780, s7  }
0xc: {  	_ =	strace $0x8000004A;
	s13 =	sshrl.u32 s10, $0x3;
	s12 =	sadd.s32 s12, s0  }
0xd: {  	s16 =	sshrl.u32 s14, $0x1;
	s24 =	sshrl.u32 s15, $0x2;
	[dreg:$0x7] =	wrdreg s26  }
0xe: {  	s20 =	sadd.s32 s10, s3;
	p0 =	seq.s32 s7, $0x1F;
	s7 =	smul.u32 $0x27800, s7  }
0xf: {  	s13 =	sadd.s32 s13, s0;
	s14 =	ssub.s32 s14, s16;
	s16 =	sadd.s32 s24, s2  }
0x10: {  	s12 =	sadd.s32 $0xC400, s12;
	[dreg:$0x9] =	wrdreg s20;
	s23 =	sshrl.u32 s25, $0x3  }
0x11: {  	s24 =	sadd.s32 s10, s22;
	s9 =	sshrl.u32 s5, $0x3;
	[dreg:$0x5] =	wrdreg s16  }
0x12: {  	s5 =	sadd.s32 $0x2600, s0;
	[dreg:$0x6] =	wrdreg s12;
	s21 =	sadd.s32 $0x33600, s13  }
0x13: {  	s12 =	simm.s32 $0x33;
	s7 =	sadd.s32 s8, s7;
	s16 =	smul.u32 $0x2780, s6  }
0x14: {  	s8 =	sadd.s32 s15, s8;
	s6 =	smul.u32 $0x27800, s6;
	s11 =	sadd.s32 s9, s0  }
0x15: {  	s0 =	sadd.s32 $0x31480, s0;
	[dreg:$0xa] =	wrdreg s21;
	s12 =	simm.s32 @!p0 $0x4F  }
0x16: {  	[dreg:$0xb] =	wrdreg s7;
	s9 =	sadd.s32 s5, s9;
	s21 =	sshrl.u32 s24, $0x3  }
0x17: {  	s24 =	smax.u32 s14, $0x1;
	p0 =	seq.s32 s18, $0xF;
	s7 =	simm.s32 $0x4  }
0x18: {  	[dreg:$0x8] =	wrdreg s0;
	s0 =	sadd.s32 s19, s25;
	s25 =	smul.u32 $0x4F00, s18  }
0x19: {  	s26 =	sshll.u32 s12, $0x9;
	s11 =	sadd.s32 $0x4EE400, s11;
	[dreg:$0xe] =	wrdreg s9  }
0x1a: {  	s22 =	sadd.s32 s6, s8;
	[dreg:$0x12] =	wrdreg s24;
	s0 =	sshrl.u32 s0, $0x3  }
0x1b: {  	s6 =	simm.s32 $0x80;
	[dreg:$0xd] =	wrdreg s11;
	s0 =	sadd.s32 s17, s0  }
0x1c: {  	s8 =	simm.s32 $0x0;
	s19 =	sadd.s32 s16, s25;
	[dreg:$0xc] =	wrdreg s0  }
0x1d: {  	s0 =	sadd.s32 s17, s23;
	s17 =	sadd.s32 $0xFFFFFE00, s26;
	s26 =	sadd.s32 $0x100, s19  }
0x1e: {  	s20 =	sshrl.u32 s17, $0x2;
	s0 =	sadd.s32 $0x25080, s0;
	[dreg:$0x15] =	wrdreg s26  }
0x1f: {  	s23 =	sadd.s32 $0x80, s19;
	s10 =	sadd.s32 $0x13B00, s20;
	[dreg:$0x10] =	wrdreg s0  }
0x20: {  	s25 =	sshrl.u32 s23, $0x3;
	s0 =	sadd.s32 s1, s21;
	[dreg:$0xf] =	wrdreg s10  }
0x21: {  	s26 =	simm.s32 $0x3;
	[dreg:$0x11] =	wrdreg s0;
	s0 =	sadd.s32 $0x800, s22  }
0x22: {  	s1 =	simm.s32 $0x1;
	[dreg:$0x13] =	wrdreg s0;
	s0 =	sadd.s32 s25, s5  }
0x23: {  	s25 =	simm.s32 $0x5;
	[dreg:$0x14] =	wrdreg s0;
	s0 =	simm.s32 $0x2  }
.LBB2_1:
0x24: {  	s9 =	rddreg [dreg:$0x7]  }
0x25: {  	s11 =	sshrl.u32 @p0 s9, $0x3;
	s9 =	rddreg [dreg:$0x8]  }
0x26: {  	s10 =	simm.s32 @p0 $0x1FC5;
	[dreg:$0x16] =	wrdreg s11  }
0x27: {  	[spmem:s11], [sflag:s10] =	dma.local @p0 [hbm:s9], $0x2080  }
0x28: {  	s10 =	simm.s32 @p0 $0x5  }
0x29: {  	s9 =	stileid.u32;
	_ =	swait.ge @p0 [sflag:s10], $0x2080  }
0x2a: {  	s11 =	sshll.u32 @!p0 s9, $0x6;
	s13 =	rddreg [dreg:$0x5]  }
0x2b: {  	[sflag:s10] =	ssyncset.done @p0 $0x0;
	s14 =	sshrl.u32 @!p0 s13, $0x3;
	s13 =	rddreg [dreg:$0x6]  }
0x2c: {  	s11 =	sor.u32 @!p0 $0x1C05, s11;
	[sflag:s10] =	ssyncadd.s32 @p0 $0xFFFFDF80;
	[dreg:$0x17] =	wrdreg s14  }
0x2d: {  	[spmem:s14], [sflag:s11] =	dma.local @!p0 [hbm:s13], $0x2780  }
0x2e: {  	s11 =	simm.s32 @!p0 $0x5  }
0x2f: {  	s15 =	sshll.u32 s9, $0x6;
	_ =	swait.ge @!p0 [sflag:s11], $0x2780  }
0x30: {  	s14 =	sor.u32 $0x1C05, s15;
	[sflag:s11] =	ssyncset.done @!p0 $0x0;
	s16 =	rddreg [dreg:$0x9]  }
0x31: {  	s18 =	rddreg [dreg:$0xa];
	[sflag:s11] =	ssyncadd.s32 @!p0 $0xFFFFD880;
	s15 =	sshrl.u32 s16, $0x3  }
0x32: {  	[spmem:s15], [sflag:s14] =	dma.local [hbm:s18], $0x50  }
0x33: {  	_ =	swait.ge [sflag:s25], $0x50  }
0x34: {  	[sflag:s25] =	ssyncset.done $0x0  }
0x35: {  	[sflag:s25] =	ssyncadd.s32 $0xFFFFFFB0  }
0x36: {  	[bflag:$0x0] =	sbarrier.arrive $0xFFFF  }
0x37: {  	s20 =	simm.s32 $0x13B00;
	s19 =	rddreg [dreg:$0xd]  }
0x38: {  	[tilespmem:s20], [sflag:$0x5] =	stream.linear.gather [hbm4b:s19+s4], $0x2780, $0x38;
	[tilespmem:$0x1E380] =	vst v63  }
0x39: {  	_ =	swait.ge [sflag:s25], $0x2780  }
0x3a: {  	[sflag:s25] =	ssyncset.done $0x0  }
0x3b: {  	s21 =	rddreg [dreg:$0xb];
	[sflag:s25] =	ssyncadd.s32 $0xFFFFD880  }
0x3c: {  	[tilespmem:s28], [sflag:$0x1] =	stream.linear.gather [hbm4b:s21+s4], $0x4000, $0x38;
	[tilespmem:$0x1E380] =	vst v63  }
0x3d: {  	s22 =	rddreg [dreg:$0xe]  }
0x3e: {  	[tilespmem:s29], [sflag:$0x3] =	stream.linear.gather [hbm4b:s22+s4], $0x80, $0x38;
	[tilespmem:$0x1E380] =	vst v63  }
0x3f: {  	s22 =	rddreg [dreg:$0x13]  }
0x40: {  	[tilespmem:s30], [sflag:$0x2] =	stream.linear.gather [hbm4b:s22+s4], $0x4000, $0x38;
	[tilespmem:$0x1E380] =	vst v63  }
0x41: {  	s23 =	rddreg [dreg:$0x14]  }
0x42: {  	[tilespmem:s31], [sflag:$0x4] =	stream.linear.gather [hbm4b:s23+s4], $0x80, $0x38;
	[tilespmem:$0x1E380] =	vst v63  }
0x43: {  	_ =	swait.ge [sflag:s1], $0x4000  }
0x44: {  	[sflag:s1] =	ssyncset.done $0x0  }
0x45: {  	[sflag:s1] =	ssyncadd.s32 $0xFFFFC000  }
0x46: {  	_ =	swait.ge [sflag:s26], $0x80  }
0x47: {  	[sflag:s26] =	ssyncset.done $0x0  }
0x48: {  	s16 =	simm.s32 $0x13B00;
	[sflag:s26] =	ssyncadd.s32 $0xFFFFFF80  }
0x49: {  	[spmem:s2] =	stream.indirect.scatter.add.f32 [tilespmem:s28], [sflag:$0x5], $0x80, s16, s6, $0xb8;
	[tilespmem:$0x1E380] =	vst v63  }
0x4a: {  	_ =	swait.ge [sflag:s25], $0x4000  }
0x4b: {  	[sflag:s25] =	ssyncset.done $0x0  }
0x4c: {  	p1 =	sle.u32 s12, $0x2;
	[sflag:s25] =	ssyncadd.s32 $0xFFFFC000  }
0x4d: {  	[spmem:s3] =	stream.indirect.scatter.add.f32 [tilespmem:s29], [sflag:$0x5], $0x1, s16, s6, $0xb8;
	[tilespmem:$0x1E380] =	vst v63  }
0x4e: {  	s19 =	simm.s32 @!p1 $0x0;
	_ =	swait.ge [sflag:s25], $0x80  }
0x4f: {  	s20 =	simm.s32 @!p1 $0x16280;
	[sflag:s25] =	ssyncset.done $0x0;
	s13 =	rddreg [dreg:$0x15]  }
0x50: {  	s16 =	sadd.s32 @!p1 $0x800, s22;
	[sflag:s25] =	ssyncadd.s32 $0xFFFFFF80;
	s21 =	sshrl.u32 @!p1 s13, $0x3  }
0x51: {  	[tilespmem:s20], [sflag:$0x1] =	stream.linear.gather @!p1 [hbm4b:s16+s19], $0x4000, $0x38;
	[tilespmem:$0x1E380] =	vst v63  }
0x52: {  	s16 =	sadd.s32 @!p1 s5, s21;
	s20 =	simm.s32 @!p1 $0x1E280  }
0x53: {  	[tilespmem:s20], [sflag:$0x3] =	stream.linear.gather @!p1 [hbm4b:s16+s19], $0x80, $0x38;
	[tilespmem:$0x1E380] =	vst v63  }
0x54: {  	_ =	swait.ge [sflag:s0], $0x4000  }
0x55: {  	[sflag:s0] =	ssyncset.done $0x0  }
0x56: {  	[sflag:s0] =	ssyncadd.s32 $0xFFFFC000  }
0x57: {  	_ =	swait.ge [sflag:s7], $0x80  }
0x58: {  	[sflag:s7] =	ssyncset.done $0x0  }
0x59: {  	s24 =	simm.s32 $0x13B80;
	p1 =	sne.s32 s17, $0x400;
	[sflag:s7] =	ssyncadd.s32 $0xFFFFFF80  }
0x5a: {  	[spmem:s2] =	stream.indirect.scatter.add.f32 [tilespmem:s30], [sflag:$0x5], $0x80, s24, s6, $0xb8;
	[tilespmem:$0x1E380] =	vst v63  }
.Ltmp0:
0x5b: {  	_ =	swait.ge [sflag:s25], $0x4000;
	(pc) =	sbr.rel @!p1 .LBB2_3-.Ltmp0, $4  }
0x5c: {  	[sflag:s25] =	ssyncset.done $0x0  }
0x5d: {  	s21 =	sadd.s32 $0x100, s13;
	s16 =	simm.s32 $0x400;
	[sflag:s25] =	ssyncadd.s32 $0xFFFFC000  }
0x5e: {  	[spmem:s3] =	stream.indirect.scatter.add.f32 [tilespmem:s31], [sflag:$0x5], $0x1, s24, s6, $0xb8;
	[tilespmem:$0x1E380] =	vst v63  }
0x5f: {  	s19 =	simm.s32 $0x4;
	s20 =	sadd.s32 $0x20, s23;
	_ =	swait.ge [sflag:s25], $0x80  }
.LBB2_2:
0x60: {  	[sflag:s25] =	ssyncset.done $0x0  }
0x61: {  	s22 =	sadd.s32 $0x1000, s22;
	s23 =	smov.u32 s16;
	s16 =	sadd.s32 $0x400, s16  }
0x62: {  	p1 =	sne.s32 s17, s16;
	[sflag:s25] =	ssyncadd.s32 $0xFFFFFF80  }
0x63: {  	[tilespmem:s30], [sflag:$0x2] =	stream.linear.gather [hbm4b:s22+s4], $0x4000, $0x38;
	[tilespmem:$0x1E380] =	vst v63  }
0x64: {  	_ = 	snop  }
0x65: {  	[tilespmem:s31], [sflag:$0x4] =	stream.linear.gather [hbm4b:s20+s4], $0x80, $0x38;
	[tilespmem:$0x1E380] =	vst v63  }
0x66: {  	_ =	swait.ge [sflag:s1], $0x4000  }
0x67: {  	[sflag:s1] =	ssyncset.done $0x0  }
0x68: {  	[sflag:s1] =	ssyncadd.s32 $0xFFFFC000  }
0x69: {  	s23 =	sshra.s32 s23, $0x2;
	_ =	swait.ge [sflag:s26], $0x80  }
0x6a: {  	s24 =	sadd.s32 $0x13B00, s23;
	[sflag:s26] =	ssyncset.done $0x0  }
0x6b: {  	[sflag:s26] =	ssyncadd.s32 $0xFFFFFF80  }
0x6c: {  	[spmem:s2] =	stream.indirect.scatter.add.f32 [tilespmem:s28], [sflag:$0x5], $0x80, s24, s6, $0xb8;
	[tilespmem:$0x1E380] =	vst v63  }
0x6d: {  	_ =	swait.ge [sflag:s25], $0x4000  }
0x6e: {  	[sflag:s25] =	ssyncset.done $0x0  }
0x6f: {  	[sflag:s25] =	ssyncadd.s32 $0xFFFFC000  }
0x70: {  	[spmem:s3] =	stream.indirect.scatter.add.f32 [tilespmem:s29], [sflag:$0x5], $0x1, s24, s6, $0xb8;
	[tilespmem:$0x1E380] =	vst v63  }
0x71: {  	p2 =	sge.u32 s19, s12;
	_ =	swait.ge [sflag:s25], $0x80  }
0x72: {  	s18 =	simm.s32 @!p2 $0x0;
	s24 =	sadd.s32 @!p2 $0x800, s22;
	[sflag:s25] =	ssyncset.done $0x0  }
0x73: {  	s9 =	simm.s32 @!p2 $0x16280;
	s13 =	sshrl.u32 @!p2 s21, $0x3;
	[sflag:s25] =	ssyncadd.s32 $0xFFFFFF80  }
0x74: {  	[tilespmem:s9], [sflag:$0x1] =	stream.linear.gather @!p2 [hbm4b:s24+s18], $0x4000, $0x38;
	[tilespmem:$0x1E380] =	vst v63  }
0x75: {  	s9 =	sadd.s32 @!p2 s5, s13;
	s13 =	simm.s32 @!p2 $0x1E280  }
0x76: {  	[tilespmem:s13], [sflag:$0x3] =	stream.linear.gather @!p2 [hbm4b:s9+s18], $0x80, $0x38;
	[tilespmem:$0x1E380] =	vst v63  }
0x77: {  	_ =	swait.ge [sflag:s0], $0x4000  }
0x78: {  	[sflag:s0] =	ssyncset.done $0x0  }
0x79: {  	[sflag:s0] =	ssyncadd.s32 $0xFFFFC000  }
0x7a: {  	_ =	swait.ge [sflag:s7], $0x80  }
0x7b: {  	s9 =	sadd.s32 $0x13B80, s23;
	[sflag:s7] =	ssyncset.done $0x0  }
0x7c: {  	[sflag:s7] =	ssyncadd.s32 $0xFFFFFF80  }
0x7d: {  	[spmem:s2] =	stream.indirect.scatter.add.f32 [tilespmem:s30], [sflag:$0x5], $0x80, s9, s6, $0xb8;
	[tilespmem:$0x1E380] =	vst v63  }
.Ltmp1:
0x7e: {  	_ =	swait.ge [sflag:s25], $0x4000;
	(pc) =	sbr.rel @p1 .LBB2_2-.Ltmp1, $4  }
0x7f: {  	[sflag:s25] =	ssyncset.done $0x0  }
0x80: {  	s19 =	sadd.s32 $0x2, s19;
	[sflag:s25] =	ssyncadd.s32 $0xFFFFC000  }
0x81: {  	[spmem:s3] =	stream.indirect.scatter.add.f32 [tilespmem:s31], [sflag:$0x5], $0x1, s9, s6, $0xb8;
	[tilespmem:$0x1E380] =	vst v63  }
0x82: {  	s21 =	sadd.s32 $0x100, s21;
	s20 =	sadd.s32 $0x20, s20;
	_ =	swait.ge [sflag:s25], $0x80  }
.LBB2_3:
0x83: {  	[sflag:s25] =	ssyncset.done $0x0  }
0x84: {  	[sflag:s25] =	ssyncadd.s32 $0xFFFFFF80  }
0x85: {  	_ =	swait.ge [sflag:s1], $0x4000  }
0x86: {  	[sflag:s1] =	ssyncset.done $0x0  }
0x87: {  	[sflag:s1] =	ssyncadd.s32 $0xFFFFC000  }
0x88: {  	_ =	swait.ge [sflag:s26], $0x80  }
0x89: {  	[sflag:s26] =	ssyncset.done $0x0  }
0x8a: {  	s9 =	rddreg [dreg:$0xf];
	[sflag:s26] =	ssyncadd.s32 $0xFFFFFF80  }
0x8b: {  	[spmem:s2] =	stream.indirect.scatter.add.f32 [tilespmem:s28], [sflag:$0x5], $0x80, s9, s6, $0xb8;
	[tilespmem:$0x1E380] =	vst v63  }
0x8c: {  	_ =	swait.ge [sflag:s25], $0x4000  }
0x8d: {  	[sflag:s25] =	ssyncset.done $0x0  }
0x8e: {  	[sflag:s25] =	ssyncadd.s32 $0xFFFFC000  }
0x8f: {  	[spmem:s3] =	stream.indirect.scatter.add.f32 [tilespmem:s29], [sflag:$0x5], $0x1, s9, s6, $0xb8;
	[tilespmem:$0x1E380] =	vst v63  }
0x90: {  	_ =	swait.ge [sflag:s25], $0x80  }
0x91: {  	[sflag:s25] =	ssyncset.done $0x0  }
0x92: {  	[sflag:s25] =	ssyncadd.s32 $0xFFFFFF80  }
0x93: {  	[bflag:$0x0] =	sbarrier.arrive $0xFFFF  }
0x94: {  	s9 =	rddreg [dreg:$0x10]  }
0x95: {  	s13 =	rddreg [dreg:$0x16]  }
0x96: {  	[hbm:s9], [sflag:s14] =	dma.local @p0 [spmem:s13], $0x2080  }
0x97: {  	_ =	swait.ge @p0 [sflag:s10], $0x2080  }
0x98: {  	[sflag:s10] =	ssyncset.done @p0 $0x0;
	s9 =	rddreg [dreg:$0xc]  }
0x99: {  	[sflag:s10] =	ssyncadd.s32 @p0 $0xFFFFDF80;
	s10 =	rddreg [dreg:$0x17]  }
0x9a: {  	[hbm:s9], [sflag:s14] =	dma.local @!p0 [spmem:s10], $0x2780  }
0x9b: {  	_ =	swait.ge @!p0 [sflag:s11], $0x2780  }
0x9c: {  	[sflag:s11] =	ssyncset.done @!p0 $0x0  }
0x9d: {  	s23 =	rddreg [dreg:$0x11];
	[sflag:s11] =	ssyncadd.s32 @!p0 $0xFFFFD880  }
0x9e: {  	[hbm:s23], [sflag:s14] =	dma.local [spmem:s15], $0x50  }
0x9f: {  	_ =	swait.ge [sflag:s25], $0x50  }
0xa0: {  	s8 =	sadd.s32 $0x1, s8;
	s24 =	rddreg [dreg:$0x12]  }
0xa1: {  	p1 =	sne.s32 s8, s24  }
.Ltmp2:
0xa2: {  	_ = 	snop;
	(pc) =	sbr.rel @p1 .LBB2_1-.Ltmp2, $3  }
0xa3: {  	_ =	sdelay $0x1  }
0xa4: {  	[sflag:s25] =	ssyncset.done $0x0  }
0xa5: {  	[sflag:s25] =	ssyncadd.s32 $0xFFFFFFB0  }
0xa6: {  	_ =	sfence.sel $0x180000  }
0xa7: {  	[bflag:$0x0] =	sbarrier.arrive $0xFFFF  }
0xa8: {  	_ =	strace $0x9000004A  }
0xa9: {  	s0 =	stileid.u32;
	[bflag:$0x2] =	sbarrier.arrive $0xFFFF  }
0xaa: {  	p0 =	sne.s32 s0, $0x0;
	s0 =	rddreg [dreg:$0x4]  }
0xab: {  	s0 =	sadd.s32 @!p0 $0x100000, s0  }
0xac: {  	[sflag:s0] =	ssyncadd.tile.s32 @!p0 $0x1;
	_ =	shalt  }
.Lfunc_end2:
_tile_overlayer_lowered:
.L_overlay_start_2:
0xad: {  	(tag) =	ssettag $0x2  }
0xae: {  	s0 =	rddreg [dreg:$0x0];
	s2 =	stileid.u32  }
0xaf: {  	s1 =	rddreg [dreg:$0x1];
	p0 =	sne.s32 s2, $0x0  }
0xb0: {  	s3 =	rddreg [dreg:$0x2];
	[bflag:$0x3] =	sbarrier.arrive $0xFFFF;
	s2 =	simm.s32 @!p0 $0x1C05  }
0xb1: {  	[timem:s3], [sflag:s2] =	dma.local @!p0 [hbm:s0], s1  }
0xb2: {  	s0 =	simm.s32 @!p0 $0x5  }
0xb3: {  	_ =	swait.ge @!p0 [sflag:s0], s1  }
0xb4: {  	s1 =	ssub.s32 @!p0 $0x0, s1;
	[sflag:s0] =	ssyncset.done @!p0 $0x0  }
0xb5: {  	[sflag:s0] =	ssyncadd.s32 @!p0 s1  }
0xb6: {  	[bflag:$0x3] =	sbarrier.arrive $0xFFFF  }
0xb7: {  	_ =	shalt  }

// kernel: kernel.15.cloned.1.call-start
scs
__scs_entry_jumppad:
0x0: {  	(pc) =	sbr.rel $0x88, $3  }
0x1: {  	(tag) =	ssettag $0x0;
	lr =	simm.s32 $0x1  }
0x2: {  	[smem:$0x3F8F] =	sst lr;
	_ =	strace $0xD0000000  }
0x3: {  	_ = 	snop  }
0x4: {  	_ = 	snop  }
0x5: {  	_ = 	snop  }
0x6: {  	_ = 	snop  }
0x7: {  	_ = 	snop  }
__scs_overlays_trampoline_lowered:
0x8: {  	[smem:$0x3F9E] =	sst s0  }
0x9: {  	[smem:$0x3F9F] =	sst s1  }
0xa: {  	[smem:$0x3FA0] =	sst s2  }
0xb: {  	[smem:$0x3FA1] =	sst s3  }
0xc: {  	[smem:$0x3FA2] =	sst s4  }
0xd: {  	[smem:$0x3FA3] =	sst s5  }
0xe: {  	[smem:$0x3FA4] =	sst s6  }
0xf: {  	[smem:$0x3FA5] =	sst s7  }
0x10: {  	[smem:$0x3FA6] =	sst s8  }
0x11: {  	[smem:$0x3FA7] =	sst s9;
	s0 =	simm.s32 @!p0 $0x0  }
0x12: {  	s1 =	sld [smem:$0x3F8D];
	s0 =	simm.s32 @p0 $0x1  }
0x13: {  	[smem:$0x3FA8] =	sst s0;
	s0 =	simm.s32 @!p1 $0x0  }
0x14: {  	s2 =	sld [smem:$0x3F8C];
	s0 =	simm.s32 @p1 $0x1  }
0x15: {  	[smem:$0x3FA9] =	sst s0;
	s0 =	simm.s32 @!p2 $0x0  }
0x16: {  	s3 =	sld [smem:$0x3FDB];
	s0 =	simm.s32 @p2 $0x1  }
0x17: {  	s4 =	simm.s32 $0x1BF5;
	[smem:$0x3FAB] =	sst s0  }
0x18: {  	s0 =	sld [smem:$0x3F8E];
	_ =	swait.ge [sflag:s4], $0x0  }
0x19: {  	s7 =	sld [smem:$0x3F8F]  }
0x1a: {  	s8 =	sadd.s32 $0xFFFFE003, lr  }
0x1b: {  	s9 =	sadd.s32 $0xFFFFFEF7, lr;
	s5 =	simm.s32 $0xFFFFFFFF;
	p2 =	slt.u32 s8, $0xFFFFF086  }
0x1c: {  	p1 =	slt.u32 s9, $0xF7A;
	s5 =	simm.s32 @!p2 $0x0  }
0x1d: {  	s5 =	simm.s32 @p1 $0x1;
	p0 =	seq.s32 s7, s2  }
0x1e: {  	s7 =	smul.u32 @!p0 $0xF7A, s2;
	p2 =	seq.s32 @!p0 s5, $0x0  }
0x1f: {  	s9 =	smul.u32 $0xF7A, s1;
	s8 =	simm.s32 @!p0 $0x1BF5;
	p2 =	por !p2, p0  }
0x20: {  	[sflag:s8] =	ssyncset.s32 @!p0 $0xFFFFF086;
	s6 =	sadd.s32 @!p0 s3, s7;
	s7 =	simm.s32 @!p0 $0x108  }
0x21: {  	s3 =	sadd.s32 s3, s9;
	s6 =	sadd.s32 @!p0 $0x88, s6;
	s7 =	simm.s32 @p2 $0x1082  }
0x22: {  	[simem:s7], [sflag:s8] =	dma.local @!p0 [hbm:s6], $0xF7A  }
0x23: {  	s9 =	sor.u32 $0xD0000000, s2;
	s6 =	simm.s32 $0x108;
	_ =	swait.ge @!p0 [sflag:s8], $0x0  }
0x24: {  	s3 =	sadd.s32 $0x88, s3;
	s6 =	simm.s32 @!p1 $0x1082;
	[sflag:s4] =	ssyncset.s32 $0xFFFFF086  }
0x25: {  	[simem:s6], [sflag:s4] =	dma.local [hbm:s3], $0xF7A  }
0x26: {  	[smem:$0x3F8F] =	sst s1;
	(tag) =	ssettag s2;
	_ =	strace s9  }
0x27: {  	s1 =	sld [smem:$0x3F9F]  }
0x28: {  	s2 =	sld [smem:$0x3FA0]  }
0x29: {  	s4 =	sld [smem:$0x3FA2]  }
0x2a: {  	p0 =	seq.s32 s5, $0x0;
	s5 =	sld [smem:$0x3FA3]  }
0x2b: {  	s6 =	sld [smem:$0x3FA4]  }
0x2c: {  	s7 =	sld [smem:$0x3FA5]  }
0x2d: {  	s3 =	simm.s32 $0x108;
	s8 =	sld [smem:$0x3FA6]  }
0x2e: {  	s3 =	simm.s32 @!p0 $0x1082;
	s9 =	sld [smem:$0x3FA7]  }
0x2f: {  	lr =	sadd.s32 s0, s3;
	s0 =	sld [smem:$0x3F9E]  }
0x30: {  	s3 =	sld [smem:$0x3FA1]  }
0x31: {  	[smem:$0x3FAA] =	sst s10  }
0x32: {  	s10 =	sld [smem:$0x3FA8];
	_ =	sdelay $0x3  }
0x33: {  	p0 =	seq.s32 s10, $0x1;
	s10 =	sld [smem:$0x3FAA];
	_ =	sdelay $0x3  }
0x34: {  	[smem:$0x3FAA] =	sst s10  }
0x35: {  	s10 =	sld [smem:$0x3FA9];
	_ =	sdelay $0x3  }
0x36: {  	p1 =	seq.s32 s10, $0x1;
	s10 =	sld [smem:$0x3FAA];
	_ =	sdelay $0x3  }
0x37: {  	[smem:$0x3FAA] =	sst s10  }
0x38: {  	s10 =	sld [smem:$0x3FAB]  }
0x39: {  	_ = 	snop;
	(pc) =	sbr.ind lr, $3  }
0x3a: {  	_ = 	snop  }
0x3b: {  	_ = 	snop  }
0x3c: {  	p2 =	seq.s32 s10, $0x1;
	s10 =	sld [smem:$0x3FAA]  }
0x3d: {  	_ =	shalt  }
0x3e: {  	_ =	shalt  }
0x3f: {  	_ =	shalt  }
0x40: {  	_ =	shalt  }
0x41: {  	_ =	shalt  }
0x42: {  	_ =	shalt  }
0x43: {  	_ =	shalt  }
0x44: {  	_ =	shalt  }
0x45: {  	_ =	shalt  }
0x46: {  	_ =	shalt  }
0x47: {  	_ =	shalt  }
0x48: {  	_ =	shalt  }
0x49: {  	_ =	shalt  }
0x4a: {  	_ =	shalt  }
0x4b: {  	_ =	shalt  }
0x4c: {  	_ =	shalt  }
0x4d: {  	_ =	shalt  }
0x4e: {  	_ =	shalt  }
0x4f: {  	_ =	shalt  }
0x50: {  	_ =	shalt  }
0x51: {  	_ =	shalt  }
0x52: {  	_ =	shalt  }
0x53: {  	_ =	shalt  }
0x54: {  	_ =	shalt  }
0x55: {  	_ =	shalt  }
0x56: {  	_ =	shalt  }
0x57: {  	_ =	shalt  }
0x58: {  	_ =	shalt  }
0x59: {  	_ =	shalt  }
0x5a: {  	_ =	shalt  }
0x5b: {  	_ =	shalt  }
0x5c: {  	_ =	shalt  }
0x5d: {  	_ =	shalt  }
0x5e: {  	_ =	shalt  }
0x5f: {  	_ =	shalt  }
0x60: {  	_ =	shalt  }
0x61: {  	_ =	shalt  }
0x62: {  	_ =	shalt  }
0x63: {  	_ =	shalt  }
0x64: {  	_ =	shalt  }
0x65: {  	_ =	shalt  }
0x66: {  	_ =	shalt  }
0x67: {  	_ =	shalt  }
0x68: {  	_ =	shalt  }
0x69: {  	_ =	shalt  }
0x6a: {  	_ =	shalt  }
0x6b: {  	_ =	shalt  }
0x6c: {  	_ =	shalt  }
0x6d: {  	_ =	shalt  }
0x6e: {  	_ =	shalt  }
0x6f: {  	_ =	shalt  }
0x70: {  	_ =	shalt  }
0x71: {  	_ =	shalt  }
0x72: {  	_ =	shalt  }
0x73: {  	_ =	shalt  }
0x74: {  	_ =	shalt  }
0x75: {  	_ =	shalt  }
0x76: {  	_ =	shalt  }
0x77: {  	_ =	shalt  }
0x78: {  	_ =	shalt  }
0x79: {  	_ =	shalt  }
0x7a: {  	_ =	shalt  }
0x7b: {  	_ =	shalt  }
0x7c: {  	_ =	shalt  }
0x7d: {  	_ =	shalt  }
0x7e: {  	_ =	shalt  }
0x7f: {  	_ =	shalt  }
0x80: {  	_ =	shalt  }
0x81: {  	_ =	shalt  }
0x82: {  	_ =	shalt  }
0x83: {  	_ =	shalt  }
0x84: {  	_ =	shalt  }
0x85: {  	_ =	shalt  }
0x86: {  	_ =	shalt  }
0x87: {  	_ =	shalt  }
.Lfunc_end0:
.L_simem_size_0:
called_computation.2_lowered:
.L_overlay_start_0:
0x88: {  	s2 =	sld [smem:$0x3FD9]  }
0x89: {  	s3 =	sld [smem:$0x3FFE];
	_ =	sdelay $0x1  }
0x8a: {  	s1 =	srdreg.scid  }
0x8b: {  	s0 =	sand.u32 $0x1, s1  }
0x8c: {  	s14 =	sshll.u32 s0, $0xA;
	s2 =	sadd.s32 s3, s2  }
0x8d: {  	s2 =	sadd.s32 s2, s14  }
0x8e: {  	[smem:$0x3FB6] =	sst s2  }
0x8f: {  	_ = 	snop  }
0x90: {  	s2 =	sld [smem:$0x3FD0];
	_ =	sdelay $0x2  }
0x91: {  	s15 =	simm.s32 $0xA;
	s4 =	simm.s32 $0x10  }
0x92: {  	[smem:s4], [sflag:s15] =	dma.local [hbm:s2], $0x1  }
0x93: {  	_ =	swait.eq [sflag:s15], $0x1  }
0x94: {  	[sflag:s15] =	ssyncset.done $0x0  }
0x95: {  	[sflag:s15] =	ssyncadd.s32 $0xFFFFFFFF  }
0x96: {  	s16 =	sld [smem:$0x11];
	(tm) =	ssettm $0x1  }
0x97: {  	s17 =	sld [smem:$0x3FFB];
	_ =	sdelay $0x3  }
0x98: {  	_ =	strace s17  }
0x99: {  	s3 =	sld [smem:$0x3FFC];
	_ =	sdelay $0x3  }
0x9a: {  	_ =	strace s3  }
0x9b: {  	s3 =	sld [smem:$0x3FFD];
	_ =	sdelay $0x3  }
0x9c: {  	_ =	strace s3  }
0x9d: {  	_ =	strace $0x8FFFFFFF  }
0x9e: {  	s18 =	sld [smem:$0x3FDB];
	_ =	sdelay $0x1  }
0x9f: {  	s19 =	simm.s32 $_scs_section_size  }
0xa0: {  	s5 =	simm.s32 $_size__tile_overlayer_lowered;
	s6 =	simm.s32 $_tile_overlayer_lowered  }
0xa1: {  	s22 =	simm.s32 $0x1BFF;
	s21 =	sshll.u32 s6, $0x1;
	s3 =	sadd.s32 s19, s18  }
0xa2: {  	s7 =	simm.s32 $0x0;
	s20 =	sshll.u32 s5, $0x1;
	s5 =	sadd.s32 s21, s3  }
0xa3: {  	[timem:s7], [sflag:s22] =	dma.local [hbm:s5], s20  }
0xa4: {  	_ =	swait.ge [sflag:s22], s20  }
0xa5: {  	s4 =	ssub.s32 $0x0, s20;
	[sflag:s22] =	ssyncset.done $0x0  }
0xa6: {  	[sflag:s22] =	ssyncadd.s32 s4;
	_ =	sdelay $0x1  }
0xa7: {  	s23 =	simm.s32 $0x1B8B  }
0xa8: {  	_ =	swait.ge [sflag:s23], $0x1  }
0xa9: {  	[sflag:s23] =	ssyncset.done $0x0  }
0xaa: {  	s25 =	simm.s32 $0x1B8E;
	s24 =	sld [smem:$0x3FFE];
	[sflag:s23] =	ssyncadd.s32 $0xFFFFFFFF  }
0xab: {  	s26 =	simm.s32 $execute0_lowered;
	[smem:$0x3FD2] =	sst s25  }
0xac: {  	s5 =	sshll.u32 s26, $0x1;
	_ =	strace $0x8000004C;
	[dreg:$0x1] =	wrdreg $0xFFFFFFFF  }
0xad: {  	s28 =	simm.s32 $_size_execute0_lowered;
	s3 =	sadd.s32 s3, s5;
	[dreg:$0x0] =	wrdreg $0x0  }
0xae: {  	s5 =	sshll.u32 s28, $0x1;
	[dreg:$0x2] =	wrdreg s3  }
0xaf: {  	[dreg:$0x3] =	wrdreg s5  }
0xb0: {  	[dreg:$0x4] =	wrdreg $0xC0  }
0xb1: {  	_ =	task [dreg:s7], $0x5FFFF  }
0xb2: {  	[dreg:$0x1] =	wrdreg $0xFFFFFFFF  }
0xb3: {  	[dreg:$0x0] =	wrdreg $0x60  }
0xb4: {  	[dreg:$0x2] =	wrdreg s24  }
0xb5: {  	[dreg:$0x3] =	wrdreg s16  }
0xb6: {  	[dreg:$0x4] =	wrdreg $0x9  }
0xb7: {  	_ =	task.clear_ibuf [dreg:s7], $0x5FFFF;
	_ =	strace $0x9000004C  }
0xb8: {  	s29 =	simm.s32 $0x9;
	_ =	strace $0x8000004E  }
0xb9: {  	_ =	swait.ge [sflag:s29], $0x1  }
0xba: {  	[sflag:s29] =	ssyncadd.s32 $0xFFFFFFFF  }
0xbb: {  	_ =	strace $0x9000004E  }
0xbc: {  	_ =	sfence  }
0xbd: {  	s30 =	sld [smem:$0x0];
	_ =	sdelay $0x2  }
0xbe: {  	s31 =	sshll.u32 s1, $0xD;
	s1 =	sshrl.u32 s1, $0x2  }
0xbf: {  	s3 =	sand.u32 $0x4000, s31;
	s1 =	sadd.s32 s1, s30  }
0xc0: {  	s0 =	sor.u32 s3, s0;
	s1 =	sshll.u32 s1, $0x11  }
0xc1: {  	s0 =	sor.u32 s1, s0  }
0xc2: {  	s0 =	sadd.s32 $0x8F2B, s0  }
0xc3: {  	[sflag:s0] =	ssyncadd.remote.s32 $0x1  }
0xc4: {  	_ =	sfence.sel $0xFFFF  }
0xc5: {  	[dreg:$0x0] =	wrdreg $0xFFFFFFFF;
	(pc) =	sbr.abs _section_cstart, $3  }
0xc6: {  	[dreg:$0x1] =	wrdreg $0xFFFFFFFF  }
0xc7: {  	_ =	task.clear_ibuf [dreg:s7], $0x2FFFF;
	_ =	strace $0x9FFFFFFF  }
0xc8: {  	(tm) =	ssettm $0x7FFFFFFF  }
0xc9: {  	_ =	shalt  }
tec
execute0_lowered:
.L_overlay_start_1:
0x0: {  	(tag) =	ssettag $0x1  }
0x1: {  	s1 =	srdreg.scid;
	s4 =	rddreg [dreg:$0x0]  }
0x2: {  	s0 =	stileid.u32;
	s8 =	rddreg [dreg:$0x1]  }
0x3: {  	s2 =	simm.s32 $0x0;
	s13 =	simm.s32 $0x7780;
	s14 =	simm.s32 $0x7800  }
0x4: {  	s15 =	simm.s32 $0x0;
	s5 =	sand.u32 $0x1, s1;
	s1 =	rddreg [dreg:$0x2]  }
0x5: {  	s3 =	smul.u32 $0x4F00, s0;
	s26 =	sshll.u32 s0, $0x1;
	[smem:$0x7FF] =	sst s2  }
0x6: {  	s6 =	smul.u32 $0x2780, s5;
	s7 =	sor.u32 s5, s26;
	_ =	strace $0x8000004D  }
0x7: {  	s11 =	ssub.s32 $0x2, s5;
	s5 =	simm.s32 $0x33;
	s9 =	smul.u32 $0x2780, s7  }
0x8: {  	s12 =	sshrl.u32 s11, $0x1;
	p0 =	seq.s32 s7, $0x1F;
	s3 =	sadd.s32 s6, s3  }
0x9: {  	s31 =	ssub.s32 s11, s12;
	s5 =	simm.s32 @!p0 $0x4F;
	s11 =	simm.s32 $0x2800  }
0xa: {  	s12 =	simm.s32 $0x5000;
	s10 =	sshrl.u32 s3, $0x3;
	s28 =	sshrl.u32 s9, $0x3  }
0xb: {  	s3 =	sadd.s32 $0xC400, s4;
	s7 =	smax.u32 s31, $0x1;
	s29 =	sadd.s32 s10, s4  }
0xc: {  	s30 =	sadd.s32 s28, s4;
	s4 =	sadd.s32 $0xCA00, s4;
	s8 =	sadd.s32 s10, s8  }
0xd: {  	s10 =	simm.s32 $0x1;
	s6 =	sadd.s32 $0x4EE400, s30;
	s9 =	sadd.s32 $0x2600, s29  }
.LBB2_1:
0xe: {  	[tilespmem:s2], [sflag:$0x1] =	stream.linear.gather [hbm4b:s3+s2], $0x2800, $0x38;
	[tilespmem:$0x7880] =	vst v63  }
0xf: {  	_ =	swait.ge [sflag:s10], $0x2800  }
0x10: {  	[sflag:s10] =	ssyncset.done $0x0  }
0x11: {  	[sflag:s10] =	ssyncadd.s32 $0xFFFFD800  }
0x12: {  	[tilespmem:s11], [sflag:$0x1] =	stream.linear.gather [hbm4b:s4+s2], $0x2800, $0x38;
	[tilespmem:$0x7880] =	vst v63  }
0x13: {  	_ =	swait.ge [sflag:s10], $0x2800  }
0x14: {  	[sflag:s10] =	ssyncset.done $0x0  }
0x15: {  	s16 =	simm.s32 $0x0;
	[sflag:s10] =	ssyncadd.s32 $0xFFFFD800  }
0x16: {  	s17 =	simm.s32 $0x40;
	v0 =	vld [tilespmem:s16+$0x2800]  }
.LBB2_2:
0x17: {  	p0 =	sne.s32 s17, $0x9FC0;
	v1 =	vld [tilespmem:s16+$0x0];
	_ =	sdelay $0x4  }
.Ltmp0:
0x18: {  	v0 =	vadd.f32 v0, v1;
	(pc) =	sbr.rel @p0 .LBB2_2-.Ltmp0, $4  }
0x19: {  	_ = 	snop  }
0x1a: {  	v1 =	vadd.f32 $1.000000020e-16, v0  }
0x1b: {  	s18 =	sshra.s32 s17, $0x2  }
0x1c: {  	s17 =	sadd.s32 $0x40, s17;
	v0 =	vld [tilespmem:s18+$0x2800];
	[tilespmem:s16+$0x0] =	vst v1;
	s16 =	smov.u32 s18  }
0x1d: {  	v1 =	vld [tilespmem:s16+$0x0];
	_ =	sdelay $0x4  }
0x1e: {  	v0 =	vadd.f32 v0, v1;
	_ =	sdelay $0x1  }
0x1f: {  	v0 =	vadd.f32 $1.000000020e-16, v0;
	_ =	sdelay $0x1  }
0x20: {  	[tilespmem:s16+$0x0] =	vst v0  }
0x21: {  	[tilespmem:s12], [sflag:$0x1] =	stream.linear.gather [hbm4b:s6+s2], $0x2780, $0x38;
	[tilespmem:$0x7880] =	vst v63  }
0x22: {  	_ =	swait.ge [sflag:s10], $0x2780  }
0x23: {  	s17 =	smov.u32 s5;
	s18 =	smov.u32 s9;
	[sflag:s10] =	ssyncset.done $0x0  }
0x24: {  	s19 =	smov.u32 s8;
	s16 =	simm.s32 $0x5040;
	[sflag:s10] =	ssyncadd.s32 $0xFFFFD880  }
.LBB2_4:
0x25: {  	[tilespmem:s13], [sflag:$0x1] =	stream.linear.gather [hbm4b:s18+s2], $0x80, $0x38;
	[tilespmem:$0x7880] =	vst v63  }
0x26: {  	_ =	swait.ge [sflag:s10], $0x80  }
0x27: {  	[sflag:s10] =	ssyncset.done $0x0  }
0x28: {  	[sflag:s10] =	ssyncadd.s32 $0xFFFFFF80  }
0x29: {  	v0 =	vld [tilespmem:s16+$0xFFFFFFC0];
	_ =	sdelay $0x7  }
0x2a: {  	v0 =	vld.idx.msk [tilespmem:v0+s2+$0x0], $0xffff;
	_ =	sdelay $0x4  }
0x2b: {  	(erf) = vrcp.f32 v0;
	_ =	sdelay $0x4  }
0x2c: {  	v49 =	vld [tilespmem:$0x7780];
	_ =	sdelay $0x3  }
0x2d: {  	v1 =	vpop (erf)  }
0x2e: {  	v0 =	vmul.f32 v1, v49;
	_ =	sdelay $0x1  }
0x2f: {  	[tilespmem:$0x7800] =	vst v0  }
0x30: {  	v0 =	vld [tilespmem:s16+$0xFFFFFFD0];
	_ =	sdelay $0x7  }
0x31: {  	v0 =	vld.idx.msk [tilespmem:v0+s2+$0x0], $0xffff;
	_ =	sdelay $0x4  }
0x32: {  	(erf) = vrcp.f32 v0;
	_ =	sdelay $0x4  }
0x33: {  	v50 =	vld [tilespmem:$0x7790];
	_ =	sdelay $0x3  }
0x34: {  	v51 =	vpop (erf)  }
0x35: {  	v0 =	vmul.f32 v51, v50;
	_ =	sdelay $0x1  }
0x36: {  	[tilespmem:$0x7810] =	vst v0  }
0x37: {  	v0 =	vld [tilespmem:s16+$0xFFFFFFE0];
	_ =	sdelay $0x7  }
0x38: {  	v0 =	vld.idx.msk [tilespmem:v0+s2+$0x0], $0xffff;
	_ =	sdelay $0x4  }
0x39: {  	(erf) = vrcp.f32 v0;
	_ =	sdelay $0x4  }
0x3a: {  	v52 =	vld [tilespmem:$0x77A0];
	_ =	sdelay $0x3  }
0x3b: {  	v53 =	vpop (erf)  }
0x3c: {  	v0 =	vmul.f32 v53, v52;
	_ =	sdelay $0x1  }
0x3d: {  	[tilespmem:$0x7820] =	vst v0  }
0x3e: {  	v0 =	vld [tilespmem:s16+$0xFFFFFFF0];
	_ =	sdelay $0x7  }
0x3f: {  	v0 =	vld.idx.msk [tilespmem:v0+s2+$0x0], $0xffff;
	_ =	sdelay $0x4  }
0x40: {  	(erf) = vrcp.f32 v0;
	_ =	sdelay $0x4  }
0x41: {  	v54 =	vld [tilespmem:$0x77B0];
	_ =	sdelay $0x3  }
0x42: {  	v55 =	vpop (erf)  }
0x43: {  	v0 =	vmul.f32 v55, v54;
	_ =	sdelay $0x1  }
0x44: {  	[tilespmem:$0x7830] =	vst v0  }
0x45: {  	v0 =	vld [tilespmem:s16+$0x0];
	_ =	sdelay $0x7  }
0x46: {  	v0 =	vld.idx.msk [tilespmem:v0+s2+$0x0], $0xffff;
	_ =	sdelay $0x4  }
0x47: {  	(erf) = vrcp.f32 v0;
	_ =	sdelay $0x4  }
0x48: {  	v56 =	vld [tilespmem:$0x77C0];
	_ =	sdelay $0x3  }
0x49: {  	v57 =	vpop (erf)  }
0x4a: {  	v0 =	vmul.f32 v57, v56;
	_ =	sdelay $0x1  }
0x4b: {  	[tilespmem:$0x7840] =	vst v0  }
0x4c: {  	v0 =	vld [tilespmem:s16+$0x10];
	_ =	sdelay $0x7  }
0x4d: {  	v0 =	vld.idx.msk [tilespmem:v0+s2+$0x0], $0xffff;
	_ =	sdelay $0x4  }
0x4e: {  	(erf) = vrcp.f32 v0;
	_ =	sdelay $0x4  }
0x4f: {  	v58 =	vld [tilespmem:$0x77D0];
	_ =	sdelay $0x3  }
0x50: {  	v59 =	vpop (erf)  }
0x51: {  	v0 =	vmul.f32 v59, v58;
	_ =	sdelay $0x1  }
0x52: {  	[tilespmem:$0x7850] =	vst v0  }
0x53: {  	v0 =	vld [tilespmem:s16+$0x20];
	_ =	sdelay $0x7  }
0x54: {  	v0 =	vld.idx.msk [tilespmem:v0+s2+$0x0], $0xffff;
	_ =	sdelay $0x4  }
0x55: {  	(erf) = vrcp.f32 v0;
	_ =	sdelay $0x4  }
0x56: {  	v60 =	vld [tilespmem:$0x77E0];
	_ =	sdelay $0x3  }
0x57: {  	v61 =	vpop (erf)  }
0x58: {  	v0 =	vmul.f32 v61, v60;
	_ =	sdelay $0x1  }
0x59: {  	[tilespmem:$0x7860] =	vst v0  }
0x5a: {  	v0 =	vld [tilespmem:s16+$0x30];
	_ =	sdelay $0x7  }
0x5b: {  	v0 =	vld.idx.msk [tilespmem:v0+s2+$0x0], $0xffff;
	_ =	sdelay $0x4  }
0x5c: {  	(erf) = vrcp.f32 v0;
	_ =	sdelay $0x4  }
0x5d: {  	v62 =	vld [tilespmem:$0x77F0];
	_ =	sdelay $0x3  }
0x5e: {  	v63 =	vpop (erf)  }
0x5f: {  	v0 =	vmul.f32 v63, v62  }
0x60: {  	p0 =	sne.s32 s17, $0x1  }
.Ltmp1:
0x61: {  	[tilespmem:$0x7870] =	vst v0;
	(pc) =	sbr.rel @p0 .LBB2_4-.Ltmp1, $4  }
0x62: {  	[hbm4b:s19+s2] =	stream.linear.scatter [tilespmem:s14], [sflag:$0x1], $0x80, $0x38;
	[tilespmem:$0x7880] =	vst v63  }
0x63: {  	_ =	swait.ge [sflag:s10], $0x80  }
0x64: {  	s18 =	sadd.s32 $0x10, s18;
	s17 =	sadd.s32 $0xFFFFFFFF, s17;
	[sflag:s10] =	ssyncset.done $0x0  }
0x65: {  	s16 =	sadd.s32 $0x80, s16;
	s19 =	sadd.s32 $0x10, s19;
	[sflag:s10] =	ssyncadd.s32 $0xFFFFFF80  }
0x66: {  	s15 =	sadd.s32 $0x1, s15  }
0x67: {  	p0 =	sne.s32 s15, s7  }
.Ltmp2:
0x68: {  	_ = 	snop;
	(pc) =	sbr.rel @p0 .LBB2_1-.Ltmp2, $1  }
0x69: {  	_ =	sdelay $0x3  }
0x6a: {  	_ =	sfence.sel $0x180000  }
0x6b: {  	[bflag:$0x0] =	sbarrier.arrive $0xFFFF  }
0x6c: {  	p0 =	sne.s32 s0, $0x0;
	_ =	strace $0x9000004D  }
0x6d: {  	s0 =	sadd.s32 @!p0 $0x100000, s1;
	[bflag:$0x2] =	sbarrier.arrive $0xFFFF  }
0x6e: {  	[sflag:s0] =	ssyncadd.tile.s32 @!p0 $0x1;
	_ =	shalt  }
.Lfunc_end2:
_tile_overlayer_lowered:
.L_overlay_start_2:
0x6f: {  	(tag) =	ssettag $0x2  }
0x70: {  	s0 =	rddreg [dreg:$0x0];
	s2 =	stileid.u32  }
0x71: {  	s1 =	rddreg [dreg:$0x1];
	p0 =	sne.s32 s2, $0x0  }
0x72: {  	s3 =	rddreg [dreg:$0x2];
	[bflag:$0x3] =	sbarrier.arrive $0xFFFF;
	s2 =	simm.s32 @!p0 $0x1C01  }
0x73: {  	[timem:s3], [sflag:s2] =	dma.local @!p0 [hbm:s0], s1  }
0x74: {  	s0 =	simm.s32 @!p0 $0x1  }
0x75: {  	_ =	swait.ge @!p0 [sflag:s0], s1  }
0x76: {  	s1 =	ssub.s32 @!p0 $0x0, s1;
	[sflag:s0] =	ssyncset.done @!p0 $0x0  }
0x77: {  	[sflag:s0] =	ssyncadd.s32 @!p0 s1  }
0x78: {  	[bflag:$0x3] =	sbarrier.arrive $0xFFFF  }
0x79: {  	_ =	shalt  }

// kernel: kernel.9.cloned.1.call-start
scs
__scs_entry_jumppad:
0x0: {  	(pc) =	sbr.rel $0x88, $3  }
0x1: {  	(tag) =	ssettag $0x0;
	lr =	simm.s32 $0x1  }
0x2: {  	[smem:$0x3F8F] =	sst lr;
	_ =	strace $0xD0000000  }
0x3: {  	_ = 	snop  }
0x4: {  	_ = 	snop  }
0x5: {  	_ = 	snop  }
0x6: {  	_ = 	snop  }
0x7: {  	_ = 	snop  }
__scs_overlays_trampoline_lowered:
0x8: {  	[smem:$0x3F9E] =	sst s0  }
0x9: {  	[smem:$0x3F9F] =	sst s1  }
0xa: {  	[smem:$0x3FA0] =	sst s2  }
0xb: {  	[smem:$0x3FA1] =	sst s3  }
0xc: {  	[smem:$0x3FA2] =	sst s4  }
0xd: {  	[smem:$0x3FA3] =	sst s5  }
0xe: {  	[smem:$0x3FA4] =	sst s6  }
0xf: {  	[smem:$0x3FA5] =	sst s7  }
0x10: {  	[smem:$0x3FA6] =	sst s8  }
0x11: {  	[smem:$0x3FA7] =	sst s9;
	s0 =	simm.s32 @!p0 $0x0  }
0x12: {  	s1 =	sld [smem:$0x3F8D];
	s0 =	simm.s32 @p0 $0x1  }
0x13: {  	[smem:$0x3FA8] =	sst s0;
	s0 =	simm.s32 @!p1 $0x0  }
0x14: {  	s2 =	sld [smem:$0x3F8C];
	s0 =	simm.s32 @p1 $0x1  }
0x15: {  	[smem:$0x3FA9] =	sst s0;
	s0 =	simm.s32 @!p2 $0x0  }
0x16: {  	s3 =	sld [smem:$0x3FDB];
	s0 =	simm.s32 @p2 $0x1  }
0x17: {  	s4 =	simm.s32 $0x1BF5;
	[smem:$0x3FAB] =	sst s0  }
0x18: {  	s0 =	sld [smem:$0x3F8E];
	_ =	swait.ge [sflag:s4], $0x0  }
0x19: {  	s7 =	sld [smem:$0x3F8F]  }
0x1a: {  	s8 =	sadd.s32 $0xFFFFE003, lr  }
0x1b: {  	s9 =	sadd.s32 $0xFFFFFEF7, lr;
	s5 =	simm.s32 $0xFFFFFFFF;
	p2 =	slt.u32 s8, $0xFFFFF086  }
0x1c: {  	p1 =	slt.u32 s9, $0xF7A;
	s5 =	simm.s32 @!p2 $0x0  }
0x1d: {  	s5 =	simm.s32 @p1 $0x1;
	p0 =	seq.s32 s7, s2  }
0x1e: {  	s7 =	smul.u32 @!p0 $0xF7A, s2;
	p2 =	seq.s32 @!p0 s5, $0x0  }
0x1f: {  	s9 =	smul.u32 $0xF7A, s1;
	s8 =	simm.s32 @!p0 $0x1BF5;
	p2 =	por !p2, p0  }
0x20: {  	[sflag:s8] =	ssyncset.s32 @!p0 $0xFFFFF086;
	s6 =	sadd.s32 @!p0 s3, s7;
	s7 =	simm.s32 @!p0 $0x108  }
0x21: {  	s3 =	sadd.s32 s3, s9;
	s6 =	sadd.s32 @!p0 $0x88, s6;
	s7 =	simm.s32 @p2 $0x1082  }
0x22: {  	[simem:s7], [sflag:s8] =	dma.local @!p0 [hbm:s6], $0xF7A  }
0x23: {  	s9 =	sor.u32 $0xD0000000, s2;
	s6 =	simm.s32 $0x108;
	_ =	swait.ge @!p0 [sflag:s8], $0x0  }
0x24: {  	s3 =	sadd.s32 $0x88, s3;
	s6 =	simm.s32 @!p1 $0x1082;
	[sflag:s4] =	ssyncset.s32 $0xFFFFF086  }
0x25: {  	[simem:s6], [sflag:s4] =	dma.local [hbm:s3], $0xF7A  }
0x26: {  	[smem:$0x3F8F] =	sst s1;
	(tag) =	ssettag s2;
	_ =	strace s9  }
0x27: {  	s1 =	sld [smem:$0x3F9F]  }
0x28: {  	s2 =	sld [smem:$0x3FA0]  }
0x29: {  	s4 =	sld [smem:$0x3FA2]  }
0x2a: {  	p0 =	seq.s32 s5, $0x0;
	s5 =	sld [smem:$0x3FA3]  }
0x2b: {  	s6 =	sld [smem:$0x3FA4]  }
0x2c: {  	s7 =	sld [smem:$0x3FA5]  }
0x2d: {  	s3 =	simm.s32 $0x108;
	s8 =	sld [smem:$0x3FA6]  }
0x2e: {  	s3 =	simm.s32 @!p0 $0x1082;
	s9 =	sld [smem:$0x3FA7]  }
0x2f: {  	lr =	sadd.s32 s0, s3;
	s0 =	sld [smem:$0x3F9E]  }
0x30: {  	s3 =	sld [smem:$0x3FA1]  }
0x31: {  	[smem:$0x3FAA] =	sst s10  }
0x32: {  	s10 =	sld [smem:$0x3FA8];
	_ =	sdelay $0x3  }
0x33: {  	p0 =	seq.s32 s10, $0x1;
	s10 =	sld [smem:$0x3FAA];
	_ =	sdelay $0x3  }
0x34: {  	[smem:$0x3FAA] =	sst s10  }
0x35: {  	s10 =	sld [smem:$0x3FA9];
	_ =	sdelay $0x3  }
0x36: {  	p1 =	seq.s32 s10, $0x1;
	s10 =	sld [smem:$0x3FAA];
	_ =	sdelay $0x3  }
0x37: {  	[smem:$0x3FAA] =	sst s10  }
0x38: {  	s10 =	sld [smem:$0x3FAB]  }
0x39: {  	_ = 	snop;
	(pc) =	sbr.ind lr, $3  }
0x3a: {  	_ = 	snop  }
0x3b: {  	_ = 	snop  }
0x3c: {  	p2 =	seq.s32 s10, $0x1;
	s10 =	sld [smem:$0x3FAA]  }
0x3d: {  	_ =	shalt  }
0x3e: {  	_ =	shalt  }
0x3f: {  	_ =	shalt  }
0x40: {  	_ =	shalt  }
0x41: {  	_ =	shalt  }
0x42: {  	_ =	shalt  }
0x43: {  	_ =	shalt  }
0x44: {  	_ =	shalt  }
0x45: {  	_ =	shalt  }
0x46: {  	_ =	shalt  }
0x47: {  	_ =	shalt  }
0x48: {  	_ =	shalt  }
0x49: {  	_ =	shalt  }
0x4a: {  	_ =	shalt  }
0x4b: {  	_ =	shalt  }
0x4c: {  	_ =	shalt  }
0x4d: {  	_ =	shalt  }
0x4e: {  	_ =	shalt  }
0x4f: {  	_ =	shalt  }
0x50: {  	_ =	shalt  }
0x51: {  	_ =	shalt  }
0x52: {  	_ =	shalt  }
0x53: {  	_ =	shalt  }
0x54: {  	_ =	shalt  }
0x55: {  	_ =	shalt  }
0x56: {  	_ =	shalt  }
0x57: {  	_ =	shalt  }
0x58: {  	_ =	shalt  }
0x59: {  	_ =	shalt  }
0x5a: {  	_ =	shalt  }
0x5b: {  	_ =	shalt  }
0x5c: {  	_ =	shalt  }
0x5d: {  	_ =	shalt  }
0x5e: {  	_ =	shalt  }
0x5f: {  	_ =	shalt  }
0x60: {  	_ =	shalt  }
0x61: {  	_ =	shalt  }
0x62: {  	_ =	shalt  }
0x63: {  	_ =	shalt  }
0x64: {  	_ =	shalt  }
0x65: {  	_ =	shalt  }
0x66: {  	_ =	shalt  }
0x67: {  	_ =	shalt  }
0x68: {  	_ =	shalt  }
0x69: {  	_ =	shalt  }
0x6a: {  	_ =	shalt  }
0x6b: {  	_ =	shalt  }
0x6c: {  	_ =	shalt  }
0x6d: {  	_ =	shalt  }
0x6e: {  	_ =	shalt  }
0x6f: {  	_ =	shalt  }
0x70: {  	_ =	shalt  }
0x71: {  	_ =	shalt  }
0x72: {  	_ =	shalt  }
0x73: {  	_ =	shalt  }
0x74: {  	_ =	shalt  }
0x75: {  	_ =	shalt  }
0x76: {  	_ =	shalt  }
0x77: {  	_ =	shalt  }
0x78: {  	_ =	shalt  }
0x79: {  	_ =	shalt  }
0x7a: {  	_ =	shalt  }
0x7b: {  	_ =	shalt  }
0x7c: {  	_ =	shalt  }
0x7d: {  	_ =	shalt  }
0x7e: {  	_ =	shalt  }
0x7f: {  	_ =	shalt  }
0x80: {  	_ =	shalt  }
0x81: {  	_ =	shalt  }
0x82: {  	_ =	shalt  }
0x83: {  	_ =	shalt  }
0x84: {  	_ =	shalt  }
0x85: {  	_ =	shalt  }
0x86: {  	_ =	shalt  }
0x87: {  	_ =	shalt  }
.Lfunc_end0:
.L_simem_size_0:
called_computation_lowered:
.L_overlay_start_0:
0x88: {  	s2 =	sld [smem:$0x3FD9]  }
0x89: {  	s3 =	sld [smem:$0x3FFE];
	_ =	sdelay $0x1  }
0x8a: {  	s1 =	srdreg.scid  }
0x8b: {  	s0 =	sand.u32 $0x1, s1  }
0x8c: {  	s14 =	sshll.u32 s0, $0xA;
	s2 =	sadd.s32 s3, s2  }
0x8d: {  	s2 =	sadd.s32 s2, s14  }
0x8e: {  	[smem:$0x3FB6] =	sst s2  }
0x8f: {  	_ = 	snop  }
0x90: {  	s2 =	sld [smem:$0x3FD0];
	_ =	sdelay $0x2  }
0x91: {  	s15 =	simm.s32 $0xA;
	s4 =	simm.s32 $0x10  }
0x92: {  	[smem:s4], [sflag:s15] =	dma.local [hbm:s2], $0x1  }
0x93: {  	_ =	swait.eq [sflag:s15], $0x1  }
0x94: {  	[sflag:s15] =	ssyncset.done $0x0  }
0x95: {  	[sflag:s15] =	ssyncadd.s32 $0xFFFFFFFF  }
0x96: {  	s16 =	sld [smem:$0x10];
	(tm) =	ssettm $0x1  }
0x97: {  	s17 =	sld [smem:$0x3FFB];
	_ =	sdelay $0x3  }
0x98: {  	_ =	strace s17  }
0x99: {  	s3 =	sld [smem:$0x3FFC];
	_ =	sdelay $0x3  }
0x9a: {  	_ =	strace s3  }
0x9b: {  	s3 =	sld [smem:$0x3FFD];
	_ =	sdelay $0x3  }
0x9c: {  	_ =	strace s3  }
0x9d: {  	_ =	strace $0x8FFFFFFF  }
0x9e: {  	s18 =	sld [smem:$0x3FDB];
	_ =	sdelay $0x1  }
0x9f: {  	s19 =	simm.s32 $_scs_section_size  }
0xa0: {  	s5 =	simm.s32 $_size__tile_overlayer_lowered;
	s6 =	simm.s32 $_tile_overlayer_lowered  }
0xa1: {  	s22 =	simm.s32 $0x1BFF;
	s21 =	sshll.u32 s6, $0x1;
	s3 =	sadd.s32 s19, s18  }
0xa2: {  	s7 =	simm.s32 $0x0;
	s20 =	sshll.u32 s5, $0x1;
	s5 =	sadd.s32 s21, s3  }
0xa3: {  	[timem:s7], [sflag:s22] =	dma.local [hbm:s5], s20  }
0xa4: {  	_ =	swait.ge [sflag:s22], s20  }
0xa5: {  	s4 =	ssub.s32 $0x0, s20;
	[sflag:s22] =	ssyncset.done $0x0  }
0xa6: {  	[sflag:s22] =	ssyncadd.s32 s4;
	_ =	sdelay $0x1  }
0xa7: {  	s23 =	simm.s32 $0x1B8B  }
0xa8: {  	_ =	swait.ge [sflag:s23], $0x1  }
0xa9: {  	[sflag:s23] =	ssyncset.done $0x0  }
0xaa: {  	s25 =	simm.s32 $0x1B8E;
	s24 =	sld [smem:$0x3FFE];
	[sflag:s23] =	ssyncadd.s32 $0xFFFFFFFF  }
0xab: {  	s26 =	simm.s32 $execute0_lowered;
	[smem:$0x3FD2] =	sst s25  }
0xac: {  	s5 =	sshll.u32 s26, $0x1;
	_ =	strace $0x80000046;
	[dreg:$0x1] =	wrdreg $0xFFFFFFFF  }
0xad: {  	s28 =	simm.s32 $_size_execute0_lowered;
	s3 =	sadd.s32 s3, s5;
	[dreg:$0x0] =	wrdreg $0x0  }
0xae: {  	s5 =	sshll.u32 s28, $0x1;
	[dreg:$0x2] =	wrdreg s3  }
0xaf: {  	[dreg:$0x3] =	wrdreg s5  }
0xb0: {  	[dreg:$0x4] =	wrdreg $0xC0  }
0xb1: {  	_ =	task [dreg:s7], $0x5FFFF  }
0xb2: {  	[dreg:$0x1] =	wrdreg $0xFFFFFFFF  }
0xb3: {  	[dreg:$0x0] =	wrdreg $0x60  }
0xb4: {  	[dreg:$0x2] =	wrdreg s16  }
0xb5: {  	[dreg:$0x3] =	wrdreg s24  }
0xb6: {  	[dreg:$0x4] =	wrdreg $0x9  }
0xb7: {  	_ =	task.clear_ibuf [dreg:s7], $0x5FFFF;
	_ =	strace $0x90000046  }
0xb8: {  	s29 =	simm.s32 $0x9;
	_ =	strace $0x80000048  }
0xb9: {  	_ =	swait.ge [sflag:s29], $0x1  }
0xba: {  	[sflag:s29] =	ssyncadd.s32 $0xFFFFFFFF  }
0xbb: {  	_ =	strace $0x90000048  }
0xbc: {  	_ =	sfence  }
0xbd: {  	s30 =	sld [smem:$0x0];
	_ =	sdelay $0x2  }
0xbe: {  	s31 =	sshll.u32 s1, $0xD;
	s1 =	sshrl.u32 s1, $0x2  }
0xbf: {  	s3 =	sand.u32 $0x4000, s31;
	s1 =	sadd.s32 s1, s30  }
0xc0: {  	s0 =	sor.u32 s3, s0;
	s1 =	sshll.u32 s1, $0x11  }
0xc1: {  	s0 =	sor.u32 s1, s0  }
0xc2: {  	s0 =	sadd.s32 $0x8F2B, s0  }
0xc3: {  	[sflag:s0] =	ssyncadd.remote.s32 $0x1  }
0xc4: {  	_ =	sfence.sel $0xFFFF  }
0xc5: {  	[dreg:$0x0] =	wrdreg $0xFFFFFFFF;
	(pc) =	sbr.abs _section_cstart, $3  }
0xc6: {  	[dreg:$0x1] =	wrdreg $0xFFFFFFFF  }
0xc7: {  	_ =	task.clear_ibuf [dreg:s7], $0x2FFFF;
	_ =	strace $0x9FFFFFFF  }
0xc8: {  	(tm) =	ssettm $0x7FFFFFFF  }
0xc9: {  	_ =	shalt  }
tec
execute0_lowered:
.L_overlay_start_1:
0x0: {  	(tag) =	ssettag $0x1  }
0x1: {  	s1 =	srdreg.scid  }
0x2: {  	s0 =	stileid.u32;
	s2 =	rddreg [dreg:$0x0]  }
0x3: {  	s5 =	rddreg [dreg:$0x1];
	s3 =	simm.s32 $0x0;
	s16 =	simm.s32 $0x2780  }
0x4: {  	s17 =	simm.s32 $0x6780;
	s19 =	simm.s32 $0xA780;
	s20 =	simm.s32 $0xE780  }
0x5: {  	s21 =	simm.s32 $0x1;
	s22 =	simm.s32 $0x2;
	s23 =	simm.s32 $0x3  }
0x6: {  	s9 =	sand.u32 $0x1, s1;
	s26 =	sshll.u32 s0, $0x1;
	s13 =	smul.u32 $0x278000, s0  }
0x7: {  	s24 =	simm.s32 $0x4;
	s14 =	smul.u32 $0x4F000, s0;
	s6 =	sor.u32 s9, s26  }
0x8: {  	s25 =	simm.s32 $0x0;
	[smem:$0x7FF] =	sst s3;
	s8 =	smul.u32 $0x2780, s6  }
0x9: {  	_ =	strace $0x80000047;
	s10 =	ssub.s32 $0x2, s9;
	s31 =	smul.u32 $0x27800, s9  }
0xa: {  	s15 =	smul.u32 $0x13C000, s9;
	p0 =	seq.s32 s6, $0x1F;
	s4 =	sshrl.u32 s8, $0x3  }
0xb: {  	s11 =	sshrl.u32 s10, $0x1;
	s7 =	sadd.s32 s4, s5;
	s4 =	simm.s32 $0x33  }
0xc: {  	s12 =	smul.u32 $0x13C000, s6;
	s11 =	ssub.s32 s10, s11;
	s4 =	simm.s32 @!p0 $0x4F  }
0xd: {  	s11 =	smax.u32 s11, $0x1;
	s5 =	sadd.s32 $0xC400, s5;
	s28 =	sadd.s32 $0xFFFFFFFD, s4  }
0xe: {  	s6 =	sadd.s32 $0x2600, s7;
	s14 =	sadd.s32 s14, s5;
	s10 =	sshll.u32 s28, $0xE  }
0xf: {  	s29 =	sshll.u32 s4, $0x7;
	s14 =	sadd.s32 s31, s14;
	s10 =	sadd.s32 s12, s10  }
0x10: {  	s7 =	sshrl.u32 s28, $0x2;
	s12 =	sadd.s32 s29, s8;
	s10 =	sshrl.u32 s10, $0x3  }
0x11: {  	s30 =	sshll.u32 s12, $0x4;
	s12 =	sadd.s32 s15, s13;
	s13 =	sadd.s32 $0x1000, s14  }
0x12: {  	s14 =	simm.s32 $0x5;
	s8 =	sadd.s32 s5, s10;
	s10 =	sadd.s32 s5, s30  }
0x13: {  	s15 =	simm.s32 $0x80;
	s9 =	sadd.s32 $0xFFFFF000, s10;
	s10 =	sadd.s32 $0xFFFFF800, s10  }
.LBB2_1:
0x14: {  	[tilespmem:s3], [sflag:$0x5] =	stream.linear.gather [hbm4b:s6+s3], $0x2780, $0x38;
	[tilespmem:$0x12780] =	vst v63  }
0x15: {  	_ =	swait.ge [sflag:s14], $0x2780  }
0x16: {  	[sflag:s14] =	ssyncset.done $0x0  }
0x17: {  	[sflag:s14] =	ssyncadd.s32 $0xFFFFD880  }
0x18: {  	[tilespmem:s16], [sflag:$0x1] =	stream.indirect.gather [hbm4b:s2+s15], $0x80, s3, s15, $0xb8;
	[tilespmem:$0x12780] =	vst v63  }
0x19: {  	_ = 	snop  }
0x1a: {  	[tilespmem:s17], [sflag:$0x2] =	stream.indirect.gather [hbm4b:s2+s15], $0x80, s15, s15, $0xb8;
	[tilespmem:$0x12780] =	vst v63  }
0x1b: {  	s0 =	simm.s32 $0x100  }
0x1c: {  	[tilespmem:s19], [sflag:$0x3] =	stream.indirect.gather [hbm4b:s2+s15], $0x80, s0, s15, $0xb8;
	[tilespmem:$0x12780] =	vst v63  }
0x1d: {  	s26 =	simm.s32 $0x180  }
0x1e: {  	[tilespmem:s20], [sflag:$0x4] =	stream.indirect.gather [hbm4b:s2+s15], $0x80, s26, s15, $0xb8;
	[tilespmem:$0x12780] =	vst v63  }
0x1f: {  	_ =	swait.ge [sflag:s21], $0x4000  }
0x20: {  	s1 =	sshrl.u32 s12, $0x3;
	[sflag:s21] =	ssyncset.done $0x0  }
0x21: {  	s26 =	sadd.s32 s5, s1;
	[sflag:s21] =	ssyncadd.s32 $0xFFFFC000  }
0x22: {  	[hbm4b:s26+s3] =	stream.linear.scatter [tilespmem:s16], [sflag:$0x5], $0x4000, $0x38;
	[tilespmem:$0x12780] =	vst v63  }
0x23: {  	p0 =	sle.u32 s4, $0x4;
	_ =	swait.ge [sflag:s14], $0x4000  }
0x24: {  	s28 =	simm.s32 @!p0 $0x80;
	[sflag:s14] =	ssyncset.done $0x0  }
0x25: {  	s29 =	simm.s32 @!p0 $0x2780;
	s26 =	simm.s32 @!p0 $0x200;
	[sflag:s14] =	ssyncadd.s32 $0xFFFFC000  }
0x26: {  	[tilespmem:s29], [sflag:$0x1] =	stream.indirect.gather @!p0 [hbm4b:s2+s28], $0x80, s26, s28, $0xb8;
	[tilespmem:$0x12780] =	vst v63  }
0x27: {  	_ =	swait.ge [sflag:s22], $0x4000  }
0x28: {  	[sflag:s22] =	ssyncset.done $0x0  }
0x29: {  	s18 =	sadd.s32 $0xFFFFF800, s13;
	[sflag:s22] =	ssyncadd.s32 $0xFFFFC000  }
0x2a: {  	[hbm4b:s18+s3] =	stream.linear.scatter [tilespmem:s17], [sflag:$0x5], $0x4000, $0x38;
	[tilespmem:$0x12780] =	vst v63  }
0x2b: {  	p0 =	sle.u32 s4, $0x5;
	_ =	swait.ge [sflag:s14], $0x4000  }
0x2c: {  	s26 =	simm.s32 @!p0 $0x280;
	[sflag:s14] =	ssyncset.done $0x0  }
0x2d: {  	s28 =	simm.s32 @!p0 $0x6780;
	s29 =	simm.s32 @!p0 $0x80;
	[sflag:s14] =	ssyncadd.s32 $0xFFFFC000  }
0x2e: {  	[tilespmem:s28], [sflag:$0x2] =	stream.indirect.gather @!p0 [hbm4b:s2+s29], $0x80, s26, s29, $0xb8;
	[tilespmem:$0x12780] =	vst v63  }
0x2f: {  	_ =	swait.ge [sflag:s23], $0x4000  }
0x30: {  	[sflag:s23] =	ssyncset.done $0x0  }
0x31: {  	[sflag:s23] =	ssyncadd.s32 $0xFFFFC000  }
0x32: {  	[hbm4b:s13+s3] =	stream.linear.scatter [tilespmem:s19], [sflag:$0x5], $0x4000, $0x38;
	[tilespmem:$0x12780] =	vst v63  }
0x33: {  	p0 =	sle.u32 s4, $0x6;
	_ =	swait.ge [sflag:s14], $0x4000  }
0x34: {  	s26 =	simm.s32 @!p0 $0x300;
	[sflag:s14] =	ssyncset.done $0x0  }
0x35: {  	s28 =	simm.s32 @!p0 $0xA780;
	s29 =	simm.s32 @!p0 $0x80;
	[sflag:s14] =	ssyncadd.s32 $0xFFFFC000  }
0x36: {  	[tilespmem:s28], [sflag:$0x3] =	stream.indirect.gather @!p0 [hbm4b:s2+s29], $0x80, s26, s29, $0xb8;
	[tilespmem:$0x12780] =	vst v63  }
0x37: {  	s26 =	sadd.s32 $0xFFFFFFFF, s7  }
0x38: {  	p0 =	sne.s32 s26, $0x0  }
.Ltmp0:
0x39: {  	_ =	swait.ge [sflag:s24], $0x4000;
	(pc) =	sbr.rel @!p0 .LBB2_3-.Ltmp0, $4  }
0x3a: {  	s30 =	simm.s32 $0x380;
	[sflag:s24] =	ssyncset.done $0x0  }
0x3b: {  	s31 =	smov.u32 s12;
	s28 =	sadd.s32 $0x800, s13;
	[sflag:s24] =	ssyncadd.s32 $0xFFFFC000  }
0x3c: {  	[hbm4b:s28+s3] =	stream.linear.scatter [tilespmem:s20], [sflag:$0x5], $0x4000, $0x38;
	[tilespmem:$0x12780] =	vst v63  }
0x3d: {  	s29 =	sadd.s32 $0x2000, s13;
	s28 =	simm.s32 $0x8;
	_ =	swait.ge [sflag:s14], $0x4000  }
.LBB2_2:
0x3e: {  	s26 =	sadd.s32 $0xFFFFFFFF, s26;
	[sflag:s14] =	ssyncset.done $0x0;
	s31 =	sadd.s32 $0x10000, s31  }
0x3f: {  	p0 =	sne.s32 s26, $0x0;
	[sflag:s14] =	ssyncadd.s32 $0xFFFFC000  }
0x40: {  	[tilespmem:s20], [sflag:$0x4] =	stream.indirect.gather [hbm4b:s2+s15], $0x80, s30, s15, $0xb8;
	[tilespmem:$0x12780] =	vst v63  }
0x41: {  	s1 =	sshrl.u32 s31, $0x3;
	_ =	swait.ge [sflag:s21], $0x4000  }
0x42: {  	s1 =	sadd.s32 s5, s1;
	[sflag:s21] =	ssyncset.done $0x0  }
0x43: {  	[sflag:s21] =	ssyncadd.s32 $0xFFFFC000  }
0x44: {  	[hbm4b:s1+s3] =	stream.linear.scatter [tilespmem:s16], [sflag:$0x5], $0x4000, $0x38;
	[tilespmem:$0x12780] =	vst v63  }
0x45: {  	p1 =	sge.u32 s28, s4;
	_ =	swait.ge [sflag:s14], $0x4000  }
0x46: {  	s0 =	simm.s32 @!p1 $0x80;
	s1 =	sadd.s32 @!p1 $0x80, s30;
	[sflag:s14] =	ssyncset.done $0x0  }
0x47: {  	s18 =	simm.s32 @!p1 $0x2780;
	[sflag:s14] =	ssyncadd.s32 $0xFFFFC000  }
0x48: {  	[tilespmem:s18], [sflag:$0x1] =	stream.indirect.gather @!p1 [hbm4b:s2+s0], $0x80, s1, s0, $0xb8;
	[tilespmem:$0x12780] =	vst v63  }
0x49: {  	_ =	swait.ge [sflag:s22], $0x4000  }
0x4a: {  	s0 =	sadd.s32 $0xFFFFF800, s29;
	[sflag:s22] =	ssyncset.done $0x0  }
0x4b: {  	s1 =	sadd.s32 $0x1, s28;
	[sflag:s22] =	ssyncadd.s32 $0xFFFFC000  }
0x4c: {  	[hbm4b:s0+s3] =	stream.linear.scatter [tilespmem:s17], [sflag:$0x5], $0x4000, $0x38;
	[tilespmem:$0x12780] =	vst v63  }
0x4d: {  	p1 =	sge.u32 s1, s4;
	_ =	swait.ge [sflag:s14], $0x4000  }
0x4e: {  	s1 =	simm.s32 @!p1 $0x6780;
	s0 =	sadd.s32 @!p1 $0x100, s30;
	[sflag:s14] =	ssyncset.done $0x0  }
0x4f: {  	s18 =	simm.s32 @!p1 $0x80;
	[sflag:s14] =	ssyncadd.s32 $0xFFFFC000  }
0x50: {  	[tilespmem:s1], [sflag:$0x2] =	stream.indirect.gather @!p1 [hbm4b:s2+s18], $0x80, s0, s18, $0xb8;
	[tilespmem:$0x12780] =	vst v63  }
0x51: {  	_ =	swait.ge [sflag:s23], $0x4000  }
0x52: {  	[sflag:s23] =	ssyncset.done $0x0  }
0x53: {  	s0 =	sadd.s32 $0x2, s28;
	[sflag:s23] =	ssyncadd.s32 $0xFFFFC000  }
0x54: {  	[hbm4b:s29+s3] =	stream.linear.scatter [tilespmem:s19], [sflag:$0x5], $0x4000, $0x38;
	[tilespmem:$0x12780] =	vst v63  }
0x55: {  	p1 =	sge.u32 s0, s4;
	_ =	swait.ge [sflag:s14], $0x4000  }
0x56: {  	s0 =	sadd.s32 @!p1 $0x180, s30;
	s1 =	simm.s32 @!p1 $0xA780;
	[sflag:s14] =	ssyncset.done $0x0  }
0x57: {  	s18 =	simm.s32 @!p1 $0x80;
	[sflag:s14] =	ssyncadd.s32 $0xFFFFC000  }
0x58: {  	[tilespmem:s1], [sflag:$0x3] =	stream.indirect.gather @!p1 [hbm4b:s2+s18], $0x80, s0, s18, $0xb8;
	[tilespmem:$0x12780] =	vst v63  }
.Ltmp1:
0x59: {  	_ =	swait.ge [sflag:s24], $0x4000;
	(pc) =	sbr.rel @p0 .LBB2_2-.Ltmp1, $4  }
0x5a: {  	s0 =	sadd.s32 $0x800, s29;
	[sflag:s24] =	ssyncset.done $0x0  }
0x5b: {  	s28 =	sadd.s32 $0x4, s28;
	[sflag:s24] =	ssyncadd.s32 $0xFFFFC000  }
0x5c: {  	[hbm4b:s0+s3] =	stream.linear.scatter [tilespmem:s20], [sflag:$0x5], $0x4000, $0x38;
	[tilespmem:$0x12780] =	vst v63  }
0x5d: {  	s30 =	sadd.s32 $0x200, s30;
	s29 =	sadd.s32 $0x2000, s29;
	_ =	swait.ge [sflag:s14], $0x4000  }
.LBB2_3:
0x5e: {  	[sflag:s14] =	ssyncset.done $0x0  }
0x5f: {  	[sflag:s14] =	ssyncadd.s32 $0xFFFFC000  }
0x60: {  	_ =	swait.ge [sflag:s21], $0x4000  }
0x61: {  	[sflag:s21] =	ssyncset.done $0x0  }
0x62: {  	[sflag:s21] =	ssyncadd.s32 $0xFFFFC000  }
0x63: {  	[hbm4b:s8+s3] =	stream.linear.scatter [tilespmem:s16], [sflag:$0x5], $0x4000, $0x38;
	[tilespmem:$0x12780] =	vst v63  }
0x64: {  	_ =	swait.ge [sflag:s14], $0x4000  }
0x65: {  	[sflag:s14] =	ssyncset.done $0x0  }
0x66: {  	[sflag:s14] =	ssyncadd.s32 $0xFFFFC000  }
0x67: {  	_ =	swait.ge [sflag:s22], $0x4000  }
0x68: {  	[sflag:s22] =	ssyncset.done $0x0  }
0x69: {  	[sflag:s22] =	ssyncadd.s32 $0xFFFFC000  }
0x6a: {  	[hbm4b:s9+s3] =	stream.linear.scatter [tilespmem:s17], [sflag:$0x5], $0x4000, $0x38;
	[tilespmem:$0x12780] =	vst v63  }
0x6b: {  	_ =	swait.ge [sflag:s14], $0x4000  }
0x6c: {  	[sflag:s14] =	ssyncset.done $0x0  }
0x6d: {  	[sflag:s14] =	ssyncadd.s32 $0xFFFFC000  }
0x6e: {  	s25 =	sadd.s32 $0x1, s25;
	_ =	swait.ge [sflag:s23], $0x4000  }
0x6f: {  	p0 =	sne.s32 s25, s11;
	[sflag:s23] =	ssyncset.done $0x0  }
.Ltmp2:
0x70: {  	[sflag:s23] =	ssyncadd.s32 $0xFFFFC000;
	(pc) =	sbr.rel @p0 .LBB2_1-.Ltmp2, $4  }
0x71: {  	[hbm4b:s10+s3] =	stream.linear.scatter [tilespmem:s19], [sflag:$0x5], $0x4000, $0x38;
	[tilespmem:$0x12780] =	vst v63  }
0x72: {  	_ =	swait.ge [sflag:s14], $0x4000  }
0x73: {  	[sflag:s14] =	ssyncset.done $0x0  }
0x74: {  	[sflag:s14] =	ssyncadd.s32 $0xFFFFC000  }
0x75: {  	_ =	sfence.sel $0x180000  }
0x76: {  	[bflag:$0x0] =	sbarrier.arrive $0xFFFF  }
0x77: {  	_ =	strace $0x90000047  }
0x78: {  	s0 =	stileid.u32;
	[bflag:$0x2] =	sbarrier.arrive $0xFFFF  }
0x79: {  	p0 =	sne.s32 s0, $0x0;
	s0 =	rddreg [dreg:$0x2]  }
0x7a: {  	s0 =	sadd.s32 @!p0 $0x100000, s0  }
0x7b: {  	[sflag:s0] =	ssyncadd.tile.s32 @!p0 $0x1;
	_ =	shalt  }
.Lfunc_end2:
_tile_overlayer_lowered:
.L_overlay_start_2:
0x7c: {  	(tag) =	ssettag $0x2  }
0x7d: {  	s0 =	rddreg [dreg:$0x0];
	s2 =	stileid.u32  }
0x7e: {  	s1 =	rddreg [dreg:$0x1];
	p0 =	sne.s32 s2, $0x0  }
0x7f: {  	s3 =	rddreg [dreg:$0x2];
	[bflag:$0x3] =	sbarrier.arrive $0xFFFF;
	s2 =	simm.s32 @!p0 $0x1C05  }
0x80: {  	[timem:s3], [sflag:s2] =	dma.local @!p0 [hbm:s0], s1  }
0x81: {  	s0 =	simm.s32 @!p0 $0x5  }
0x82: {  	_ =	swait.ge @!p0 [sflag:s0], s1  }
0x83: {  	s1 =	ssub.s32 @!p0 $0x0, s1;
	[sflag:s0] =	ssyncset.done @!p0 $0x0  }
0x84: {  	[sflag:s0] =	ssyncadd.s32 @!p0 s1  }
0x85: {  	[bflag:$0x3] =	sbarrier.arrive $0xFFFF  }
0x86: {  	_ =	shalt  }

</sc_bundles>
